<compile_context>
chip_gen: v7x
topology: tpu7x:2x2x1
jax: 0.10.2.dev20260603
libtpu: 0.0.44.dev20260713+nightly
codegen_flags: <defaults>
</compile_context>

<pallas_src>
import functools

import jax
import jax.numpy as jnp
from jax import lax
from jax.experimental import pallas as pl
from jax.experimental.pallas import tpu as pltpu
from jax.experimental.pallas import tpu_sc as plsc

N_NODES = 10000
NNZ = 320000
CH = 128
HC = CH // 2
NC, NS, LANES = 2, 16, 16
NP = 10240
CHUNK = 128
NCH_LO = 156
NCH_HI = 160
ROWS_PER_TILE = NP // NS


@functools.lru_cache(maxsize=None)
def _mesh():
    return plsc.VectorSubcoreMesh(core_axis_name="c", subcore_axis_name="s",
                                  num_cores=NC, num_subcores=NS)


def _seg_body(with_hist, gdim, sdim, idx2, tab0, tab1, *refs):
    if with_hist:
        (hr_out, hc_out, p0_out, p1_out, zbuf, z640, ones,
         gall, sall, r0, r1, r2, r3, hist_sp, acc_sp,
         g0, g1, g2, g3, s0, s1, s2, s3) = refs
    else:
        (p0_out, p1_out, zbuf, gall, sall, r0, r1, r2, r3, acc_sp,
         g0, g1, g2, g3, s0, s1, s2, s3) = refs
    rows = (r0, r1, r2, r3)
    sem_g = (g0, g1, g2, g3)
    sem_s = (s0, s1, s2, s3)

    c = lax.axis_index("c")
    s = lax.axis_index("s")
    base = s * ROWS_PER_TILE
    nch = jnp.where(s == 0, NCH_HI, NCH_LO)
    cbase = NCH_LO * s + (NCH_HI - NCH_LO) * jnp.minimum(s, 1)
    ext = (NCH_HI - NCH_LO) * CHUNK

    pltpu.async_copy(idx2.at[gdim, pl.ds(cbase * CHUNK, NCH_LO * CHUNK)],
                     gall.at[pl.ds(0, NCH_LO * CHUNK)], sem_g[0])
    pltpu.async_copy(idx2.at[sdim, pl.ds(cbase * CHUNK, NCH_LO * CHUNK)],
                     sall.at[pl.ds(0, NCH_LO * CHUNK)], sem_g[1])
    @pl.when(s == 0)
    def _():
        pltpu.async_copy(idx2.at[gdim, pl.ds(NCH_LO * CHUNK, ext)],
                         gall.at[pl.ds(NCH_LO * CHUNK, ext)], sem_g[2])
        pltpu.async_copy(idx2.at[sdim, pl.ds(NCH_LO * CHUNK, ext)],
                         sall.at[pl.ds(NCH_LO * CHUNK, ext)], sem_g[3])

    zeros16 = jnp.zeros((LANES,), jnp.float32)
    def zrow(i, _):
        for j in range(HC // LANES):
            zbuf[i, pl.ds(j * LANES, LANES)] = zeros16
        return 0
    lax.fori_loop(0, CHUNK, zrow, 0)
    if with_hist:
        ones16 = jnp.full((LANES,), 1.0, jnp.float32)
        for j in range(CHUNK // LANES):
            ones[pl.ds(j * LANES, LANES)] = ones16
        for j in range(ROWS_PER_TILE // LANES):
            z640[pl.ds(j * LANES, LANES)] = zeros16

    for k in range(ROWS_PER_TILE // CHUNK):
        pltpu.sync_copy(zbuf, acc_sp.at[pl.ds(base + k * CHUNK, CHUNK)])
    if with_hist:
        pltpu.sync_copy(z640, hist_sp.at[pl.ds(base, ROWS_PER_TILE)])

    pltpu.make_async_copy(idx2.at[gdim, pl.ds(0, NCH_LO * CHUNK)],
                          gall.at[pl.ds(0, NCH_LO * CHUNK)], sem_g[0]).wait()
    pltpu.make_async_copy(idx2.at[sdim, pl.ds(0, NCH_LO * CHUNK)],
                          sall.at[pl.ds(0, NCH_LO * CHUNK)], sem_g[1]).wait()
    @pl.when(s == 0)
    def _():
        pltpu.make_async_copy(idx2.at[gdim, pl.ds(0, ext)],
                              gall.at[pl.ds(0, ext)], sem_g[2]).wait()
        pltpu.make_async_copy(idx2.at[sdim, pl.ds(0, ext)],
                              sall.at[pl.ds(0, ext)], sem_g[3]).wait()
    plsc.subcore_barrier()

    def gather(t, u):
        idxsl = gall.at[pl.ds(t * CHUNK, CHUNK)]
        @pl.when(c == 0)
        def _():
            pltpu.async_copy(tab0.at[idxsl], rows[u], sem_g[u])
        @pl.when(c == 1)
        def _():
            pltpu.async_copy(tab1.at[idxsl], rows[u], sem_g[u])

    def scat(t, u):
        pltpu.make_async_copy(tab0.at[pl.ds(0, CHUNK)],
                              rows[u], sem_g[u]).wait()
        pltpu.async_copy(rows[u], acc_sp.at[sall.at[pl.ds(t * CHUNK, CHUNK)]],
                         sem_s[u], add=True)
        if with_hist:
            @pl.when(c == 0)
            def _():
                pltpu.async_copy(ones,
                                 hist_sp.at[gall.at[pl.ds(t * CHUNK, CHUNK)]],
                                 sem_s[u], add=True)
            @pl.when(c == 1)
            def _():
                pltpu.async_copy(ones,
                                 hist_sp.at[sall.at[pl.ds(t * CHUNK, CHUNK)]],
                                 sem_s[u], add=True)

    def drain_scat(u):
        pltpu.make_async_copy(rows[u], acc_sp.at[pl.ds(0, CHUNK)],
                              sem_s[u]).wait()
        if with_hist:
            pltpu.make_async_copy(ones, hist_sp.at[pl.ds(0, CHUNK)],
                                  sem_s[u]).wait()

    gather(0, 0)
    gather(1, 1)
    def quad(j, _):
        for u in range(4):
            t = 4 * j + u
            @pl.when(t >= 2)
            def _(u=u):
                drain_scat((u + 2) % 4)
            @pl.when(t + 2 < nch)
            def _(t=t, u=u):
                gather(t + 2, (u + 2) % 4)
            scat(t, u)
        return 0
    lax.fori_loop(0, nch // 4, quad, 0)
    drain_scat(2)
    drain_scat(3)
    plsc.subcore_barrier()

    sl = pl.ds(base, ROWS_PER_TILE)
    @pl.when(c == 0)
    def _():
        pltpu.sync_copy(acc_sp.at[sl], p0_out.at[sl])
        if with_hist:
            pltpu.sync_copy(hist_sp.at[sl], hr_out.at[sl])
    @pl.when(c == 1)
    def _():
        pltpu.sync_copy(acc_sp.at[sl], p1_out.at[sl])
        if with_hist:
            pltpu.sync_copy(hist_sp.at[sl], hc_out.at[sl])


def _sc_pass_a_body(idx2, tab0, tab1, hr, hc, p0, p1, *scratch):
    _seg_body(True, 0, 1, idx2, tab0, tab1, hr, hc, p0, p1, *scratch)


def _sc_pass_b_body(idx2, tab0, tab1, p0, p1, *scratch):
    _seg_body(False, 1, 0, idx2, tab0, tab1, p0, p1, *scratch)


_SEG_SCRATCH_TAIL = (
    pltpu.VMEM((NCH_HI * CHUNK,), jnp.int32),
    pltpu.VMEM((NCH_HI * CHUNK,), jnp.int32),
    pltpu.VMEM((CHUNK, HC), jnp.float32),
    pltpu.VMEM((CHUNK, HC), jnp.float32),
    pltpu.VMEM((CHUNK, HC), jnp.float32),
    pltpu.VMEM((CHUNK, HC), jnp.float32),
)
_SEG_SEMS = (pltpu.SemaphoreType.DMA,) * 8


@functools.lru_cache(maxsize=None)
def _sc_pass_a():
    return pl.kernel(
        _sc_pass_a_body,
        out_type=(jax.ShapeDtypeStruct((NP,), jnp.float32),
                  jax.ShapeDtypeStruct((NP,), jnp.float32),
                  jax.ShapeDtypeStruct((NP, HC), jnp.float32),
                  jax.ShapeDtypeStruct((NP, HC), jnp.float32)),
        mesh=_mesh(),
        compiler_params=pltpu.CompilerParams(use_tc_tiling_on_sc=False),
        scratch_types=(
            pltpu.VMEM((CHUNK, HC), jnp.float32),
            pltpu.VMEM((ROWS_PER_TILE,), jnp.float32),
            pltpu.VMEM((CHUNK,), jnp.float32),
        ) + _SEG_SCRATCH_TAIL + (
            pltpu.VMEM_SHARED((NP,), jnp.float32),
            pltpu.VMEM_SHARED((NP, HC), jnp.float32),
        ) + _SEG_SEMS,
    )


@functools.lru_cache(maxsize=None)
def _sc_pass_b():
    return pl.kernel(
        _sc_pass_b_body,
        out_type=(jax.ShapeDtypeStruct((NP, HC), jnp.float32),
                  jax.ShapeDtypeStruct((NP, HC), jnp.float32)),
        mesh=_mesh(),
        compiler_params=pltpu.CompilerParams(use_tc_tiling_on_sc=False),
        scratch_types=(
            pltpu.VMEM((CHUNK, HC), jnp.float32),
        ) + _SEG_SCRATCH_TAIL + (
            pltpu.VMEM_SHARED((NP, HC), jnp.float32),
        ) + _SEG_SEMS,
    )


_BLK = 1024


def _combine_body(h_ref, p0_ref, p1_ref, e0_ref, e1_ref):
    b = h_ref[...]
    scale = jnp.where(b > 0, 1.0 / b, 0.0)
    e0_ref[...] = scale * p0_ref[...]
    e1_ref[...] = scale * p1_ref[...]


_combine = pl.pallas_call(
    _combine_body,
    grid=(NP // _BLK,),
    in_specs=[
        pl.BlockSpec((_BLK, 1), lambda i: (i, 0)),
        pl.BlockSpec((_BLK, HC), lambda i: (i, 0)),
        pl.BlockSpec((_BLK, HC), lambda i: (i, 0)),
    ],
    out_specs=[
        pl.BlockSpec((_BLK, HC), lambda i: (i, 0)),
        pl.BlockSpec((_BLK, HC), lambda i: (i, 0)),
    ],
    out_shape=(jax.ShapeDtypeStruct((NP, HC), jnp.float32),
               jax.ShapeDtypeStruct((NP, HC), jnp.float32)),
)


def _final_body(h_ref, q0_ref, q1_ref, w_ref, b_ref, o_ref):
    d = h_ref[...]
    scale = jnp.where(d > 0, 1.0 / d, 0.0)
    y = jnp.concatenate([scale * q0_ref[...], scale * q1_ref[...]], axis=1)
    o_ref[...] = lax.dot_general(
        y, w_ref[...], (((1,), (1,)), ((), ())),
        preferred_element_type=jnp.float32) + b_ref[...]


_final = pl.pallas_call(
    _final_body,
    grid=(NP // _BLK,),
    in_specs=[
        pl.BlockSpec((_BLK, 1), lambda i: (i, 0)),
        pl.BlockSpec((_BLK, HC), lambda i: (i, 0)),
        pl.BlockSpec((_BLK, HC), lambda i: (i, 0)),
        pl.BlockSpec((CH, CH), lambda i: (0, 0)),
        pl.BlockSpec((1, CH), lambda i: (0, 0)),
    ],
    out_specs=pl.BlockSpec((_BLK, CH), lambda i: (i, 0)),
    out_shape=jax.ShapeDtypeStruct((NP, CH), jnp.float32),
)


def kernel(x, hyperedge_index, W, bias):
    x0 = x[:, :HC]
    x1 = x[:, HC:]
    hr, hc, p0, p1 = _sc_pass_a()(hyperedge_index, x0, x1)
    e0, e1 = _combine(hc.reshape(NP, 1), p0, p1)
    q0, q1 = _sc_pass_b()(hyperedge_index, e0, e1)
    out_pad = _final(hr.reshape(NP, 1), q0, q1, W, bias.reshape(1, CH))
    return out_pad[:N_NODES]

# --- scband reference (transcript-rebuilt; emitter-appended) ---
"""Pipeline reference for scband-hgatlayer-39307540693803 (READ-ONLY COPY).

The authoritative reference and input builder live on the scoring server;
editing this copy changes nothing except your own understanding.
"""

import jax, jax.numpy as jnp
import numpy as np

NUM_NODES = 10000
NUM_HYPEREDGES = 10000
NNZ = 320000
IN_CH = 128
OUT_CH = 128


def setup_inputs(seed: int = 0) -> dict:
    key = jax.random.key(seed)
    k1, k2, k3, k4 = jax.random.split(key, 4)
    x = jax.random.normal(k1, (NUM_NODES, IN_CH), dtype=jnp.float32)
    hyperedge_index = jax.random.randint(k2, (2, NNZ), 0, NUM_HYPEREDGES, dtype=jnp.int32)
    # Linear (PyG HypergraphConv lin has bias=False); torch Linear weight is [out, in]
    W = jax.random.normal(k3, (OUT_CH, IN_CH), dtype=jnp.float32) * (1.0 / np.sqrt(IN_CH))
    bias = jax.random.normal(k4, (OUT_CH,), dtype=jnp.float32) * 0.01
    return {"x": x, "hyperedge_index": hyperedge_index, "W": W, "bias": bias}


def reference(x, hyperedge_index, W, bias):
    # Faithful translation of torch_geometric.nn.HypergraphConv (heads=1, no attention):
    # out = D^{-1} H W_e B^{-1} H^T (X Theta) + bias, with hyperedge_weight = 1.
    row = hyperedge_index[0]  # node indices
    col = hyperedge_index[1]  # hyperedge indices
    num_nodes = x.shape[0]
    num_edges = NUM_HYPEREDGES

    hyperedge_weight = jnp.ones((num_edges,), dtype=x.dtype)

    xl = x @ W.T  # self.lin(x)

    # Node degree D (weighted by hyperedge_weight), then D^{-1} with inf -> 0
    D = jax.ops.segment_sum(hyperedge_weight[col], row, num_segments=num_nodes)
    D_inv = jnp.where(D > 0, 1.0 / D, 0.0)

    # Hyperedge degree B, then B^{-1} with inf -> 0
    B = jax.ops.segment_sum(jnp.ones((col.shape[0],), dtype=x.dtype), col, num_segments=num_edges)
    B_inv = jnp.where(B > 0, 1.0 / B, 0.0)

    # First propagate: node -> hyperedge, message = B_inv[e] * xl[i]
    e_feat = jax.ops.segment_sum(B_inv[col][:, None] * xl[row], col, num_segments=num_edges)

    # Second propagate (flipped index): hyperedge -> node, message = D_inv[i] * e_feat[e]
    n_feat = jax.ops.segment_sum(D_inv[row][:, None] * e_feat[col], row, num_segments=num_nodes)

    return n_feat + bias

if __name__ == "__main__":
    import jax
    _d = setup_inputs()
    print(jax.jit(kernel)(*tuple(_d.values())))

</pallas_src>

<mosaic_0001>
#map = affine_map<(d0, d1) -> (0, 0)>
#map1 = affine_map<(d0, d1) -> (0)>
module attributes {stable_mosaic.version = 14 : i64} {
  func.func @_sc_pass_a_body(%arg0: i32, %arg1: i32, %arg2: memref<2x320000xi32, #tpu.memory_space<hbm>>, %arg3: memref<10000x64xf32, #tpu.memory_space<hbm>>, %arg4: memref<10000x64xf32, #tpu.memory_space<hbm>>, %arg5: memref<10240xf32, #tpu.memory_space<hbm>>, %arg6: memref<10240xf32, #tpu.memory_space<hbm>>, %arg7: memref<10240x64xf32, #tpu.memory_space<hbm>>, %arg8: memref<10240x64xf32, #tpu.memory_space<hbm>>, %arg9: memref<128x64xf32, #tpu.memory_space<vmem>>, %arg10: memref<640xf32, #tpu.memory_space<vmem>>, %arg11: memref<128xf32, #tpu.memory_space<vmem>>, %arg12: memref<20480xi32, #tpu.memory_space<vmem>>, %arg13: memref<20480xi32, #tpu.memory_space<vmem>>, %arg14: memref<128x64xf32, #tpu.memory_space<vmem>>, %arg15: memref<128x64xf32, #tpu.memory_space<vmem>>, %arg16: memref<128x64xf32, #tpu.memory_space<vmem>>, %arg17: memref<128x64xf32, #tpu.memory_space<vmem>>, %arg18: memref<10240xf32, #tpu.memory_space<vmem_shared>>, %arg19: memref<10240x64xf32, #tpu.memory_space<vmem_shared>>, %arg20: memref<!tpu.dma_semaphore, #tpu.memory_space<semaphore_mem>>, %arg21: memref<!tpu.dma_semaphore, #tpu.memory_space<semaphore_mem>>, %arg22: memref<!tpu.dma_semaphore, #tpu.memory_space<semaphore_mem>>, %arg23: memref<!tpu.dma_semaphore, #tpu.memory_space<semaphore_mem>>, %arg24: memref<!tpu.dma_semaphore, #tpu.memory_space<semaphore_mem>>, %arg25: memref<!tpu.dma_semaphore, #tpu.memory_space<semaphore_mem>>, %arg26: memref<!tpu.dma_semaphore, #tpu.memory_space<semaphore_mem>>, %arg27: memref<!tpu.dma_semaphore, #tpu.memory_space<semaphore_mem>>) attributes {dimension_semantics = [#tpu.dimension_semantics<core_parallel>, #tpu.dimension_semantics<subcore_parallel>], iteration_bounds = array<i64: 2, 16>, scalar_prefetch = 0 : i64, scratch_operands = 19 : i64, tpu.core_type = #tpu.core_type<sc_vector_subcore>, window_params = [{transform_indices = #map}, {transform_indices = #map}, {transform_indices = #map}, {transform_indices = #map1}, {transform_indices = #map1}, {transform_indices = #map}, {transform_indices = #map}]} {
    %mul3A = arith.constant 640 : i32
    %mul3A_0 = arith.muli %arg1, %mul3A : i32
    %eq3A = arith.constant 0 : i32
    %eq3A_1 = arith.cmpi eq, %arg1, %eq3A : i32
    %jit3A = arith.constant 160 : i32
    %jit3A_2 = arith.constant 156 : i32
    %select_n3A = arith.select %eq3A_1, %jit3A, %jit3A_2 : i32
    %mul3A_3 = arith.constant 156 : i32
    %mul3A_4 = arith.muli %mul3A_3, %arg1 : i32
    %min3A = arith.constant 1 : i32
    %min3A_5 = arith.minsi %arg1, %min3A : i32
    %mul3A_6 = arith.constant 4 : i32
    %mul3A_7 = arith.muli %mul3A_6, %min3A_5 : i32
    %add3A = arith.addi %mul3A_4, %mul3A_7 : i32
    %mul3A_8 = arith.constant 128 : i32
    %mul3A_9 = arith.muli %add3A, %mul3A_8 : i32
    %dma_start3A = arith.constant 0 : i32
    %dma_start3A_10 = arith.constant 0 : i32
    %dma_start3A_11 = tpu.memref_slice %arg12[%dma_start3A_10] : memref<20480xi32, #tpu.memory_space<vmem>> -> memref<19968xi32, #tpu.memory_space<vmem>>
    %dma_start3A_12 = tpu.memref_slice %arg2[%dma_start3A, %mul3A_9] : memref<2x320000xi32, #tpu.memory_space<hbm>> -> memref<1x19968xi32, #tpu.memory_space<hbm>>
    %dma_start3A_13 = tpu.memref_squeeze %dma_start3A_12 : memref<1x19968xi32, #tpu.memory_space<hbm>> -> memref<19968xi32, #tpu.memory_space<hbm>>
    %dma_start3A_14 = arith.constant 0 : i32
    %dma_start3A_15 = tpu.memref_slice %arg12[%dma_start3A_14] : memref<20480xi32, #tpu.memory_space<vmem>> -> memref<19968xi32, #tpu.memory_space<vmem>>
    %dma_start3A_16 = tpu.memref_slice %arg2[%dma_start3A, %mul3A_9] : memref<2x320000xi32, #tpu.memory_space<hbm>> -> memref<1x19968xi32, #tpu.memory_space<hbm>>
    %dma_start3A_17 = tpu.memref_squeeze %dma_start3A_16 : memref<1x19968xi32, #tpu.memory_space<hbm>> -> memref<19968xi32, #tpu.memory_space<hbm>>
    tpu.enqueue_dma source(%dma_start3A_17 : memref<19968xi32, #tpu.memory_space<hbm>>) target(%dma_start3A_15 : memref<19968xi32, #tpu.memory_space<vmem>>) target_semaphore(%arg20 : memref<!tpu.dma_semaphore, #tpu.memory_space<semaphore_mem>>)
    %mul3A_18 = arith.constant 128 : i32
    %mul3A_19 = arith.muli %add3A, %mul3A_18 : i32
    %dma_start3A_20 = arith.constant 1 : i32
    %dma_start3A_21 = arith.constant 0 : i32
    %dma_start3A_22 = tpu.memref_slice %arg13[%dma_start3A_21] : memref<20480xi32, #tpu.memory_space<vmem>> -> memref<19968xi32, #tpu.memory_space<vmem>>
    %dma_start3A_23 = tpu.memref_slice %arg2[%dma_start3A_20, %mul3A_19] : memref<2x320000xi32, #tpu.memory_space<hbm>> -> memref<1x19968xi32, #tpu.memory_space<hbm>>
    %dma_start3A_24 = tpu.memref_squeeze %dma_start3A_23 : memref<1x19968xi32, #tpu.memory_space<hbm>> -> memref<19968xi32, #tpu.memory_space<hbm>>
    %dma_start3A_25 = arith.constant 0 : i32
    %dma_start3A_26 = tpu.memref_slice %arg13[%dma_start3A_25] : memref<20480xi32, #tpu.memory_space<vmem>> -> memref<19968xi32, #tpu.memory_space<vmem>>
    %dma_start3A_27 = tpu.memref_slice %arg2[%dma_start3A_20, %mul3A_19] : memref<2x320000xi32, #tpu.memory_space<hbm>> -> memref<1x19968xi32, #tpu.memory_space<hbm>>
    %dma_start3A_28 = tpu.memref_squeeze %dma_start3A_27 : memref<1x19968xi32, #tpu.memory_space<hbm>> -> memref<19968xi32, #tpu.memory_space<hbm>>
    tpu.enqueue_dma source(%dma_start3A_28 : memref<19968xi32, #tpu.memory_space<hbm>>) target(%dma_start3A_26 : memref<19968xi32, #tpu.memory_space<vmem>>) target_semaphore(%arg21 : memref<!tpu.dma_semaphore, #tpu.memory_space<semaphore_mem>>)
    %eq3A_29 = arith.constant 0 : i32
    %eq3A_30 = arith.cmpi eq, %arg1, %eq3A_29 : i32
    %convert_element_type3A = arith.extui %eq3A_30 : i1 to i32
    %cond3A = arith.constant 0 : i32
    %cond3A_31 = arith.cmpi ne, %convert_element_type3A, %cond3A : i32
    scf.if %cond3A_31 {
      %dma_start3A_348 = arith.constant 0 : i32
      %dma_start3A_349 = arith.constant 19968 : i32
      %dma_start3A_350 = tpu.memref_slice %arg12[%dma_start3A_349] : memref<20480xi32, #tpu.memory_space<vmem>> -> memref<512xi32, #tpu.memory_space<vmem>>
      %dma_start3A_351 = arith.constant 19968 : i32
      %dma_start3A_352 = tpu.memref_slice %arg2[%dma_start3A_348, %dma_start3A_351] : memref<2x320000xi32, #tpu.memory_space<hbm>> -> memref<1x512xi32, #tpu.memory_space<hbm>>
      %dma_start3A_353 = tpu.memref_squeeze %dma_start3A_352 : memref<1x512xi32, #tpu.memory_space<hbm>> -> memref<512xi32, #tpu.memory_space<hbm>>
      %dma_start3A_354 = arith.constant 19968 : i32
      %dma_start3A_355 = tpu.memref_slice %arg12[%dma_start3A_354] : memref<20480xi32, #tpu.memory_space<vmem>> -> memref<512xi32, #tpu.memory_space<vmem>>
      %dma_start3A_356 = arith.constant 19968 : i32
      %dma_start3A_357 = tpu.memref_slice %arg2[%dma_start3A_348, %dma_start3A_356] : memref<2x320000xi32, #tpu.memory_space<hbm>> -> memref<1x512xi32, #tpu.memory_space<hbm>>
      %dma_start3A_358 = tpu.memref_squeeze %dma_start3A_357 : memref<1x512xi32, #tpu.memory_space<hbm>> -> memref<512xi32, #tpu.memory_space<hbm>>
      tpu.enqueue_dma source(%dma_start3A_358 : memref<512xi32, #tpu.memory_space<hbm>>) target(%dma_start3A_355 : memref<512xi32, #tpu.memory_space<vmem>>) target_semaphore(%arg22 : memref<!tpu.dma_semaphore, #tpu.memory_space<semaphore_mem>>)
      %dma_start3A_359 = arith.constant 1 : i32
      %dma_start3A_360 = arith.constant 19968 : i32
      %dma_start3A_361 = tpu.memref_slice %arg13[%dma_start3A_360] : memref<20480xi32, #tpu.memory_space<vmem>> -> memref<512xi32, #tpu.memory_space<vmem>>
      %dma_start3A_362 = arith.constant 19968 : i32
      %dma_start3A_363 = tpu.memref_slice %arg2[%dma_start3A_359, %dma_start3A_362] : memref<2x320000xi32, #tpu.memory_space<hbm>> -> memref<1x512xi32, #tpu.memory_space<hbm>>
      %dma_start3A_364 = tpu.memref_squeeze %dma_start3A_363 : memref<1x512xi32, #tpu.memory_space<hbm>> -> memref<512xi32, #tpu.memory_space<hbm>>
      %dma_start3A_365 = arith.constant 19968 : i32
      %dma_start3A_366 = tpu.memref_slice %arg13[%dma_start3A_365] : memref<20480xi32, #tpu.memory_space<vmem>> -> memref<512xi32, #tpu.memory_space<vmem>>
      %dma_start3A_367 = arith.constant 19968 : i32
      %dma_start3A_368 = tpu.memref_slice %arg2[%dma_start3A_359, %dma_start3A_367] : memref<2x320000xi32, #tpu.memory_space<hbm>> -> memref<1x512xi32, #tpu.memory_space<hbm>>
      %dma_start3A_369 = tpu.memref_squeeze %dma_start3A_368 : memref<1x512xi32, #tpu.memory_space<hbm>> -> memref<512xi32, #tpu.memory_space<hbm>>
      tpu.enqueue_dma source(%dma_start3A_369 : memref<512xi32, #tpu.memory_space<hbm>>) target(%dma_start3A_366 : memref<512xi32, #tpu.memory_space<vmem>>) target_semaphore(%arg23 : memref<!tpu.dma_semaphore, #tpu.memory_space<semaphore_mem>>)
    } else {
    }
    %broadcast_in_dim3A = arith.constant 0.000000e+00 : f32
    %broadcast_in_dim3A_32 = vector.broadcast %broadcast_in_dim3A : f32 to vector<16xf32>
    %scan3A = arith.constant 0 : i32
    %scan3A_33 = arith.constant 0 : i32
    %scan3A_34 = arith.constant 128 : i32
    %scan3A_35 = arith.addi %scan3A_33, %scan3A_34 : i32
    %scan3A_36 = arith.constant 1 : i32
    %scan3A_37 = scf.for %scan3A_348 = %scan3A_33 to %scan3A_35 step %scan3A_36 iter_args(%scan3A_349 = %scan3A) -> (i32)  : i32 {
      %swap3A_350 = arith.index_cast %scan3A_348 : i32 to index
      %swap3A_351 = arith.constant 0 : index
      %swap3A_352 = tpu.vector_load %arg9[%swap3A_350, %swap3A_351] {strides = array<i32>} : memref<128x64xf32, #tpu.memory_space<vmem>>, vector<1x16xf32>,
      %swap3A_353 = vector.shape_cast %swap3A_352 : vector<1x16xf32> to vector<16xf32>
      %swap3A_354 = vector.shape_cast %broadcast_in_dim3A_32 : vector<16xf32> to vector<1x16xf32>
      tpu.vector_store %arg9[%swap3A_350, %swap3A_351], %swap3A_354 {strides = array<i32>} : memref<128x64xf32, #tpu.memory_space<vmem>>, vector<1x16xf32>,
      %swap3A_355 = arith.index_cast %scan3A_348 : i32 to index
      %swap3A_356 = arith.constant 16 : index
      %swap3A_357 = tpu.vector_load %arg9[%swap3A_355, %swap3A_356] {strides = array<i32>} : memref<128x64xf32, #tpu.memory_space<vmem>>, vector<1x16xf32>,
      %swap3A_358 = vector.shape_cast %swap3A_357 : vector<1x16xf32> to vector<16xf32>
      %swap3A_359 = vector.shape_cast %broadcast_in_dim3A_32 : vector<16xf32> to vector<1x16xf32>
      tpu.vector_store %arg9[%swap3A_355, %swap3A_356], %swap3A_359 {strides = array<i32>} : memref<128x64xf32, #tpu.memory_space<vmem>>, vector<1x16xf32>,
      %swap3A_360 = arith.index_cast %scan3A_348 : i32 to index
      %swap3A_361 = arith.constant 32 : index
      %swap3A_362 = tpu.vector_load %arg9[%swap3A_360, %swap3A_361] {strides = array<i32>} : memref<128x64xf32, #tpu.memory_space<vmem>>, vector<1x16xf32>,
      %swap3A_363 = vector.shape_cast %swap3A_362 : vector<1x16xf32> to vector<16xf32>
      %swap3A_364 = vector.shape_cast %broadcast_in_dim3A_32 : vector<16xf32> to vector<1x16xf32>
      tpu.vector_store %arg9[%swap3A_360, %swap3A_361], %swap3A_364 {strides = array<i32>} : memref<128x64xf32, #tpu.memory_space<vmem>>, vector<1x16xf32>,
      %swap3A_365 = arith.index_cast %scan3A_348 : i32 to index
      %swap3A_366 = arith.constant 48 : index
      %swap3A_367 = tpu.vector_load %arg9[%swap3A_365, %swap3A_366] {strides = array<i32>} : memref<128x64xf32, #tpu.memory_space<vmem>>, vector<1x16xf32>,
      %swap3A_368 = vector.shape_cast %swap3A_367 : vector<1x16xf32> to vector<16xf32>
      %swap3A_369 = vector.shape_cast %broadcast_in_dim3A_32 : vector<16xf32> to vector<1x16xf32>
      tpu.vector_store %arg9[%swap3A_365, %swap3A_366], %swap3A_369 {strides = array<i32>} : memref<128x64xf32, #tpu.memory_space<vmem>>, vector<1x16xf32>,
      %scan3A_370 = arith.constant 0 : i32
      scf.yield %scan3A_370 : i32
    }
    %scan3A_38 = arith.constant 128 : i32
    %broadcast_in_dim3A_39 = arith.constant 1.000000e+00 : f32
    %broadcast_in_dim3A_40 = vector.broadcast %broadcast_in_dim3A_39 : f32 to vector<16xf32>
    %swap3A = arith.constant 0 : index
    %swap3A_41 = tpu.vector_load %arg11[%swap3A] {strides = array<i32>} : memref<128xf32, #tpu.memory_space<vmem>>, vector<16xf32>,
    %swap3A_42 = vector.shape_cast %swap3A_41 : vector<16xf32> to vector<16xf32>
    %swap3A_43 = vector.shape_cast %broadcast_in_dim3A_40 : vector<16xf32> to vector<16xf32>
    tpu.vector_store %arg11[%swap3A], %swap3A_43 {strides = array<i32>} : memref<128xf32, #tpu.memory_space<vmem>>, vector<16xf32>,
    %swap3A_44 = arith.constant 16 : index
    %swap3A_45 = tpu.vector_load %arg11[%swap3A_44] {strides = array<i32>} : memref<128xf32, #tpu.memory_space<vmem>>, vector<16xf32>,
    %swap3A_46 = vector.shape_cast %swap3A_45 : vector<16xf32> to vector<16xf32>
    %swap3A_47 = vector.shape_cast %broadcast_in_dim3A_40 : vector<16xf32> to vector<16xf32>
    tpu.vector_store %arg11[%swap3A_44], %swap3A_47 {strides = array<i32>} : memref<128xf32, #tpu.memory_space<vmem>>, vector<16xf32>,
    %swap3A_48 = arith.constant 32 : index
    %swap3A_49 = tpu.vector_load %arg11[%swap3A_48] {strides = array<i32>} : memref<128xf32, #tpu.memory_space<vmem>>, vector<16xf32>,
    %swap3A_50 = vector.shape_cast %swap3A_49 : vector<16xf32> to vector<16xf32>
    %swap3A_51 = vector.shape_cast %broadcast_in_dim3A_40 : vector<16xf32> to vector<16xf32>
    tpu.vector_store %arg11[%swap3A_48], %swap3A_51 {strides = array<i32>} : memref<128xf32, #tpu.memory_space<vmem>>, vector<16xf32>,
    %swap3A_52 = arith.constant 48 : index
    %swap3A_53 = tpu.vector_load %arg11[%swap3A_52] {strides = array<i32>} : memref<128xf32, #tpu.memory_space<vmem>>, vector<16xf32>,
    %swap3A_54 = vector.shape_cast %swap3A_53 : vector<16xf32> to vector<16xf32>
    %swap3A_55 = vector.shape_cast %broadcast_in_dim3A_40 : vector<16xf32> to vector<16xf32>
    tpu.vector_store %arg11[%swap3A_52], %swap3A_55 {strides = array<i32>} : memref<128xf32, #tpu.memory_space<vmem>>, vector<16xf32>,
    %swap3A_56 = arith.constant 64 : index
    %swap3A_57 = tpu.vector_load %arg11[%swap3A_56] {strides = array<i32>} : memref<128xf32, #tpu.memory_space<vmem>>, vector<16xf32>,
    %swap3A_58 = vector.shape_cast %swap3A_57 : vector<16xf32> to vector<16xf32>
    %swap3A_59 = vector.shape_cast %broadcast_in_dim3A_40 : vector<16xf32> to vector<16xf32>
    tpu.vector_store %arg11[%swap3A_56], %swap3A_59 {strides = array<i32>} : memref<128xf32, #tpu.memory_space<vmem>>, vector<16xf32>,
    %swap3A_60 = arith.constant 80 : index
    %swap3A_61 = tpu.vector_load %arg11[%swap3A_60] {strides = array<i32>} : memref<128xf32, #tpu.memory_space<vmem>>, vector<16xf32>,
    %swap3A_62 = vector.shape_cast %swap3A_61 : vector<16xf32> to vector<16xf32>
    %swap3A_63 = vector.shape_cast %broadcast_in_dim3A_40 : vector<16xf32> to vector<16xf32>
    tpu.vector_store %arg11[%swap3A_60], %swap3A_63 {strides = array<i32>} : memref<128xf32, #tpu.memory_space<vmem>>, vector<16xf32>,
    %swap3A_64 = arith.constant 96 : index
    %swap3A_65 = tpu.vector_load %arg11[%swap3A_64] {strides = array<i32>} : memref<128xf32, #tpu.memory_space<vmem>>, vector<16xf32>,
    %swap3A_66 = vector.shape_cast %swap3A_65 : vector<16xf32> to vector<16xf32>
    %swap3A_67 = vector.shape_cast %broadcast_in_dim3A_40 : vector<16xf32> to vector<16xf32>
    tpu.vector_store %arg11[%swap3A_64], %swap3A_67 {strides = array<i32>} : memref<128xf32, #tpu.memory_space<vmem>>, vector<16xf32>,
    %swap3A_68 = arith.constant 112 : index
    %swap3A_69 = tpu.vector_load %arg11[%swap3A_68] {strides = array<i32>} : memref<128xf32, #tpu.memory_space<vmem>>, vector<16xf32>,
    %swap3A_70 = vector.shape_cast %swap3A_69 : vector<16xf32> to vector<16xf32>
    %swap3A_71 = vector.shape_cast %broadcast_in_dim3A_40 : vector<16xf32> to vector<16xf32>
    tpu.vector_store %arg11[%swap3A_68], %swap3A_71 {strides = array<i32>} : memref<128xf32, #tpu.memory_space<vmem>>, vector<16xf32>,
    %swap3A_72 = arith.constant 0 : index
    %swap3A_73 = tpu.vector_load %arg10[%swap3A_72] {strides = array<i32>} : memref<640xf32, #tpu.memory_space<vmem>>, vector<16xf32>,
    %swap3A_74 = vector.shape_cast %swap3A_73 : vector<16xf32> to vector<16xf32>
    %swap3A_75 = vector.shape_cast %broadcast_in_dim3A_32 : vector<16xf32> to vector<16xf32>
    tpu.vector_store %arg10[%swap3A_72], %swap3A_75 {strides = array<i32>} : memref<640xf32, #tpu.memory_space<vmem>>, vector<16xf32>,
    %swap3A_76 = arith.constant 16 : index
    %swap3A_77 = tpu.vector_load %arg10[%swap3A_76] {strides = array<i32>} : memref<640xf32, #tpu.memory_space<vmem>>, vector<16xf32>,
    %swap3A_78 = vector.shape_cast %swap3A_77 : vector<16xf32> to vector<16xf32>
    %swap3A_79 = vector.shape_cast %broadcast_in_dim3A_32 : vector<16xf32> to vector<16xf32>
    tpu.vector_store %arg10[%swap3A_76], %swap3A_79 {strides = array<i32>} : memref<640xf32, #tpu.memory_space<vmem>>, vector<16xf32>,
    %swap3A_80 = arith.constant 32 : index
    %swap3A_81 = tpu.vector_load %arg10[%swap3A_80] {strides = array<i32>} : memref<640xf32, #tpu.memory_space<vmem>>, vector<16xf32>,
    %swap3A_82 = vector.shape_cast %swap3A_81 : vector<16xf32> to vector<16xf32>
    %swap3A_83 = vector.shape_cast %broadcast_in_dim3A_32 : vector<16xf32> to vector<16xf32>
    tpu.vector_store %arg10[%swap3A_80], %swap3A_83 {strides = array<i32>} : memref<640xf32, #tpu.memory_space<vmem>>, vector<16xf32>,
    %swap3A_84 = arith.constant 48 : index
    %swap3A_85 = tpu.vector_load %arg10[%swap3A_84] {strides = array<i32>} : memref<640xf32, #tpu.memory_space<vmem>>, vector<16xf32>,
    %swap3A_86 = vector.shape_cast %swap3A_85 : vector<16xf32> to vector<16xf32>
    %swap3A_87 = vector.shape_cast %broadcast_in_dim3A_32 : vector<16xf32> to vector<16xf32>
    tpu.vector_store %arg10[%swap3A_84], %swap3A_87 {strides = array<i32>} : memref<640xf32, #tpu.memory_space<vmem>>, vector<16xf32>,
    %swap3A_88 = arith.constant 64 : index
    %swap3A_89 = tpu.vector_load %arg10[%swap3A_88] {strides = array<i32>} : memref<640xf32, #tpu.memory_space<vmem>>, vector<16xf32>,
    %swap3A_90 = vector.shape_cast %swap3A_89 : vector<16xf32> to vector<16xf32>
    %swap3A_91 = vector.shape_cast %broadcast_in_dim3A_32 : vector<16xf32> to vector<16xf32>
    tpu.vector_store %arg10[%swap3A_88], %swap3A_91 {strides = array<i32>} : memref<640xf32, #tpu.memory_space<vmem>>, vector<16xf32>,
    %swap3A_92 = arith.constant 80 : index
    %swap3A_93 = tpu.vector_load %arg10[%swap3A_92] {strides = array<i32>} : memref<640xf32, #tpu.memory_space<vmem>>, vector<16xf32>,
    %swap3A_94 = vector.shape_cast %swap3A_93 : vector<16xf32> to vector<16xf32>
    %swap3A_95 = vector.shape_cast %broadcast_in_dim3A_32 : vector<16xf32> to vector<16xf32>
    tpu.vector_store %arg10[%swap3A_92], %swap3A_95 {strides = array<i32>} : memref<640xf32, #tpu.memory_space<vmem>>, vector<16xf32>,
    %swap3A_96 = arith.constant 96 : index
    %swap3A_97 = tpu.vector_load %arg10[%swap3A_96] {strides = array<i32>} : memref<640xf32, #tpu.memory_space<vmem>>, vector<16xf32>,
    %swap3A_98 = vector.shape_cast %swap3A_97 : vector<16xf32> to vector<16xf32>
    %swap3A_99 = vector.shape_cast %broadcast_in_dim3A_32 : vector<16xf32> to vector<16xf32>
    tpu.vector_store %arg10[%swap3A_96], %swap3A_99 {strides = array<i32>} : memref<640xf32, #tpu.memory_space<vmem>>, vector<16xf32>,
    %swap3A_100 = arith.constant 112 : index
    %swap3A_101 = tpu.vector_load %arg10[%swap3A_100] {strides = array<i32>} : memref<640xf32, #tpu.memory_space<vmem>>, vector<16xf32>,
    %swap3A_102 = vector.shape_cast %swap3A_101 : vector<16xf32> to vector<16xf32>
    %swap3A_103 = vector.shape_cast %broadcast_in_dim3A_32 : vector<16xf32> to vector<16xf32>
    tpu.vector_store %arg10[%swap3A_100], %swap3A_103 {strides = array<i32>} : memref<640xf32, #tpu.memory_space<vmem>>, vector<16xf32>,
    %swap3A_104 = arith.constant 128 : index
    %swap3A_105 = tpu.vector_load %arg10[%swap3A_104] {strides = array<i32>} : memref<640xf32, #tpu.memory_space<vmem>>, vector<16xf32>,
    %swap3A_106 = vector.shape_cast %swap3A_105 : vector<16xf32> to vector<16xf32>
    %swap3A_107 = vector.shape_cast %broadcast_in_dim3A_32 : vector<16xf32> to vector<16xf32>
    tpu.vector_store %arg10[%swap3A_104], %swap3A_107 {strides = array<i32>} : memref<640xf32, #tpu.memory_space<vmem>>, vector<16xf32>,
    %swap3A_108 = arith.constant 144 : index
    %swap3A_109 = tpu.vector_load %arg10[%swap3A_108] {strides = array<i32>} : memref<640xf32, #tpu.memory_space<vmem>>, vector<16xf32>,
    %swap3A_110 = vector.shape_cast %swap3A_109 : vector<16xf32> to vector<16xf32>
    %swap3A_111 = vector.shape_cast %broadcast_in_dim3A_32 : vector<16xf32> to vector<16xf32>
    tpu.vector_store %arg10[%swap3A_108], %swap3A_111 {strides = array<i32>} : memref<640xf32, #tpu.memory_space<vmem>>, vector<16xf32>,
    %swap3A_112 = arith.constant 160 : index
    %swap3A_113 = tpu.vector_load %arg10[%swap3A_112] {strides = array<i32>} : memref<640xf32, #tpu.memory_space<vmem>>, vector<16xf32>,
    %swap3A_114 = vector.shape_cast %swap3A_113 : vector<16xf32> to vector<16xf32>
    %swap3A_115 = vector.shape_cast %broadcast_in_dim3A_32 : vector<16xf32> to vector<16xf32>
    tpu.vector_store %arg10[%swap3A_112], %swap3A_115 {strides = array<i32>} : memref<640xf32, #tpu.memory_space<vmem>>, vector<16xf32>,
    %swap3A_116 = arith.constant 176 : index
    %swap3A_117 = tpu.vector_load %arg10[%swap3A_116] {strides = array<i32>} : memref<640xf32, #tpu.memory_space<vmem>>, vector<16xf32>,
    %swap3A_118 = vector.shape_cast %swap3A_117 : vector<16xf32> to vector<16xf32>
    %swap3A_119 = vector.shape_cast %broadcast_in_dim3A_32 : vector<16xf32> to vector<16xf32>
    tpu.vector_store %arg10[%swap3A_116], %swap3A_119 {strides = array<i32>} : memref<640xf32, #tpu.memory_space<vmem>>, vector<16xf32>,
    %swap3A_120 = arith.constant 192 : index
    %swap3A_121 = tpu.vector_load %arg10[%swap3A_120] {strides = array<i32>} : memref<640xf32, #tpu.memory_space<vmem>>, vector<16xf32>,
    %swap3A_122 = vector.shape_cast %swap3A_121 : vector<16xf32> to vector<16xf32>
    %swap3A_123 = vector.shape_cast %broadcast_in_dim3A_32 : vector<16xf32> to vector<16xf32>
    tpu.vector_store %arg10[%swap3A_120], %swap3A_123 {strides = array<i32>} : memref<640xf32, #tpu.memory_space<vmem>>, vector<16xf32>,
    %swap3A_124 = arith.constant 208 : index
    %swap3A_125 = tpu.vector_load %arg10[%swap3A_124] {strides = array<i32>} : memref<640xf32, #tpu.memory_space<vmem>>, vector<16xf32>,
    %swap3A_126 = vector.shape_cast %swap3A_125 : vector<16xf32> to vector<16xf32>
    %swap3A_127 = vector.shape_cast %broadcast_in_dim3A_32 : vector<16xf32> to vector<16xf32>
    tpu.vector_store %arg10[%swap3A_124], %swap3A_127 {strides = array<i32>} : memref<640xf32, #tpu.memory_space<vmem>>, vector<16xf32>,
    %swap3A_128 = arith.constant 224 : index
    %swap3A_129 = tpu.vector_load %arg10[%swap3A_128] {strides = array<i32>} : memref<640xf32, #tpu.memory_space<vmem>>, vector<16xf32>,
    %swap3A_130 = vector.shape_cast %swap3A_129 : vector<16xf32> to vector<16xf32>
    %swap3A_131 = vector.shape_cast %broadcast_in_dim3A_32 : vector<16xf32> to vector<16xf32>
    tpu.vector_store %arg10[%swap3A_128], %swap3A_131 {strides = array<i32>} : memref<640xf32, #tpu.memory_space<vmem>>, vector<16xf32>,
    %swap3A_132 = arith.constant 240 : index
    %swap3A_133 = tpu.vector_load %arg10[%swap3A_132] {strides = array<i32>} : memref<640xf32, #tpu.memory_space<vmem>>, vector<16xf32>,
    %swap3A_134 = vector.shape_cast %swap3A_133 : vector<16xf32> to vector<16xf32>
    %swap3A_135 = vector.shape_cast %broadcast_in_dim3A_32 : vector<16xf32> to vector<16xf32>
    tpu.vector_store %arg10[%swap3A_132], %swap3A_135 {strides = array<i32>} : memref<640xf32, #tpu.memory_space<vmem>>, vector<16xf32>,
    %swap3A_136 = arith.constant 256 : index
    %swap3A_137 = tpu.vector_load %arg10[%swap3A_136] {strides = array<i32>} : memref<640xf32, #tpu.memory_space<vmem>>, vector<16xf32>,
    %swap3A_138 = vector.shape_cast %swap3A_137 : vector<16xf32> to vector<16xf32>
    %swap3A_139 = vector.shape_cast %broadcast_in_dim3A_32 : vector<16xf32> to vector<16xf32>
    tpu.vector_store %arg10[%swap3A_136], %swap3A_139 {strides = array<i32>} : memref<640xf32, #tpu.memory_space<vmem>>, vector<16xf32>,
    %swap3A_140 = arith.constant 272 : index
    %swap3A_141 = tpu.vector_load %arg10[%swap3A_140] {strides = array<i32>} : memref<640xf32, #tpu.memory_space<vmem>>, vector<16xf32>,
    %swap3A_142 = vector.shape_cast %swap3A_141 : vector<16xf32> to vector<16xf32>
    %swap3A_143 = vector.shape_cast %broadcast_in_dim3A_32 : vector<16xf32> to vector<16xf32>
    tpu.vector_store %arg10[%swap3A_140], %swap3A_143 {strides = array<i32>} : memref<640xf32, #tpu.memory_space<vmem>>, vector<16xf32>,
    %swap3A_144 = arith.constant 288 : index
    %swap3A_145 = tpu.vector_load %arg10[%swap3A_144] {strides = array<i32>} : memref<640xf32, #tpu.memory_space<vmem>>, vector<16xf32>,
    %swap3A_146 = vector.shape_cast %swap3A_145 : vector<16xf32> to vector<16xf32>
    %swap3A_147 = vector.shape_cast %broadcast_in_dim3A_32 : vector<16xf32> to vector<16xf32>
    tpu.vector_store %arg10[%swap3A_144], %swap3A_147 {strides = array<i32>} : memref<640xf32, #tpu.memory_space<vmem>>, vector<16xf32>,
    %swap3A_148 = arith.constant 304 : index
    %swap3A_149 = tpu.vector_load %arg10[%swap3A_148] {strides = array<i32>} : memref<640xf32, #tpu.memory_space<vmem>>, vector<16xf32>,
    %swap3A_150 = vector.shape_cast %swap3A_149 : vector<16xf32> to vector<16xf32>
    %swap3A_151 = vector.shape_cast %broadcast_in_dim3A_32 : vector<16xf32> to vector<16xf32>
    tpu.vector_store %arg10[%swap3A_148], %swap3A_151 {strides = array<i32>} : memref<640xf32, #tpu.memory_space<vmem>>, vector<16xf32>,
    %swap3A_152 = arith.constant 320 : index
    %swap3A_153 = tpu.vector_load %arg10[%swap3A_152] {strides = array<i32>} : memref<640xf32, #tpu.memory_space<vmem>>, vector<16xf32>,
    %swap3A_154 = vector.shape_cast %swap3A_153 : vector<16xf32> to vector<16xf32>
    %swap3A_155 = vector.shape_cast %broadcast_in_dim3A_32 : vector<16xf32> to vector<16xf32>
    tpu.vector_store %arg10[%swap3A_152], %swap3A_155 {strides = array<i32>} : memref<640xf32, #tpu.memory_space<vmem>>, vector<16xf32>,
    %swap3A_156 = arith.constant 336 : index
    %swap3A_157 = tpu.vector_load %arg10[%swap3A_156] {strides = array<i32>} : memref<640xf32, #tpu.memory_space<vmem>>, vector<16xf32>,
    %swap3A_158 = vector.shape_cast %swap3A_157 : vector<16xf32> to vector<16xf32>
    %swap3A_159 = vector.shape_cast %broadcast_in_dim3A_32 : vector<16xf32> to vector<16xf32>
    tpu.vector_store %arg10[%swap3A_156], %swap3A_159 {strides = array<i32>} : memref<640xf32, #tpu.memory_space<vmem>>, vector<16xf32>,
    %swap3A_160 = arith.constant 352 : index
    %swap3A_161 = tpu.vector_load %arg10[%swap3A_160] {strides = array<i32>} : memref<640xf32, #tpu.memory_space<vmem>>, vector<16xf32>,
    %swap3A_162 = vector.shape_cast %swap3A_161 : vector<16xf32> to vector<16xf32>
    %swap3A_163 = vector.shape_cast %broadcast_in_dim3A_32 : vector<16xf32> to vector<16xf32>
    tpu.vector_store %arg10[%swap3A_160], %swap3A_163 {strides = array<i32>} : memref<640xf32, #tpu.memory_space<vmem>>, vector<16xf32>,
    %swap3A_164 = arith.constant 368 : index
    %swap3A_165 = tpu.vector_load %arg10[%swap3A_164] {strides = array<i32>} : memref<640xf32, #tpu.memory_space<vmem>>, vector<16xf32>,
    %swap3A_166 = vector.shape_cast %swap3A_165 : vector<16xf32> to vector<16xf32>
    %swap3A_167 = vector.shape_cast %broadcast_in_dim3A_32 : vector<16xf32> to vector<16xf32>
    tpu.vector_store %arg10[%swap3A_164], %swap3A_167 {strides = array<i32>} : memref<640xf32, #tpu.memory_space<vmem>>, vector<16xf32>,
    %swap3A_168 = arith.constant 384 : index
    %swap3A_169 = tpu.vector_load %arg10[%swap3A_168] {strides = array<i32>} : memref<640xf32, #tpu.memory_space<vmem>>, vector<16xf32>,
    %swap3A_170 = vector.shape_cast %swap3A_169 : vector<16xf32> to vector<16xf32>
    %swap3A_171 = vector.shape_cast %broadcast_in_dim3A_32 : vector<16xf32> to vector<16xf32>
    tpu.vector_store %arg10[%swap3A_168], %swap3A_171 {strides = array<i32>} : memref<640xf32, #tpu.memory_space<vmem>>, vector<16xf32>,
    %swap3A_172 = arith.constant 400 : index
    %swap3A_173 = tpu.vector_load %arg10[%swap3A_172] {strides = array<i32>} : memref<640xf32, #tpu.memory_space<vmem>>, vector<16xf32>,
    %swap3A_174 = vector.shape_cast %swap3A_173 : vector<16xf32> to vector<16xf32>
    %swap3A_175 = vector.shape_cast %broadcast_in_dim3A_32 : vector<16xf32> to vector<16xf32>
    tpu.vector_store %arg10[%swap3A_172], %swap3A_175 {strides = array<i32>} : memref<640xf32, #tpu.memory_space<vmem>>, vector<16xf32>,
    %swap3A_176 = arith.constant 416 : index
    %swap3A_177 = tpu.vector_load %arg10[%swap3A_176] {strides = array<i32>} : memref<640xf32, #tpu.memory_space<vmem>>, vector<16xf32>,
    %swap3A_178 = vector.shape_cast %swap3A_177 : vector<16xf32> to vector<16xf32>
    %swap3A_179 = vector.shape_cast %broadcast_in_dim3A_32 : vector<16xf32> to vector<16xf32>
    tpu.vector_store %arg10[%swap3A_176], %swap3A_179 {strides = array<i32>} : memref<640xf32, #tpu.memory_space<vmem>>, vector<16xf32>,
    %swap3A_180 = arith.constant 432 : index
    %swap3A_181 = tpu.vector_load %arg10[%swap3A_180] {strides = array<i32>} : memref<640xf32, #tpu.memory_space<vmem>>, vector<16xf32>,
    %swap3A_182 = vector.shape_cast %swap3A_181 : vector<16xf32> to vector<16xf32>
    %swap3A_183 = vector.shape_cast %broadcast_in_dim3A_32 : vector<16xf32> to vector<16xf32>
    tpu.vector_store %arg10[%swap3A_180], %swap3A_183 {strides = array<i32>} : memref<640xf32, #tpu.memory_space<vmem>>, vector<16xf32>,
    %swap3A_184 = arith.constant 448 : index
    %swap3A_185 = tpu.vector_load %arg10[%swap3A_184] {strides = array<i32>} : memref<640xf32, #tpu.memory_space<vmem>>, vector<16xf32>,
    %swap3A_186 = vector.shape_cast %swap3A_185 : vector<16xf32> to vector<16xf32>
    %swap3A_187 = vector.shape_cast %broadcast_in_dim3A_32 : vector<16xf32> to vector<16xf32>
    tpu.vector_store %arg10[%swap3A_184], %swap3A_187 {strides = array<i32>} : memref<640xf32, #tpu.memory_space<vmem>>, vector<16xf32>,
    %swap3A_188 = arith.constant 464 : index
    %swap3A_189 = tpu.vector_load %arg10[%swap3A_188] {strides = array<i32>} : memref<640xf32, #tpu.memory_space<vmem>>, vector<16xf32>,
    %swap3A_190 = vector.shape_cast %swap3A_189 : vector<16xf32> to vector<16xf32>
    %swap3A_191 = vector.shape_cast %broadcast_in_dim3A_32 : vector<16xf32> to vector<16xf32>
    tpu.vector_store %arg10[%swap3A_188], %swap3A_191 {strides = array<i32>} : memref<640xf32, #tpu.memory_space<vmem>>, vector<16xf32>,
    %swap3A_192 = arith.constant 480 : index
    %swap3A_193 = tpu.vector_load %arg10[%swap3A_192] {strides = array<i32>} : memref<640xf32, #tpu.memory_space<vmem>>, vector<16xf32>,
    %swap3A_194 = vector.shape_cast %swap3A_193 : vector<16xf32> to vector<16xf32>
    %swap3A_195 = vector.shape_cast %broadcast_in_dim3A_32 : vector<16xf32> to vector<16xf32>
    tpu.vector_store %arg10[%swap3A_192], %swap3A_195 {strides = array<i32>} : memref<640xf32, #tpu.memory_space<vmem>>, vector<16xf32>,
    %swap3A_196 = arith.constant 496 : index
    %swap3A_197 = tpu.vector_load %arg10[%swap3A_196] {strides = array<i32>} : memref<640xf32, #tpu.memory_space<vmem>>, vector<16xf32>,
    %swap3A_198 = vector.shape_cast %swap3A_197 : vector<16xf32> to vector<16xf32>
    %swap3A_199 = vector.shape_cast %broadcast_in_dim3A_32 : vector<16xf32> to vector<16xf32>
    tpu.vector_store %arg10[%swap3A_196], %swap3A_199 {strides = array<i32>} : memref<640xf32, #tpu.memory_space<vmem>>, vector<16xf32>,
    %swap3A_200 = arith.constant 512 : index
    %swap3A_201 = tpu.vector_load %arg10[%swap3A_200] {strides = array<i32>} : memref<640xf32, #tpu.memory_space<vmem>>, vector<16xf32>,
    %swap3A_202 = vector.shape_cast %swap3A_201 : vector<16xf32> to vector<16xf32>
    %swap3A_203 = vector.shape_cast %broadcast_in_dim3A_32 : vector<16xf32> to vector<16xf32>
    tpu.vector_store %arg10[%swap3A_200], %swap3A_203 {strides = array<i32>} : memref<640xf32, #tpu.memory_space<vmem>>, vector<16xf32>,
    %swap3A_204 = arith.constant 528 : index
    %swap3A_205 = tpu.vector_load %arg10[%swap3A_204] {strides = array<i32>} : memref<640xf32, #tpu.memory_space<vmem>>, vector<16xf32>,
    %swap3A_206 = vector.shape_cast %swap3A_205 : vector<16xf32> to vector<16xf32>
    %swap3A_207 = vector.shape_cast %broadcast_in_dim3A_32 : vector<16xf32> to vector<16xf32>
    tpu.vector_store %arg10[%swap3A_204], %swap3A_207 {strides = array<i32>} : memref<640xf32, #tpu.memory_space<vmem>>, vector<16xf32>,
    %swap3A_208 = arith.constant 544 : index
    %swap3A_209 = tpu.vector_load %arg10[%swap3A_208] {strides = array<i32>} : memref<640xf32, #tpu.memory_space<vmem>>, vector<16xf32>,
    %swap3A_210 = vector.shape_cast %swap3A_209 : vector<16xf32> to vector<16xf32>
    %swap3A_211 = vector.shape_cast %broadcast_in_dim3A_32 : vector<16xf32> to vector<16xf32>
    tpu.vector_store %arg10[%swap3A_208], %swap3A_211 {strides = array<i32>} : memref<640xf32, #tpu.memory_space<vmem>>, vector<16xf32>,
    %swap3A_212 = arith.constant 560 : index
    %swap3A_213 = tpu.vector_load %arg10[%swap3A_212] {strides = array<i32>} : memref<640xf32, #tpu.memory_space<vmem>>, vector<16xf32>,
    %swap3A_214 = vector.shape_cast %swap3A_213 : vector<16xf32> to vector<16xf32>
    %swap3A_215 = vector.shape_cast %broadcast_in_dim3A_32 : vector<16xf32> to vector<16xf32>
    tpu.vector_store %arg10[%swap3A_212], %swap3A_215 {strides = array<i32>} : memref<640xf32, #tpu.memory_space<vmem>>, vector<16xf32>,
    %swap3A_216 = arith.constant 576 : index
    %swap3A_217 = tpu.vector_load %arg10[%swap3A_216] {strides = array<i32>} : memref<640xf32, #tpu.memory_space<vmem>>, vector<16xf32>,
    %swap3A_218 = vector.shape_cast %swap3A_217 : vector<16xf32> to vector<16xf32>
    %swap3A_219 = vector.shape_cast %broadcast_in_dim3A_32 : vector<16xf32> to vector<16xf32>
    tpu.vector_store %arg10[%swap3A_216], %swap3A_219 {strides = array<i32>} : memref<640xf32, #tpu.memory_space<vmem>>, vector<16xf32>,
    %swap3A_220 = arith.constant 592 : index
    %swap3A_221 = tpu.vector_load %arg10[%swap3A_220] {strides = array<i32>} : memref<640xf32, #tpu.memory_space<vmem>>, vector<16xf32>,
    %swap3A_222 = vector.shape_cast %swap3A_221 : vector<16xf32> to vector<16xf32>
    %swap3A_223 = vector.shape_cast %broadcast_in_dim3A_32 : vector<16xf32> to vector<16xf32>
    tpu.vector_store %arg10[%swap3A_220], %swap3A_223 {strides = array<i32>} : memref<640xf32, #tpu.memory_space<vmem>>, vector<16xf32>,
    %swap3A_224 = arith.constant 608 : index
    %swap3A_225 = tpu.vector_load %arg10[%swap3A_224] {strides = array<i32>} : memref<640xf32, #tpu.memory_space<vmem>>, vector<16xf32>,
    %swap3A_226 = vector.shape_cast %swap3A_225 : vector<16xf32> to vector<16xf32>
    %swap3A_227 = vector.shape_cast %broadcast_in_dim3A_32 : vector<16xf32> to vector<16xf32>
    tpu.vector_store %arg10[%swap3A_224], %swap3A_227 {strides = array<i32>} : memref<640xf32, #tpu.memory_space<vmem>>, vector<16xf32>,
    %swap3A_228 = arith.constant 624 : index
    %swap3A_229 = tpu.vector_load %arg10[%swap3A_228] {strides = array<i32>} : memref<640xf32, #tpu.memory_space<vmem>>, vector<16xf32>,
    %swap3A_230 = vector.shape_cast %swap3A_229 : vector<16xf32> to vector<16xf32>
    %swap3A_231 = vector.shape_cast %broadcast_in_dim3A_32 : vector<16xf32> to vector<16xf32>
    tpu.vector_store %arg10[%swap3A_228], %swap3A_231 {strides = array<i32>} : memref<640xf32, #tpu.memory_space<vmem>>, vector<16xf32>,
    %add3A_232 = arith.constant 0 : i32
    %add3A_233 = arith.addi %mul3A_0, %add3A_232 : i32
    "tpu.region"() ({
      %run_scoped3A = tpu.sem_alloc : memref<!tpu.dma_semaphore, #tpu.memory_space<semaphore_mem>>
      %dma_start3A_348 = arith.constant 0 : i32
      %dma_start3A_349 = tpu.memref_slice %arg19[%add3A_233, %dma_start3A_348] : memref<10240x64xf32, #tpu.memory_space<vmem_shared>> -> memref<128x64xf32, #tpu.memory_space<vmem_shared>>
      %dma_start3A_350 = arith.constant 0 : i32
      %dma_start3A_351 = tpu.memref_slice %arg19[%add3A_233, %dma_start3A_350] : memref<10240x64xf32, #tpu.memory_space<vmem_shared>> -> memref<128x64xf32, #tpu.memory_space<vmem_shared>>
      tpu.enqueue_dma source(%arg9 : memref<128x64xf32, #tpu.memory_space<vmem>>) target(%dma_start3A_351 : memref<128x64xf32, #tpu.memory_space<vmem_shared>>) target_semaphore(%run_scoped3A : memref<!tpu.dma_semaphore, #tpu.memory_space<semaphore_mem>>)
      %dma_wait3A_352 = arith.constant 0 : i32
      %dma_wait3A_353 = tpu.memref_slice %arg19[%add3A_233, %dma_wait3A_352] : memref<10240x64xf32, #tpu.memory_space<vmem_shared>> -> memref<128x64xf32, #tpu.memory_space<vmem_shared>>
      %dma_wait3A_354 = arith.constant 0 : i32
      %dma_wait3A_355 = tpu.memref_slice %arg19[%add3A_233, %dma_wait3A_354] : memref<10240x64xf32, #tpu.memory_space<vmem_shared>> -> memref<128x64xf32, #tpu.memory_space<vmem_shared>>
      tpu.wait_dma2 semaphore(%run_scoped3A : memref<!tpu.dma_semaphore, #tpu.memory_space<semaphore_mem>>) src(%arg9 : memref<128x64xf32, #tpu.memory_space<vmem>>) dst(%dma_wait3A_355 : memref<128x64xf32, #tpu.memory_space<vmem_shared>>)
      tpu.yield
    }) : () -> ()
    %add3A_234 = arith.constant 128 : i32
    %add3A_235 = arith.addi %mul3A_0, %add3A_234 : i32
    "tpu.region"() ({
      %run_scoped3A = tpu.sem_alloc : memref<!tpu.dma_semaphore, #tpu.memory_space<semaphore_mem>>
      %dma_start3A_348 = arith.constant 0 : i32
      %dma_start3A_349 = tpu.memref_slice %arg19[%add3A_235, %dma_start3A_348] : memref<10240x64xf32, #tpu.memory_space<vmem_shared>> -> memref<128x64xf32, #tpu.memory_space<vmem_shared>>
      %dma_start3A_350 = arith.constant 0 : i32
      %dma_start3A_351 = tpu.memref_slice %arg19[%add3A_235, %dma_start3A_350] : memref<10240x64xf32, #tpu.memory_space<vmem_shared>> -> memref<128x64xf32, #tpu.memory_space<vmem_shared>>
      tpu.enqueue_dma source(%arg9 : memref<128x64xf32, #tpu.memory_space<vmem>>) target(%dma_start3A_351 : memref<128x64xf32, #tpu.memory_space<vmem_shared>>) target_semaphore(%run_scoped3A : memref<!tpu.dma_semaphore, #tpu.memory_space<semaphore_mem>>)
      %dma_wait3A_352 = arith.constant 0 : i32
      %dma_wait3A_353 = tpu.memref_slice %arg19[%add3A_235, %dma_wait3A_352] : memref<10240x64xf32, #tpu.memory_space<vmem_shared>> -> memref<128x64xf32, #tpu.memory_space<vmem_shared>>
      %dma_wait3A_354 = arith.constant 0 : i32
      %dma_wait3A_355 = tpu.memref_slice %arg19[%add3A_235, %dma_wait3A_354] : memref<10240x64xf32, #tpu.memory_space<vmem_shared>> -> memref<128x64xf32, #tpu.memory_space<vmem_shared>>
      tpu.wait_dma2 semaphore(%run_scoped3A : memref<!tpu.dma_semaphore, #tpu.memory_space<semaphore_mem>>) src(%arg9 : memref<128x64xf32, #tpu.memory_space<vmem>>) dst(%dma_wait3A_355 : memref<128x64xf32, #tpu.memory_space<vmem_shared>>)
      tpu.yield
    }) : () -> ()
    %add3A_236 = arith.constant 256 : i32
    %add3A_237 = arith.addi %mul3A_0, %add3A_236 : i32
    "tpu.region"() ({
      %run_scoped3A = tpu.sem_alloc : memref<!tpu.dma_semaphore, #tpu.memory_space<semaphore_mem>>
      %dma_start3A_348 = arith.constant 0 : i32
      %dma_start3A_349 = tpu.memref_slice %arg19[%add3A_237, %dma_start3A_348] : memref<10240x64xf32, #tpu.memory_space<vmem_shared>> -> memref<128x64xf32, #tpu.memory_space<vmem_shared>>
      %dma_start3A_350 = arith.constant 0 : i32
      %dma_start3A_351 = tpu.memref_slice %arg19[%add3A_237, %dma_start3A_350] : memref<10240x64xf32, #tpu.memory_space<vmem_shared>> -> memref<128x64xf32, #tpu.memory_space<vmem_shared>>
      tpu.enqueue_dma source(%arg9 : memref<128x64xf32, #tpu.memory_space<vmem>>) target(%dma_start3A_351 : memref<128x64xf32, #tpu.memory_space<vmem_shared>>) target_semaphore(%run_scoped3A : memref<!tpu.dma_semaphore, #tpu.memory_space<semaphore_mem>>)
      %dma_wait3A_352 = arith.constant 0 : i32
      %dma_wait3A_353 = tpu.memref_slice %arg19[%add3A_237, %dma_wait3A_352] : memref<10240x64xf32, #tpu.memory_space<vmem_shared>> -> memref<128x64xf32, #tpu.memory_space<vmem_shared>>
      %dma_wait3A_354 = arith.constant 0 : i32
      %dma_wait3A_355 = tpu.memref_slice %arg19[%add3A_237, %dma_wait3A_354] : memref<10240x64xf32, #tpu.memory_space<vmem_shared>> -> memref<128x64xf32, #tpu.memory_space<vmem_shared>>
      tpu.wait_dma2 semaphore(%run_scoped3A : memref<!tpu.dma_semaphore, #tpu.memory_space<semaphore_mem>>) src(%arg9 : memref<128x64xf32, #tpu.memory_space<vmem>>) dst(%dma_wait3A_355 : memref<128x64xf32, #tpu.memory_space<vmem_shared>>)
      tpu.yield
    }) : () -> ()
    %add3A_238 = arith.constant 384 : i32
    %add3A_239 = arith.addi %mul3A_0, %add3A_238 : i32
    "tpu.region"() ({
      %run_scoped3A = tpu.sem_alloc : memref<!tpu.dma_semaphore, #tpu.memory_space<semaphore_mem>>
      %dma_start3A_348 = arith.constant 0 : i32
      %dma_start3A_349 = tpu.memref_slice %arg19[%add3A_239, %dma_start3A_348] : memref<10240x64xf32, #tpu.memory_space<vmem_shared>> -> memref<128x64xf32, #tpu.memory_space<vmem_shared>>
      %dma_start3A_350 = arith.constant 0 : i32
      %dma_start3A_351 = tpu.memref_slice %arg19[%add3A_239, %dma_start3A_350] : memref<10240x64xf32, #tpu.memory_space<vmem_shared>> -> memref<128x64xf32, #tpu.memory_space<vmem_shared>>
      tpu.enqueue_dma source(%arg9 : memref<128x64xf32, #tpu.memory_space<vmem>>) target(%dma_start3A_351 : memref<128x64xf32, #tpu.memory_space<vmem_shared>>) target_semaphore(%run_scoped3A : memref<!tpu.dma_semaphore, #tpu.memory_space<semaphore_mem>>)
      %dma_wait3A_352 = arith.constant 0 : i32
      %dma_wait3A_353 = tpu.memref_slice %arg19[%add3A_239, %dma_wait3A_352] : memref<10240x64xf32, #tpu.memory_space<vmem_shared>> -> memref<128x64xf32, #tpu.memory_space<vmem_shared>>
      %dma_wait3A_354 = arith.constant 0 : i32
      %dma_wait3A_355 = tpu.memref_slice %arg19[%add3A_239, %dma_wait3A_354] : memref<10240x64xf32, #tpu.memory_space<vmem_shared>> -> memref<128x64xf32, #tpu.memory_space<vmem_shared>>
      tpu.wait_dma2 semaphore(%run_scoped3A : memref<!tpu.dma_semaphore, #tpu.memory_space<semaphore_mem>>) src(%arg9 : memref<128x64xf32, #tpu.memory_space<vmem>>) dst(%dma_wait3A_355 : memref<128x64xf32, #tpu.memory_space<vmem_shared>>)
      tpu.yield
    }) : () -> ()
    %add3A_240 = arith.constant 512 : i32
    %add3A_241 = arith.addi %mul3A_0, %add3A_240 : i32
    "tpu.region"() ({
      %run_scoped3A = tpu.sem_alloc : memref<!tpu.dma_semaphore, #tpu.memory_space<semaphore_mem>>
      %dma_start3A_348 = arith.constant 0 : i32
      %dma_start3A_349 = tpu.memref_slice %arg19[%add3A_241, %dma_start3A_348] : memref<10240x64xf32, #tpu.memory_space<vmem_shared>> -> memref<128x64xf32, #tpu.memory_space<vmem_shared>>
      %dma_start3A_350 = arith.constant 0 : i32
      %dma_start3A_351 = tpu.memref_slice %arg19[%add3A_241, %dma_start3A_350] : memref<10240x64xf32, #tpu.memory_space<vmem_shared>> -> memref<128x64xf32, #tpu.memory_space<vmem_shared>>
      tpu.enqueue_dma source(%arg9 : memref<128x64xf32, #tpu.memory_space<vmem>>) target(%dma_start3A_351 : memref<128x64xf32, #tpu.memory_space<vmem_shared>>) target_semaphore(%run_scoped3A : memref<!tpu.dma_semaphore, #tpu.memory_space<semaphore_mem>>)
      %dma_wait3A_352 = arith.constant 0 : i32
      %dma_wait3A_353 = tpu.memref_slice %arg19[%add3A_241, %dma_wait3A_352] : memref<10240x64xf32, #tpu.memory_space<vmem_shared>> -> memref<128x64xf32, #tpu.memory_space<vmem_shared>>
      %dma_wait3A_354 = arith.constant 0 : i32
      %dma_wait3A_355 = tpu.memref_slice %arg19[%add3A_241, %dma_wait3A_354] : memref<10240x64xf32, #tpu.memory_space<vmem_shared>> -> memref<128x64xf32, #tpu.memory_space<vmem_shared>>
      tpu.wait_dma2 semaphore(%run_scoped3A : memref<!tpu.dma_semaphore, #tpu.memory_space<semaphore_mem>>) src(%arg9 : memref<128x64xf32, #tpu.memory_space<vmem>>) dst(%dma_wait3A_355 : memref<128x64xf32, #tpu.memory_space<vmem_shared>>)
      tpu.yield
    }) : () -> ()
    "tpu.region"() ({
      %run_scoped3A = tpu.sem_alloc : memref<!tpu.dma_semaphore, #tpu.memory_space<semaphore_mem>>
      %dma_start3A_348 = tpu.memref_slice %arg18[%mul3A_0] : memref<10240xf32, #tpu.memory_space<vmem_shared>> -> memref<640xf32, #tpu.memory_space<vmem_shared>>
      %dma_start3A_349 = tpu.memref_slice %arg18[%mul3A_0] : memref<10240xf32, #tpu.memory_space<vmem_shared>> -> memref<640xf32, #tpu.memory_space<vmem_shared>>
      tpu.enqueue_dma source(%arg10 : memref<640xf32, #tpu.memory_space<vmem>>) target(%dma_start3A_349 : memref<640xf32, #tpu.memory_space<vmem_shared>>) target_semaphore(%run_scoped3A : memref<!tpu.dma_semaphore, #tpu.memory_space<semaphore_mem>>)
      %dma_wait3A_350 = tpu.memref_slice %arg18[%mul3A_0] : memref<10240xf32, #tpu.memory_space<vmem_shared>> -> memref<640xf32, #tpu.memory_space<vmem_shared>>
      %dma_wait3A_351 = tpu.memref_slice %arg18[%mul3A_0] : memref<10240xf32, #tpu.memory_space<vmem_shared>> -> memref<640xf32, #tpu.memory_space<vmem_shared>>
      tpu.wait_dma2 semaphore(%run_scoped3A : memref<!tpu.dma_semaphore, #tpu.memory_space<semaphore_mem>>) src(%arg10 : memref<640xf32, #tpu.memory_space<vmem>>) dst(%dma_wait3A_351 : memref<640xf32, #tpu.memory_space<vmem_shared>>)
      tpu.yield
    }) : () -> ()
    %dma_wait3A = arith.constant 0 : i32
    %dma_wait3A_242 = arith.constant 0 : i32
    %dma_wait3A_243 = tpu.memref_slice %arg12[%dma_wait3A_242] : memref<20480xi32, #tpu.memory_space<vmem>> -> memref<19968xi32, #tpu.memory_space<vmem>>
    %dma_wait3A_244 = arith.constant 0 : i32
    %dma_wait3A_245 = tpu.memref_slice %arg2[%dma_wait3A, %dma_wait3A_244] : memref<2x320000xi32, #tpu.memory_space<hbm>> -> memref<1x19968xi32, #tpu.memory_space<hbm>>
    %dma_wait3A_246 = tpu.memref_squeeze %dma_wait3A_245 : memref<1x19968xi32, #tpu.memory_space<hbm>> -> memref<19968xi32, #tpu.memory_space<hbm>>
    %dma_wait3A_247 = arith.constant 0 : i32
    %dma_wait3A_248 = tpu.memref_slice %arg12[%dma_wait3A_247] : memref<20480xi32, #tpu.memory_space<vmem>> -> memref<19968xi32, #tpu.memory_space<vmem>>
    %dma_wait3A_249 = arith.constant 0 : i32
    %dma_wait3A_250 = tpu.memref_slice %arg2[%dma_wait3A, %dma_wait3A_249] : memref<2x320000xi32, #tpu.memory_space<hbm>> -> memref<1x19968xi32, #tpu.memory_space<hbm>>
    %dma_wait3A_251 = tpu.memref_squeeze %dma_wait3A_250 : memref<1x19968xi32, #tpu.memory_space<hbm>> -> memref<19968xi32, #tpu.memory_space<hbm>>
    tpu.wait_dma2 semaphore(%arg20 : memref<!tpu.dma_semaphore, #tpu.memory_space<semaphore_mem>>) src(%dma_wait3A_251 : memref<19968xi32, #tpu.memory_space<hbm>>) dst(%dma_wait3A_248 : memref<19968xi32, #tpu.memory_space<vmem>>)
    %dma_wait3A_252 = arith.constant 1 : i32
    %dma_wait3A_253 = arith.constant 0 : i32
    %dma_wait3A_254 = tpu.memref_slice %arg13[%dma_wait3A_253] : memref<20480xi32, #tpu.memory_space<vmem>> -> memref<19968xi32, #tpu.memory_space<vmem>>
    %dma_wait3A_255 = arith.constant 0 : i32
    %dma_wait3A_256 = tpu.memref_slice %arg2[%dma_wait3A_252, %dma_wait3A_255] : memref<2x320000xi32, #tpu.memory_space<hbm>> -> memref<1x19968xi32, #tpu.memory_space<hbm>>
    %dma_wait3A_257 = tpu.memref_squeeze %dma_wait3A_256 : memref<1x19968xi32, #tpu.memory_space<hbm>> -> memref<19968xi32, #tpu.memory_space<hbm>>
    %dma_wait3A_258 = arith.constant 0 : i32
    %dma_wait3A_259 = tpu.memref_slice %arg13[%dma_wait3A_258] : memref<20480xi32, #tpu.memory_space<vmem>> -> memref<19968xi32, #tpu.memory_space<vmem>>
    %dma_wait3A_260 = arith.constant 0 : i32
    %dma_wait3A_261 = tpu.memref_slice %arg2[%dma_wait3A_252, %dma_wait3A_260] : memref<2x320000xi32, #tpu.memory_space<hbm>> -> memref<1x19968xi32, #tpu.memory_space<hbm>>
    %dma_wait3A_262 = tpu.memref_squeeze %dma_wait3A_261 : memref<1x19968xi32, #tpu.memory_space<hbm>> -> memref<19968xi32, #tpu.memory_space<hbm>>
    tpu.wait_dma2 semaphore(%arg21 : memref<!tpu.dma_semaphore, #tpu.memory_space<semaphore_mem>>) src(%dma_wait3A_262 : memref<19968xi32, #tpu.memory_space<hbm>>) dst(%dma_wait3A_259 : memref<19968xi32, #tpu.memory_space<vmem>>)
    %eq3A_263 = arith.constant 0 : i32
    %eq3A_264 = arith.cmpi eq, %arg1, %eq3A_263 : i32
    %convert_element_type3A_265 = arith.extui %eq3A_264 : i1 to i32
    %cond3A_266 = arith.constant 0 : i32
    %cond3A_267 = arith.cmpi ne, %convert_element_type3A_265, %cond3A_266 : i32
    scf.if %cond3A_267 {
      %dma_wait3A_348 = arith.constant 0 : i32
      %dma_wait3A_349 = arith.constant 0 : i32
      %dma_wait3A_350 = tpu.memref_slice %arg12[%dma_wait3A_349] : memref<20480xi32, #tpu.memory_space<vmem>> -> memref<512xi32, #tpu.memory_space<vmem>>
      %dma_wait3A_351 = arith.constant 0 : i32
      %dma_wait3A_352 = tpu.memref_slice %arg2[%dma_wait3A_348, %dma_wait3A_351] : memref<2x320000xi32, #tpu.memory_space<hbm>> -> memref<1x512xi32, #tpu.memory_space<hbm>>
      %dma_wait3A_353 = tpu.memref_squeeze %dma_wait3A_352 : memref<1x512xi32, #tpu.memory_space<hbm>> -> memref<512xi32, #tpu.memory_space<hbm>>
      %dma_wait3A_354 = arith.constant 0 : i32
      %dma_wait3A_355 = tpu.memref_slice %arg12[%dma_wait3A_354] : memref<20480xi32, #tpu.memory_space<vmem>> -> memref<512xi32, #tpu.memory_space<vmem>>
      %dma_wait3A_356 = arith.constant 0 : i32
      %dma_wait3A_357 = tpu.memref_slice %arg2[%dma_wait3A_348, %dma_wait3A_356] : memref<2x320000xi32, #tpu.memory_space<hbm>> -> memref<1x512xi32, #tpu.memory_space<hbm>>
      %dma_wait3A_358 = tpu.memref_squeeze %dma_wait3A_357 : memref<1x512xi32, #tpu.memory_space<hbm>> -> memref<512xi32, #tpu.memory_space<hbm>>
      tpu.wait_dma2 semaphore(%arg22 : memref<!tpu.dma_semaphore, #tpu.memory_space<semaphore_mem>>) src(%dma_wait3A_358 : memref<512xi32, #tpu.memory_space<hbm>>) dst(%dma_wait3A_355 : memref<512xi32, #tpu.memory_space<vmem>>)
      %dma_wait3A_359 = arith.constant 1 : i32
      %dma_wait3A_360 = arith.constant 0 : i32
      %dma_wait3A_361 = tpu.memref_slice %arg13[%dma_wait3A_360] : memref<20480xi32, #tpu.memory_space<vmem>> -> memref<512xi32, #tpu.memory_space<vmem>>
      %dma_wait3A_362 = arith.constant 0 : i32
      %dma_wait3A_363 = tpu.memref_slice %arg2[%dma_wait3A_359, %dma_wait3A_362] : memref<2x320000xi32, #tpu.memory_space<hbm>> -> memref<1x512xi32, #tpu.memory_space<hbm>>
      %dma_wait3A_364 = tpu.memref_squeeze %dma_wait3A_363 : memref<1x512xi32, #tpu.memory_space<hbm>> -> memref<512xi32, #tpu.memory_space<hbm>>
      %dma_wait3A_365 = arith.constant 0 : i32
      %dma_wait3A_366 = tpu.memref_slice %arg13[%dma_wait3A_365] : memref<20480xi32, #tpu.memory_space<vmem>> -> memref<512xi32, #tpu.memory_space<vmem>>
      %dma_wait3A_367 = arith.constant 0 : i32
      %dma_wait3A_368 = tpu.memref_slice %arg2[%dma_wait3A_359, %dma_wait3A_367] : memref<2x320000xi32, #tpu.memory_space<hbm>> -> memref<1x512xi32, #tpu.memory_space<hbm>>
      %dma_wait3A_369 = tpu.memref_squeeze %dma_wait3A_368 : memref<1x512xi32, #tpu.memory_space<hbm>> -> memref<512xi32, #tpu.memory_space<hbm>>
      tpu.wait_dma2 semaphore(%arg23 : memref<!tpu.dma_semaphore, #tpu.memory_space<semaphore_mem>>) src(%dma_wait3A_369 : memref<512xi32, #tpu.memory_space<hbm>>) dst(%dma_wait3A_366 : memref<512xi32, #tpu.memory_space<vmem>>)
    } else {
    }
    %barrier3A = arith.constant 0 : index
    tpu.barrier barrier_id(%barrier3A)
    %eq3A_268 = arith.constant 0 : i32
    %eq3A_269 = arith.cmpi eq, %arg0, %eq3A_268 : i32
    %convert_element_type3A_270 = arith.extui %eq3A_269 : i1 to i32
    %cond3A_271 = arith.constant 0 : i32
    %cond3A_272 = arith.cmpi ne, %convert_element_type3A_270, %cond3A_271 : i32
    scf.if %cond3A_272 {
      %dma_start3A_348 = arith.constant 0 : i32
      %dma_start3A_349 = tpu.memref_slice %arg12[%dma_start3A_348] : memref<20480xi32, #tpu.memory_space<vmem>> -> memref<128xi32, #tpu.memory_space<vmem>>
      %dma_start3A_350 = arith.constant 0 : i32
      %dma_start3A_351 = arith.constant 0 : i32
      %dma_start3A_352 = tpu.memref_slice %arg3[%dma_start3A_350, %dma_start3A_351] : memref<10000x64xf32, #tpu.memory_space<hbm>> -> memref<10000x64xf32, #tpu.memory_space<hbm>>
      tpu.enqueue_indirect_dma source(%dma_start3A_352 : memref<10000x64xf32, #tpu.memory_space<hbm>>) target(%arg14 : memref<128x64xf32, #tpu.memory_space<vmem>>) offsets(%dma_start3A_349 : memref<128xi32, #tpu.memory_space<vmem>>) semaphore(%arg20 : memref<!tpu.dma_semaphore, #tpu.memory_space<semaphore_mem>>)
    } else {
    }
    %eq3A_273 = arith.constant 1 : i32
    %eq3A_274 = arith.cmpi eq, %arg0, %eq3A_273 : i32
    %convert_element_type3A_275 = arith.extui %eq3A_274 : i1 to i32
    %cond3A_276 = arith.constant 0 : i32
    %cond3A_277 = arith.cmpi ne, %convert_element_type3A_275, %cond3A_276 : i32
    scf.if %cond3A_277 {
      %dma_start3A_348 = arith.constant 0 : i32
      %dma_start3A_349 = tpu.memref_slice %arg12[%dma_start3A_348] : memref<20480xi32, #tpu.memory_space<vmem>> -> memref<128xi32, #tpu.memory_space<vmem>>
      %dma_start3A_350 = arith.constant 0 : i32
      %dma_start3A_351 = arith.constant 0 : i32
      %dma_start3A_352 = tpu.memref_slice %arg4[%dma_start3A_350, %dma_start3A_351] : memref<10000x64xf32, #tpu.memory_space<hbm>> -> memref<10000x64xf32, #tpu.memory_space<hbm>>
      tpu.enqueue_indirect_dma source(%dma_start3A_352 : memref<10000x64xf32, #tpu.memory_space<hbm>>) target(%arg14 : memref<128x64xf32, #tpu.memory_space<vmem>>) offsets(%dma_start3A_349 : memref<128xi32, #tpu.memory_space<vmem>>) semaphore(%arg20 : memref<!tpu.dma_semaphore, #tpu.memory_space<semaphore_mem>>)
    } else {
    }
    %eq3A_278 = arith.constant 0 : i32
    %eq3A_279 = arith.cmpi eq, %arg0, %eq3A_278 : i32
    %convert_element_type3A_280 = arith.extui %eq3A_279 : i1 to i32
    %cond3A_281 = arith.constant 0 : i32
    %cond3A_282 = arith.cmpi ne, %convert_element_type3A_280, %cond3A_281 : i32
    scf.if %cond3A_282 {
      %dma_start3A_348 = arith.constant 128 : i32
      %dma_start3A_349 = tpu.memref_slice %arg12[%dma_start3A_348] : memref<20480xi32, #tpu.memory_space<vmem>> -> memref<128xi32, #tpu.memory_space<vmem>>
      %dma_start3A_350 = arith.constant 0 : i32
      %dma_start3A_351 = arith.constant 0 : i32
      %dma_start3A_352 = tpu.memref_slice %arg3[%dma_start3A_350, %dma_start3A_351] : memref<10000x64xf32, #tpu.memory_space<hbm>> -> memref<10000x64xf32, #tpu.memory_space<hbm>>
      tpu.enqueue_indirect_dma source(%dma_start3A_352 : memref<10000x64xf32, #tpu.memory_space<hbm>>) target(%arg15 : memref<128x64xf32, #tpu.memory_space<vmem>>) offsets(%dma_start3A_349 : memref<128xi32, #tpu.memory_space<vmem>>) semaphore(%arg21 : memref<!tpu.dma_semaphore, #tpu.memory_space<semaphore_mem>>)
    } else {
    }
    %eq3A_283 = arith.constant 1 : i32
    %eq3A_284 = arith.cmpi eq, %arg0, %eq3A_283 : i32
    %convert_element_type3A_285 = arith.extui %eq3A_284 : i1 to i32
    %cond3A_286 = arith.constant 0 : i32
    %cond3A_287 = arith.cmpi ne, %convert_element_type3A_285, %cond3A_286 : i32
    scf.if %cond3A_287 {
      %dma_start3A_348 = arith.constant 128 : i32
      %dma_start3A_349 = tpu.memref_slice %arg12[%dma_start3A_348] : memref<20480xi32, #tpu.memory_space<vmem>> -> memref<128xi32, #tpu.memory_space<vmem>>
      %dma_start3A_350 = arith.constant 0 : i32
      %dma_start3A_351 = arith.constant 0 : i32
      %dma_start3A_352 = tpu.memref_slice %arg4[%dma_start3A_350, %dma_start3A_351] : memref<10000x64xf32, #tpu.memory_space<hbm>> -> memref<10000x64xf32, #tpu.memory_space<hbm>>
      tpu.enqueue_indirect_dma source(%dma_start3A_352 : memref<10000x64xf32, #tpu.memory_space<hbm>>) target(%arg15 : memref<128x64xf32, #tpu.memory_space<vmem>>) offsets(%dma_start3A_349 : memref<128xi32, #tpu.memory_space<vmem>>) semaphore(%arg21 : memref<!tpu.dma_semaphore, #tpu.memory_space<semaphore_mem>>)
    } else {
    }
    %jit3A_288 = arith.constant 4 : i32
    %div3A = arith.divsi %select_n3A, %jit3A_288 : i32
    %sign3A = arith.constant 0 : i32
    %sign3A_289 = arith.cmpi sgt, %select_n3A, %sign3A : i32
    %sign3A_290 = arith.extui %sign3A_289 : i1 to i32
    %sign3A_291 = arith.constant 0 : i32
    %sign3A_292 = arith.cmpi slt, %select_n3A, %sign3A_291 : i32
    %sign3A_293 = arith.extui %sign3A_292 : i1 to i32
    %sign3A_294 = arith.subi %sign3A_290, %sign3A_293 : i32
    %sign3A_295 = arith.constant 0 : i32
    %sign3A_296 = arith.cmpi sgt, %jit3A_288, %sign3A_295 : i32
    %sign3A_297 = arith.extui %sign3A_296 : i1 to i32
    %sign3A_298 = arith.constant 0 : i32
    %sign3A_299 = arith.cmpi slt, %jit3A_288, %sign3A_298 : i32
    %sign3A_300 = arith.extui %sign3A_299 : i1 to i32
    %sign3A_301 = arith.subi %sign3A_297, %sign3A_300 : i32
    %ne3A = arith.cmpi ne, %sign3A_294, %sign3A_301 : i32
    %rem3A = arith.remsi %select_n3A, %jit3A_288 : i32
    %ne3A_302 = arith.constant 0 : i32
    %ne3A_303 = arith.cmpi ne, %rem3A, %ne3A_302 : i32
    %and3A = arith.andi %ne3A, %ne3A_303 : i1
    %sub3A = arith.constant 1 : i32
    %sub3A_304 = arith.subi %div3A, %sub3A : i32
    %select_n3A_305 = arith.select %and3A, %sub3A_304, %div3A : i32
    %while3A = arith.constant 0 : i32
    %while3A_306 = arith.constant 0 : i32
    %while3A_307 = arith.subi %select_n3A_305, %while3A : i32
    %while3A_308 = arith.addi %while3A, %while3A_307 : i32
    %while3A_309 = arith.constant 1 : i32
    %while3A_310 = arith.divsi %while3A_307, %while3A_309 : i32
    %while3A_311 = arith.muli %while3A_310, %while3A_309 : i32
    %while3A_312 = arith.addi %while3A, %while3A_311 : i32
    %while3A_313 = arith.constant 1 : i32
    %while3A_314 = scf.for %while3A_348 = %while3A to %while3A_312 step %while3A_313 iter_args(%while3A_349 = %while3A_306) -> (i32)  : i32 {
      %mul3A_350 = arith.constant 4 : i32
      %mul3A_351 = arith.muli %mul3A_350, %while3A_348 : i32
      %add3A_352 = arith.constant 0 : i32
      %add3A_353 = arith.addi %mul3A_351, %add3A_352 : i32
      %ge3A = arith.constant 2 : i32
      %ge3A_354 = arith.cmpi sge, %add3A_353, %ge3A : i32
      %convert_element_type3A_355 = arith.extui %ge3A_354 : i1 to i32
      %cond3A_356 = arith.constant 0 : i32
      %cond3A_357 = arith.cmpi ne, %convert_element_type3A_355, %cond3A_356 : i32
      scf.if %cond3A_357 {
        %dma_wait3A_497 = arith.constant 0 : i32
        %dma_wait3A_498 = arith.constant 0 : i32
        %dma_wait3A_499 = tpu.memref_slice %arg19[%dma_wait3A_497, %dma_wait3A_498] : memref<10240x64xf32, #tpu.memory_space<vmem_shared>> -> memref<128x64xf32, #tpu.memory_space<vmem_shared>>
        %dma_wait3A_500 = arith.constant 0 : i32
        %dma_wait3A_501 = arith.constant 0 : i32
        %dma_wait3A_502 = tpu.memref_slice %arg19[%dma_wait3A_500, %dma_wait3A_501] : memref<10240x64xf32, #tpu.memory_space<vmem_shared>> -> memref<128x64xf32, #tpu.memory_space<vmem_shared>>
        tpu.wait_dma2 semaphore(%arg26 : memref<!tpu.dma_semaphore, #tpu.memory_space<semaphore_mem>>) src(%arg16 : memref<128x64xf32, #tpu.memory_space<vmem>>) dst(%dma_wait3A_502 : memref<128x64xf32, #tpu.memory_space<vmem_shared>>)
        %dma_wait3A_503 = arith.constant 0 : i32
        %dma_wait3A_504 = tpu.memref_slice %arg18[%dma_wait3A_503] : memref<10240xf32, #tpu.memory_space<vmem_shared>> -> memref<128xf32, #tpu.memory_space<vmem_shared>>
        %dma_wait3A_505 = arith.constant 0 : i32
        %dma_wait3A_506 = tpu.memref_slice %arg18[%dma_wait3A_505] : memref<10240xf32, #tpu.memory_space<vmem_shared>> -> memref<128xf32, #tpu.memory_space<vmem_shared>>
        tpu.wait_dma2 semaphore(%arg26 : memref<!tpu.dma_semaphore, #tpu.memory_space<semaphore_mem>>) src(%arg11 : memref<128xf32, #tpu.memory_space<vmem>>) dst(%dma_wait3A_506 : memref<128xf32, #tpu.memory_space<vmem_shared>>)
      } else {
      }
      %add3A_358 = arith.constant 2 : i32
      %add3A_359 = arith.addi %add3A_353, %add3A_358 : i32
      %lt3A = arith.cmpi slt, %add3A_359, %select_n3A : i32
      %convert_element_type3A_360 = arith.extui %lt3A : i1 to i32
      %cond3A_361 = arith.constant 0 : i32
      %cond3A_362 = arith.cmpi ne, %convert_element_type3A_360, %cond3A_361 : i32
      scf.if %cond3A_362 {
        %add3A_497 = arith.constant 2 : i32
        %add3A_498 = arith.addi %add3A_353, %add3A_497 : i32
        %mul3A_499 = arith.constant 128 : i32
        %mul3A_500 = arith.muli %add3A_498, %mul3A_499 : i32
        %eq3A_501 = arith.constant 0 : i32
        %eq3A_502 = arith.cmpi eq, %arg0, %eq3A_501 : i32
        %convert_element_type3A_503 = arith.extui %eq3A_502 : i1 to i32
        %cond3A_504 = arith.constant 0 : i32
        %cond3A_505 = arith.cmpi ne, %convert_element_type3A_503, %cond3A_504 : i32
        scf.if %cond3A_505 {
          %dma_start3A_511 = tpu.memref_slice %arg12[%mul3A_500] : memref<20480xi32, #tpu.memory_space<vmem>> -> memref<128xi32, #tpu.memory_space<vmem>>
          %dma_start3A_512 = arith.constant 0 : i32
          %dma_start3A_513 = arith.constant 0 : i32
          %dma_start3A_514 = tpu.memref_slice %arg3[%dma_start3A_512, %dma_start3A_513] : memref<10000x64xf32, #tpu.memory_space<hbm>> -> memref<10000x64xf32, #tpu.memory_space<hbm>>
          tpu.enqueue_indirect_dma source(%dma_start3A_514 : memref<10000x64xf32, #tpu.memory_space<hbm>>) target(%arg16 : memref<128x64xf32, #tpu.memory_space<vmem>>) offsets(%dma_start3A_511 : memref<128xi32, #tpu.memory_space<vmem>>) semaphore(%arg22 : memref<!tpu.dma_semaphore, #tpu.memory_space<semaphore_mem>>)
        } else {
        }
        %eq3A_506 = arith.constant 1 : i32
        %eq3A_507 = arith.cmpi eq, %arg0, %eq3A_506 : i32
        %convert_element_type3A_508 = arith.extui %eq3A_507 : i1 to i32
        %cond3A_509 = arith.constant 0 : i32
        %cond3A_510 = arith.cmpi ne, %convert_element_type3A_508, %cond3A_509 : i32
        scf.if %cond3A_510 {
          %dma_start3A_511 = tpu.memref_slice %arg12[%mul3A_500] : memref<20480xi32, #tpu.memory_space<vmem>> -> memref<128xi32, #tpu.memory_space<vmem>>
          %dma_start3A_512 = arith.constant 0 : i32
          %dma_start3A_513 = arith.constant 0 : i32
          %dma_start3A_514 = tpu.memref_slice %arg4[%dma_start3A_512, %dma_start3A_513] : memref<10000x64xf32, #tpu.memory_space<hbm>> -> memref<10000x64xf32, #tpu.memory_space<hbm>>
          tpu.enqueue_indirect_dma source(%dma_start3A_514 : memref<10000x64xf32, #tpu.memory_space<hbm>>) target(%arg16 : memref<128x64xf32, #tpu.memory_space<vmem>>) offsets(%dma_start3A_511 : memref<128xi32, #tpu.memory_space<vmem>>) semaphore(%arg22 : memref<!tpu.dma_semaphore, #tpu.memory_space<semaphore_mem>>)
        } else {
        }
      } else {
      }
      %dma_wait3A_363 = arith.constant 0 : i32
      %dma_wait3A_364 = arith.constant 0 : i32
      %dma_wait3A_365 = tpu.memref_slice %arg3[%dma_wait3A_363, %dma_wait3A_364] : memref<10000x64xf32, #tpu.memory_space<hbm>> -> memref<128x64xf32, #tpu.memory_space<hbm>>
      %dma_wait3A_366 = arith.constant 0 : i32
      %dma_wait3A_367 = arith.constant 0 : i32
      %dma_wait3A_368 = tpu.memref_slice %arg3[%dma_wait3A_366, %dma_wait3A_367] : memref<10000x64xf32, #tpu.memory_space<hbm>> -> memref<128x64xf32, #tpu.memory_space<hbm>>
      tpu.wait_dma2 semaphore(%arg20 : memref<!tpu.dma_semaphore, #tpu.memory_space<semaphore_mem>>) src(%dma_wait3A_368 : memref<128x64xf32, #tpu.memory_space<hbm>>) dst(%arg14 : memref<128x64xf32, #tpu.memory_space<vmem>>)
      %mul3A_369 = arith.constant 128 : i32
      %mul3A_370 = arith.muli %add3A_353, %mul3A_369 : i32
      %dma_start3A_371 = tpu.memref_slice %arg13[%mul3A_370] : memref<20480xi32, #tpu.memory_space<vmem>> -> memref<128xi32, #tpu.memory_space<vmem>>
      %dma_start3A_372 = arith.constant 0 : i32
      %dma_start3A_373 = arith.constant 0 : i32
      %dma_start3A_374 = tpu.memref_slice %arg19[%dma_start3A_372, %dma_start3A_373] : memref<10240x64xf32, #tpu.memory_space<vmem_shared>> -> memref<10240x64xf32, #tpu.memory_space<vmem_shared>>
      tpu.enqueue_indirect_dma source(%arg14 : memref<128x64xf32, #tpu.memory_space<vmem>>) target(%dma_start3A_374 : memref<10240x64xf32, #tpu.memory_space<vmem_shared>>) offsets(%dma_start3A_371 : memref<128xi32, #tpu.memory_space<vmem>>) semaphore(%arg24 : memref<!tpu.dma_semaphore, #tpu.memory_space<semaphore_mem>>) {add = true}
      %eq3A_375 = arith.constant 0 : i32
      %eq3A_376 = arith.cmpi eq, %arg0, %eq3A_375 : i32
      %convert_element_type3A_377 = arith.extui %eq3A_376 : i1 to i32
      %cond3A_378 = arith.constant 0 : i32
      %cond3A_379 = arith.cmpi ne, %convert_element_type3A_377, %cond3A_378 : i32
      scf.if %cond3A_379 {
        %mul3A_497 = arith.constant 128 : i32
        %mul3A_498 = arith.muli %add3A_353, %mul3A_497 : i32
        %dma_start3A_499 = tpu.memref_slice %arg12[%mul3A_498] : memref<20480xi32, #tpu.memory_space<vmem>> -> memref<128xi32, #tpu.memory_space<vmem>>
        %dma_start3A_500 = arith.constant 0 : i32
        %dma_start3A_501 = tpu.memref_slice %arg18[%dma_start3A_500] : memref<10240xf32, #tpu.memory_space<vmem_shared>> -> memref<10240xf32, #tpu.memory_space<vmem_shared>>
        tpu.enqueue_indirect_dma source(%arg11 : memref<128xf32, #tpu.memory_space<vmem>>) target(%dma_start3A_501 : memref<10240xf32, #tpu.memory_space<vmem_shared>>) offsets(%dma_start3A_499 : memref<128xi32, #tpu.memory_space<vmem>>) semaphore(%arg24 : memref<!tpu.dma_semaphore, #tpu.memory_space<semaphore_mem>>) {add = true}
      } else {
      }
      %eq3A_380 = arith.constant 1 : i32
      %eq3A_381 = arith.cmpi eq, %arg0, %eq3A_380 : i32
      %convert_element_type3A_382 = arith.extui %eq3A_381 : i1 to i32
      %cond3A_383 = arith.constant 0 : i32
      %cond3A_384 = arith.cmpi ne, %convert_element_type3A_382, %cond3A_383 : i32
      scf.if %cond3A_384 {
        %mul3A_497 = arith.constant 128 : i32
        %mul3A_498 = arith.muli %add3A_353, %mul3A_497 : i32
        %dma_start3A_499 = tpu.memref_slice %arg13[%mul3A_498] : memref<20480xi32, #tpu.memory_space<vmem>> -> memref<128xi32, #tpu.memory_space<vmem>>
        %dma_start3A_500 = arith.constant 0 : i32
        %dma_start3A_501 = tpu.memref_slice %arg18[%dma_start3A_500] : memref<10240xf32, #tpu.memory_space<vmem_shared>> -> memref<10240xf32, #tpu.memory_space<vmem_shared>>
        tpu.enqueue_indirect_dma source(%arg11 : memref<128xf32, #tpu.memory_space<vmem>>) target(%dma_start3A_501 : memref<10240xf32, #tpu.memory_space<vmem_shared>>) offsets(%dma_start3A_499 : memref<128xi32, #tpu.memory_space<vmem>>) semaphore(%arg24 : memref<!tpu.dma_semaphore, #tpu.memory_space<semaphore_mem>>) {add = true}
      } else {
      }
      %mul3A_385 = arith.constant 4 : i32
      %mul3A_386 = arith.muli %mul3A_385, %while3A_348 : i32
      %add3A_387 = arith.constant 1 : i32
      %add3A_388 = arith.addi %mul3A_386, %add3A_387 : i32
      %ge3A_389 = arith.constant 2 : i32
      %ge3A_390 = arith.cmpi sge, %add3A_388, %ge3A_389 : i32
      %convert_element_type3A_391 = arith.extui %ge3A_390 : i1 to i32
      %cond3A_392 = arith.constant 0 : i32
      %cond3A_393 = arith.cmpi ne, %convert_element_type3A_391, %cond3A_392 : i32
      scf.if %cond3A_393 {
        %dma_wait3A_497 = arith.constant 0 : i32
        %dma_wait3A_498 = arith.constant 0 : i32
        %dma_wait3A_499 = tpu.memref_slice %arg19[%dma_wait3A_497, %dma_wait3A_498] : memref<10240x64xf32, #tpu.memory_space<vmem_shared>> -> memref<128x64xf32, #tpu.memory_space<vmem_shared>>
        %dma_wait3A_500 = arith.constant 0 : i32
        %dma_wait3A_501 = arith.constant 0 : i32
        %dma_wait3A_502 = tpu.memref_slice %arg19[%dma_wait3A_500, %dma_wait3A_501] : memref<10240x64xf32, #tpu.memory_space<vmem_shared>> -> memref<128x64xf32, #tpu.memory_space<vmem_shared>>
        tpu.wait_dma2 semaphore(%arg27 : memref<!tpu.dma_semaphore, #tpu.memory_space<semaphore_mem>>) src(%arg17 : memref<128x64xf32, #tpu.memory_space<vmem>>) dst(%dma_wait3A_502 : memref<128x64xf32, #tpu.memory_space<vmem_shared>>)
        %dma_wait3A_503 = arith.constant 0 : i32
        %dma_wait3A_504 = tpu.memref_slice %arg18[%dma_wait3A_503] : memref<10240xf32, #tpu.memory_space<vmem_shared>> -> memref<128xf32, #tpu.memory_space<vmem_shared>>
        %dma_wait3A_505 = arith.constant 0 : i32
        %dma_wait3A_506 = tpu.memref_slice %arg18[%dma_wait3A_505] : memref<10240xf32, #tpu.memory_space<vmem_shared>> -> memref<128xf32, #tpu.memory_space<vmem_shared>>
        tpu.wait_dma2 semaphore(%arg27 : memref<!tpu.dma_semaphore, #tpu.memory_space<semaphore_mem>>) src(%arg11 : memref<128xf32, #tpu.memory_space<vmem>>) dst(%dma_wait3A_506 : memref<128xf32, #tpu.memory_space<vmem_shared>>)
      } else {
      }
      %add3A_394 = arith.constant 2 : i32
      %add3A_395 = arith.addi %add3A_388, %add3A_394 : i32
      %lt3A_396 = arith.cmpi slt, %add3A_395, %select_n3A : i32
      %convert_element_type3A_397 = arith.extui %lt3A_396 : i1 to i32
      %cond3A_398 = arith.constant 0 : i32
      %cond3A_399 = arith.cmpi ne, %convert_element_type3A_397, %cond3A_398 : i32
      scf.if %cond3A_399 {
        %add3A_497 = arith.constant 2 : i32
        %add3A_498 = arith.addi %add3A_388, %add3A_497 : i32
        %mul3A_499 = arith.constant 128 : i32
        %mul3A_500 = arith.muli %add3A_498, %mul3A_499 : i32
        %eq3A_501 = arith.constant 0 : i32
        %eq3A_502 = arith.cmpi eq, %arg0, %eq3A_501 : i32
        %convert_element_type3A_503 = arith.extui %eq3A_502 : i1 to i32
        %cond3A_504 = arith.constant 0 : i32
        %cond3A_505 = arith.cmpi ne, %convert_element_type3A_503, %cond3A_504 : i32
        scf.if %cond3A_505 {
          %dma_start3A_511 = tpu.memref_slice %arg12[%mul3A_500] : memref<20480xi32, #tpu.memory_space<vmem>> -> memref<128xi32, #tpu.memory_space<vmem>>
          %dma_start3A_512 = arith.constant 0 : i32
          %dma_start3A_513 = arith.constant 0 : i32
          %dma_start3A_514 = tpu.memref_slice %arg3[%dma_start3A_512, %dma_start3A_513] : memref<10000x64xf32, #tpu.memory_space<hbm>> -> memref<10000x64xf32, #tpu.memory_space<hbm>>
          tpu.enqueue_indirect_dma source(%dma_start3A_514 : memref<10000x64xf32, #tpu.memory_space<hbm>>) target(%arg17 : memref<128x64xf32, #tpu.memory_space<vmem>>) offsets(%dma_start3A_511 : memref<128xi32, #tpu.memory_space<vmem>>) semaphore(%arg23 : memref<!tpu.dma_semaphore, #tpu.memory_space<semaphore_mem>>)
        } else {
        }
        %eq3A_506 = arith.constant 1 : i32
        %eq3A_507 = arith.cmpi eq, %arg0, %eq3A_506 : i32
        %convert_element_type3A_508 = arith.extui %eq3A_507 : i1 to i32
        %cond3A_509 = arith.constant 0 : i32
        %cond3A_510 = arith.cmpi ne, %convert_element_type3A_508, %cond3A_509 : i32
        scf.if %cond3A_510 {
          %dma_start3A_511 = tpu.memref_slice %arg12[%mul3A_500] : memref<20480xi32, #tpu.memory_space<vmem>> -> memref<128xi32, #tpu.memory_space<vmem>>
          %dma_start3A_512 = arith.constant 0 : i32
          %dma_start3A_513 = arith.constant 0 : i32
          %dma_start3A_514 = tpu.memref_slice %arg4[%dma_start3A_512, %dma_start3A_513] : memref<10000x64xf32, #tpu.memory_space<hbm>> -> memref<10000x64xf32, #tpu.memory_space<hbm>>
          tpu.enqueue_indirect_dma source(%dma_start3A_514 : memref<10000x64xf32, #tpu.memory_space<hbm>>) target(%arg17 : memref<128x64xf32, #tpu.memory_space<vmem>>) offsets(%dma_start3A_511 : memref<128xi32, #tpu.memory_space<vmem>>) semaphore(%arg23 : memref<!tpu.dma_semaphore, #tpu.memory_space<semaphore_mem>>)
        } else {
        }
      } else {
      }
      %dma_wait3A_400 = arith.constant 0 : i32
      %dma_wait3A_401 = arith.constant 0 : i32
      %dma_wait3A_402 = tpu.memref_slice %arg3[%dma_wait3A_400, %dma_wait3A_401] : memref<10000x64xf32, #tpu.memory_space<hbm>> -> memref<128x64xf32, #tpu.memory_space<hbm>>
      %dma_wait3A_403 = arith.constant 0 : i32
      %dma_wait3A_404 = arith.constant 0 : i32
      %dma_wait3A_405 = tpu.memref_slice %arg3[%dma_wait3A_403, %dma_wait3A_404] : memref<10000x64xf32, #tpu.memory_space<hbm>> -> memref<128x64xf32, #tpu.memory_space<hbm>>
      tpu.wait_dma2 semaphore(%arg21 : memref<!tpu.dma_semaphore, #tpu.memory_space<semaphore_mem>>) src(%dma_wait3A_405 : memref<128x64xf32, #tpu.memory_space<hbm>>) dst(%arg15 : memref<128x64xf32, #tpu.memory_space<vmem>>)
      %mul3A_406 = arith.constant 128 : i32
      %mul3A_407 = arith.muli %add3A_388, %mul3A_406 : i32
      %dma_start3A_408 = tpu.memref_slice %arg13[%mul3A_407] : memref<20480xi32, #tpu.memory_space<vmem>> -> memref<128xi32, #tpu.memory_space<vmem>>
      %dma_start3A_409 = arith.constant 0 : i32
      %dma_start3A_410 = arith.constant 0 : i32
      %dma_start3A_411 = tpu.memref_slice %arg19[%dma_start3A_409, %dma_start3A_410] : memref<10240x64xf32, #tpu.memory_space<vmem_shared>> -> memref<10240x64xf32, #tpu.memory_space<vmem_shared>>
      tpu.enqueue_indirect_dma source(%arg15 : memref<128x64xf32, #tpu.memory_space<vmem>>) target(%dma_start3A_411 : memref<10240x64xf32, #tpu.memory_space<vmem_shared>>) offsets(%dma_start3A_408 : memref<128xi32, #tpu.memory_space<vmem>>) semaphore(%arg25 : memref<!tpu.dma_semaphore, #tpu.memory_space<semaphore_mem>>) {add = true}
      %eq3A_412 = arith.constant 0 : i32
      %eq3A_413 = arith.cmpi eq, %arg0, %eq3A_412 : i32
      %convert_element_type3A_414 = arith.extui %eq3A_413 : i1 to i32
      %cond3A_415 = arith.constant 0 : i32
      %cond3A_416 = arith.cmpi ne, %convert_element_type3A_414, %cond3A_415 : i32
      scf.if %cond3A_416 {
        %mul3A_497 = arith.constant 128 : i32
        %mul3A_498 = arith.muli %add3A_388, %mul3A_497 : i32
        %dma_start3A_499 = tpu.memref_slice %arg12[%mul3A_498] : memref<20480xi32, #tpu.memory_space<vmem>> -> memref<128xi32, #tpu.memory_space<vmem>>
        %dma_start3A_500 = arith.constant 0 : i32
        %dma_start3A_501 = tpu.memref_slice %arg18[%dma_start3A_500] : memref<10240xf32, #tpu.memory_space<vmem_shared>> -> memref<10240xf32, #tpu.memory_space<vmem_shared>>
        tpu.enqueue_indirect_dma source(%arg11 : memref<128xf32, #tpu.memory_space<vmem>>) target(%dma_start3A_501 : memref<10240xf32, #tpu.memory_space<vmem_shared>>) offsets(%dma_start3A_499 : memref<128xi32, #tpu.memory_space<vmem>>) semaphore(%arg25 : memref<!tpu.dma_semaphore, #tpu.memory_space<semaphore_mem>>) {add = true}
      } else {
      }
      %eq3A_417 = arith.constant 1 : i32
      %eq3A_418 = arith.cmpi eq, %arg0, %eq3A_417 : i32
      %convert_element_type3A_419 = arith.extui %eq3A_418 : i1 to i32
      %cond3A_420 = arith.constant 0 : i32
      %cond3A_421 = arith.cmpi ne, %convert_element_type3A_419, %cond3A_420 : i32
      scf.if %cond3A_421 {
        %mul3A_497 = arith.constant 128 : i32
        %mul3A_498 = arith.muli %add3A_388, %mul3A_497 : i32
        %dma_start3A_499 = tpu.memref_slice %arg13[%mul3A_498] : memref<20480xi32, #tpu.memory_space<vmem>> -> memref<128xi32, #tpu.memory_space<vmem>>
        %dma_start3A_500 = arith.constant 0 : i32
        %dma_start3A_501 = tpu.memref_slice %arg18[%dma_start3A_500] : memref<10240xf32, #tpu.memory_space<vmem_shared>> -> memref<10240xf32, #tpu.memory_space<vmem_shared>>
        tpu.enqueue_indirect_dma source(%arg11 : memref<128xf32, #tpu.memory_space<vmem>>) target(%dma_start3A_501 : memref<10240xf32, #tpu.memory_space<vmem_shared>>) offsets(%dma_start3A_499 : memref<128xi32, #tpu.memory_space<vmem>>) semaphore(%arg25 : memref<!tpu.dma_semaphore, #tpu.memory_space<semaphore_mem>>) {add = true}
      } else {
      }
      %mul3A_422 = arith.constant 4 : i32
      %mul3A_423 = arith.muli %mul3A_422, %while3A_348 : i32
      %add3A_424 = arith.constant 2 : i32
      %add3A_425 = arith.addi %mul3A_423, %add3A_424 : i32
      %ge3A_426 = arith.constant 2 : i32
      %ge3A_427 = arith.cmpi sge, %add3A_425, %ge3A_426 : i32
      %convert_element_type3A_428 = arith.extui %ge3A_427 : i1 to i32
      %cond3A_429 = arith.constant 0 : i32
      %cond3A_430 = arith.cmpi ne, %convert_element_type3A_428, %cond3A_429 : i32
      scf.if %cond3A_430 {
        %dma_wait3A_497 = arith.constant 0 : i32
        %dma_wait3A_498 = arith.constant 0 : i32
        %dma_wait3A_499 = tpu.memref_slice %arg19[%dma_wait3A_497, %dma_wait3A_498] : memref<10240x64xf32, #tpu.memory_space<vmem_shared>> -> memref<128x64xf32, #tpu.memory_space<vmem_shared>>
        %dma_wait3A_500 = arith.constant 0 : i32
        %dma_wait3A_501 = arith.constant 0 : i32
        %dma_wait3A_502 = tpu.memref_slice %arg19[%dma_wait3A_500, %dma_wait3A_501] : memref<10240x64xf32, #tpu.memory_space<vmem_shared>> -> memref<128x64xf32, #tpu.memory_space<vmem_shared>>
        tpu.wait_dma2 semaphore(%arg24 : memref<!tpu.dma_semaphore, #tpu.memory_space<semaphore_mem>>) src(%arg14 : memref<128x64xf32, #tpu.memory_space<vmem>>) dst(%dma_wait3A_502 : memref<128x64xf32, #tpu.memory_space<vmem_shared>>)
        %dma_wait3A_503 = arith.constant 0 : i32
        %dma_wait3A_504 = tpu.memref_slice %arg18[%dma_wait3A_503] : memref<10240xf32, #tpu.memory_space<vmem_shared>> -> memref<128xf32, #tpu.memory_space<vmem_shared>>
        %dma_wait3A_505 = arith.constant 0 : i32
        %dma_wait3A_506 = tpu.memref_slice %arg18[%dma_wait3A_505] : memref<10240xf32, #tpu.memory_space<vmem_shared>> -> memref<128xf32, #tpu.memory_space<vmem_shared>>
        tpu.wait_dma2 semaphore(%arg24 : memref<!tpu.dma_semaphore, #tpu.memory_space<semaphore_mem>>) src(%arg11 : memref<128xf32, #tpu.memory_space<vmem>>) dst(%dma_wait3A_506 : memref<128xf32, #tpu.memory_space<vmem_shared>>)
      } else {
      }
      %add3A_431 = arith.constant 2 : i32
      %add3A_432 = arith.addi %add3A_425, %add3A_431 : i32
      %lt3A_433 = arith.cmpi slt, %add3A_432, %select_n3A : i32
      %convert_element_type3A_434 = arith.extui %lt3A_433 : i1 to i32
      %cond3A_435 = arith.constant 0 : i32
      %cond3A_436 = arith.cmpi ne, %convert_element_type3A_434, %cond3A_435 : i32
      scf.if %cond3A_436 {
        %add3A_497 = arith.constant 2 : i32
        %add3A_498 = arith.addi %add3A_425, %add3A_497 : i32
        %mul3A_499 = arith.constant 128 : i32
        %mul3A_500 = arith.muli %add3A_498, %mul3A_499 : i32
        %eq3A_501 = arith.constant 0 : i32
        %eq3A_502 = arith.cmpi eq, %arg0, %eq3A_501 : i32
        %convert_element_type3A_503 = arith.extui %eq3A_502 : i1 to i32
        %cond3A_504 = arith.constant 0 : i32
        %cond3A_505 = arith.cmpi ne, %convert_element_type3A_503, %cond3A_504 : i32
        scf.if %cond3A_505 {
          %dma_start3A_511 = tpu.memref_slice %arg12[%mul3A_500] : memref<20480xi32, #tpu.memory_space<vmem>> -> memref<128xi32, #tpu.memory_space<vmem>>
          %dma_start3A_512 = arith.constant 0 : i32
          %dma_start3A_513 = arith.constant 0 : i32
          %dma_start3A_514 = tpu.memref_slice %arg3[%dma_start3A_512, %dma_start3A_513] : memref<10000x64xf32, #tpu.memory_space<hbm>> -> memref<10000x64xf32, #tpu.memory_space<hbm>>
          tpu.enqueue_indirect_dma source(%dma_start3A_514 : memref<10000x64xf32, #tpu.memory_space<hbm>>) target(%arg14 : memref<128x64xf32, #tpu.memory_space<vmem>>) offsets(%dma_start3A_511 : memref<128xi32, #tpu.memory_space<vmem>>) semaphore(%arg20 : memref<!tpu.dma_semaphore, #tpu.memory_space<semaphore_mem>>)
        } else {
        }
        %eq3A_506 = arith.constant 1 : i32
        %eq3A_507 = arith.cmpi eq, %arg0, %eq3A_506 : i32
        %convert_element_type3A_508 = arith.extui %eq3A_507 : i1 to i32
        %cond3A_509 = arith.constant 0 : i32
        %cond3A_510 = arith.cmpi ne, %convert_element_type3A_508, %cond3A_509 : i32
        scf.if %cond3A_510 {
          %dma_start3A_511 = tpu.memref_slice %arg12[%mul3A_500] : memref<20480xi32, #tpu.memory_space<vmem>> -> memref<128xi32, #tpu.memory_space<vmem>>
          %dma_start3A_512 = arith.constant 0 : i32
          %dma_start3A_513 = arith.constant 0 : i32
          %dma_start3A_514 = tpu.memref_slice %arg4[%dma_start3A_512, %dma_start3A_513] : memref<10000x64xf32, #tpu.memory_space<hbm>> -> memref<10000x64xf32, #tpu.memory_space<hbm>>
          tpu.enqueue_indirect_dma source(%dma_start3A_514 : memref<10000x64xf32, #tpu.memory_space<hbm>>) target(%arg14 : memref<128x64xf32, #tpu.memory_space<vmem>>) offsets(%dma_start3A_511 : memref<128xi32, #tpu.memory_space<vmem>>) semaphore(%arg20 : memref<!tpu.dma_semaphore, #tpu.memory_space<semaphore_mem>>)
        } else {
        }
      } else {
      }
      %dma_wait3A_437 = arith.constant 0 : i32
      %dma_wait3A_438 = arith.constant 0 : i32
      %dma_wait3A_439 = tpu.memref_slice %arg3[%dma_wait3A_437, %dma_wait3A_438] : memref<10000x64xf32, #tpu.memory_space<hbm>> -> memref<128x64xf32, #tpu.memory_space<hbm>>
      %dma_wait3A_440 = arith.constant 0 : i32
      %dma_wait3A_441 = arith.constant 0 : i32
      %dma_wait3A_442 = tpu.memref_slice %arg3[%dma_wait3A_440, %dma_wait3A_441] : memref<10000x64xf32, #tpu.memory_space<hbm>> -> memref<128x64xf32, #tpu.memory_space<hbm>>
      tpu.wait_dma2 semaphore(%arg22 : memref<!tpu.dma_semaphore, #tpu.memory_space<semaphore_mem>>) src(%dma_wait3A_442 : memref<128x64xf32, #tpu.memory_space<hbm>>) dst(%arg16 : memref<128x64xf32, #tpu.memory_space<vmem>>)
      %mul3A_443 = arith.constant 128 : i32
      %mul3A_444 = arith.muli %add3A_425, %mul3A_443 : i32
      %dma_start3A_445 = tpu.memref_slice %arg13[%mul3A_444] : memref<20480xi32, #tpu.memory_space<vmem>> -> memref<128xi32, #tpu.memory_space<vmem>>
      %dma_start3A_446 = arith.constant 0 : i32
      %dma_start3A_447 = arith.constant 0 : i32
      %dma_start3A_448 = tpu.memref_slice %arg19[%dma_start3A_446, %dma_start3A_447] : memref<10240x64xf32, #tpu.memory_space<vmem_shared>> -> memref<10240x64xf32, #tpu.memory_space<vmem_shared>>
      tpu.enqueue_indirect_dma source(%arg16 : memref<128x64xf32, #tpu.memory_space<vmem>>) target(%dma_start3A_448 : memref<10240x64xf32, #tpu.memory_space<vmem_shared>>) offsets(%dma_start3A_445 : memref<128xi32, #tpu.memory_space<vmem>>) semaphore(%arg26 : memref<!tpu.dma_semaphore, #tpu.memory_space<semaphore_mem>>) {add = true}
      %eq3A_449 = arith.constant 0 : i32
      %eq3A_450 = arith.cmpi eq, %arg0, %eq3A_449 : i32
      %convert_element_type3A_451 = arith.extui %eq3A_450 : i1 to i32
      %cond3A_452 = arith.constant 0 : i32
      %cond3A_453 = arith.cmpi ne, %convert_element_type3A_451, %cond3A_452 : i32
      scf.if %cond3A_453 {
        %mul3A_497 = arith.constant 128 : i32
        %mul3A_498 = arith.muli %add3A_425, %mul3A_497 : i32
        %dma_start3A_499 = tpu.memref_slice %arg12[%mul3A_498] : memref<20480xi32, #tpu.memory_space<vmem>> -> memref<128xi32, #tpu.memory_space<vmem>>
        %dma_start3A_500 = arith.constant 0 : i32
        %dma_start3A_501 = tpu.memref_slice %arg18[%dma_start3A_500] : memref<10240xf32, #tpu.memory_space<vmem_shared>> -> memref<10240xf32, #tpu.memory_space<vmem_shared>>
        tpu.enqueue_indirect_dma source(%arg11 : memref<128xf32, #tpu.memory_space<vmem>>) target(%dma_start3A_501 : memref<10240xf32, #tpu.memory_space<vmem_shared>>) offsets(%dma_start3A_499 : memref<128xi32, #tpu.memory_space<vmem>>) semaphore(%arg26 : memref<!tpu.dma_semaphore, #tpu.memory_space<semaphore_mem>>) {add = true}
      } else {
      }
      %eq3A_454 = arith.constant 1 : i32
      %eq3A_455 = arith.cmpi eq, %arg0, %eq3A_454 : i32
      %convert_element_type3A_456 = arith.extui %eq3A_455 : i1 to i32
      %cond3A_457 = arith.constant 0 : i32
      %cond3A_458 = arith.cmpi ne, %convert_element_type3A_456, %cond3A_457 : i32
      scf.if %cond3A_458 {
        %mul3A_497 = arith.constant 128 : i32
        %mul3A_498 = arith.muli %add3A_425, %mul3A_497 : i32
        %dma_start3A_499 = tpu.memref_slice %arg13[%mul3A_498] : memref<20480xi32, #tpu.memory_space<vmem>> -> memref<128xi32, #tpu.memory_space<vmem>>
        %dma_start3A_500 = arith.constant 0 : i32
        %dma_start3A_501 = tpu.memref_slice %arg18[%dma_start3A_500] : memref<10240xf32, #tpu.memory_space<vmem_shared>> -> memref<10240xf32, #tpu.memory_space<vmem_shared>>
        tpu.enqueue_indirect_dma source(%arg11 : memref<128xf32, #tpu.memory_space<vmem>>) target(%dma_start3A_501 : memref<10240xf32, #tpu.memory_space<vmem_shared>>) offsets(%dma_start3A_499 : memref<128xi32, #tpu.memory_space<vmem>>) semaphore(%arg26 : memref<!tpu.dma_semaphore, #tpu.memory_space<semaphore_mem>>) {add = true}
      } else {
      }
      %mul3A_459 = arith.constant 4 : i32
      %mul3A_460 = arith.muli %mul3A_459, %while3A_348 : i32
      %add3A_461 = arith.constant 3 : i32
      %add3A_462 = arith.addi %mul3A_460, %add3A_461 : i32
      %ge3A_463 = arith.constant 2 : i32
      %ge3A_464 = arith.cmpi sge, %add3A_462, %ge3A_463 : i32
      %convert_element_type3A_465 = arith.extui %ge3A_464 : i1 to i32
      %cond3A_466 = arith.constant 0 : i32
      %cond3A_467 = arith.cmpi ne, %convert_element_type3A_465, %cond3A_466 : i32
      scf.if %cond3A_467 {
        %dma_wait3A_497 = arith.constant 0 : i32
        %dma_wait3A_498 = arith.constant 0 : i32
        %dma_wait3A_499 = tpu.memref_slice %arg19[%dma_wait3A_497, %dma_wait3A_498] : memref<10240x64xf32, #tpu.memory_space<vmem_shared>> -> memref<128x64xf32, #tpu.memory_space<vmem_shared>>
        %dma_wait3A_500 = arith.constant 0 : i32
        %dma_wait3A_501 = arith.constant 0 : i32
        %dma_wait3A_502 = tpu.memref_slice %arg19[%dma_wait3A_500, %dma_wait3A_501] : memref<10240x64xf32, #tpu.memory_space<vmem_shared>> -> memref<128x64xf32, #tpu.memory_space<vmem_shared>>
        tpu.wait_dma2 semaphore(%arg25 : memref<!tpu.dma_semaphore, #tpu.memory_space<semaphore_mem>>) src(%arg15 : memref<128x64xf32, #tpu.memory_space<vmem>>) dst(%dma_wait3A_502 : memref<128x64xf32, #tpu.memory_space<vmem_shared>>)
        %dma_wait3A_503 = arith.constant 0 : i32
        %dma_wait3A_504 = tpu.memref_slice %arg18[%dma_wait3A_503] : memref<10240xf32, #tpu.memory_space<vmem_shared>> -> memref<128xf32, #tpu.memory_space<vmem_shared>>
        %dma_wait3A_505 = arith.constant 0 : i32
        %dma_wait3A_506 = tpu.memref_slice %arg18[%dma_wait3A_505] : memref<10240xf32, #tpu.memory_space<vmem_shared>> -> memref<128xf32, #tpu.memory_space<vmem_shared>>
        tpu.wait_dma2 semaphore(%arg25 : memref<!tpu.dma_semaphore, #tpu.memory_space<semaphore_mem>>) src(%arg11 : memref<128xf32, #tpu.memory_space<vmem>>) dst(%dma_wait3A_506 : memref<128xf32, #tpu.memory_space<vmem_shared>>)
      } else {
      }
      %add3A_468 = arith.constant 2 : i32
      %add3A_469 = arith.addi %add3A_462, %add3A_468 : i32
      %lt3A_470 = arith.cmpi slt, %add3A_469, %select_n3A : i32
      %convert_element_type3A_471 = arith.extui %lt3A_470 : i1 to i32
      %cond3A_472 = arith.constant 0 : i32
      %cond3A_473 = arith.cmpi ne, %convert_element_type3A_471, %cond3A_472 : i32
      scf.if %cond3A_473 {
        %add3A_497 = arith.constant 2 : i32
        %add3A_498 = arith.addi %add3A_462, %add3A_497 : i32
        %mul3A_499 = arith.constant 128 : i32
        %mul3A_500 = arith.muli %add3A_498, %mul3A_499 : i32
        %eq3A_501 = arith.constant 0 : i32
        %eq3A_502 = arith.cmpi eq, %arg0, %eq3A_501 : i32
        %convert_element_type3A_503 = arith.extui %eq3A_502 : i1 to i32
        %cond3A_504 = arith.constant 0 : i32
        %cond3A_505 = arith.cmpi ne, %convert_element_type3A_503, %cond3A_504 : i32
        scf.if %cond3A_505 {
          %dma_start3A_511 = tpu.memref_slice %arg12[%mul3A_500] : memref<20480xi32, #tpu.memory_space<vmem>> -> memref<128xi32, #tpu.memory_space<vmem>>
          %dma_start3A_512 = arith.constant 0 : i32
          %dma_start3A_513 = arith.constant 0 : i32
          %dma_start3A_514 = tpu.memref_slice %arg3[%dma_start3A_512, %dma_start3A_513] : memref<10000x64xf32, #tpu.memory_space<hbm>> -> memref<10000x64xf32, #tpu.memory_space<hbm>>
          tpu.enqueue_indirect_dma source(%dma_start3A_514 : memref<10000x64xf32, #tpu.memory_space<hbm>>) target(%arg15 : memref<128x64xf32, #tpu.memory_space<vmem>>) offsets(%dma_start3A_511 : memref<128xi32, #tpu.memory_space<vmem>>) semaphore(%arg21 : memref<!tpu.dma_semaphore, #tpu.memory_space<semaphore_mem>>)
        } else {
        }
        %eq3A_506 = arith.constant 1 : i32
        %eq3A_507 = arith.cmpi eq, %arg0, %eq3A_506 : i32
        %convert_element_type3A_508 = arith.extui %eq3A_507 : i1 to i32
        %cond3A_509 = arith.constant 0 : i32
        %cond3A_510 = arith.cmpi ne, %convert_element_type3A_508, %cond3A_509 : i32
        scf.if %cond3A_510 {
          %dma_start3A_511 = tpu.memref_slice %arg12[%mul3A_500] : memref<20480xi32, #tpu.memory_space<vmem>> -> memref<128xi32, #tpu.memory_space<vmem>>
          %dma_start3A_512 = arith.constant 0 : i32
          %dma_start3A_513 = arith.constant 0 : i32
          %dma_start3A_514 = tpu.memref_slice %arg4[%dma_start3A_512, %dma_start3A_513] : memref<10000x64xf32, #tpu.memory_space<hbm>> -> memref<10000x64xf32, #tpu.memory_space<hbm>>
          tpu.enqueue_indirect_dma source(%dma_start3A_514 : memref<10000x64xf32, #tpu.memory_space<hbm>>) target(%arg15 : memref<128x64xf32, #tpu.memory_space<vmem>>) offsets(%dma_start3A_511 : memref<128xi32, #tpu.memory_space<vmem>>) semaphore(%arg21 : memref<!tpu.dma_semaphore, #tpu.memory_space<semaphore_mem>>)
        } else {
        }
      } else {
      }
      %dma_wait3A_474 = arith.constant 0 : i32
      %dma_wait3A_475 = arith.constant 0 : i32
      %dma_wait3A_476 = tpu.memref_slice %arg3[%dma_wait3A_474, %dma_wait3A_475] : memref<10000x64xf32, #tpu.memory_space<hbm>> -> memref<128x64xf32, #tpu.memory_space<hbm>>
      %dma_wait3A_477 = arith.constant 0 : i32
      %dma_wait3A_478 = arith.constant 0 : i32
      %dma_wait3A_479 = tpu.memref_slice %arg3[%dma_wait3A_477, %dma_wait3A_478] : memref<10000x64xf32, #tpu.memory_space<hbm>> -> memref<128x64xf32, #tpu.memory_space<hbm>>
      tpu.wait_dma2 semaphore(%arg23 : memref<!tpu.dma_semaphore, #tpu.memory_space<semaphore_mem>>) src(%dma_wait3A_479 : memref<128x64xf32, #tpu.memory_space<hbm>>) dst(%arg17 : memref<128x64xf32, #tpu.memory_space<vmem>>)
      %mul3A_480 = arith.constant 128 : i32
      %mul3A_481 = arith.muli %add3A_462, %mul3A_480 : i32
      %dma_start3A_482 = tpu.memref_slice %arg13[%mul3A_481] : memref<20480xi32, #tpu.memory_space<vmem>> -> memref<128xi32, #tpu.memory_space<vmem>>
      %dma_start3A_483 = arith.constant 0 : i32
      %dma_start3A_484 = arith.constant 0 : i32
      %dma_start3A_485 = tpu.memref_slice %arg19[%dma_start3A_483, %dma_start3A_484] : memref<10240x64xf32, #tpu.memory_space<vmem_shared>> -> memref<10240x64xf32, #tpu.memory_space<vmem_shared>>
      tpu.enqueue_indirect_dma source(%arg17 : memref<128x64xf32, #tpu.memory_space<vmem>>) target(%dma_start3A_485 : memref<10240x64xf32, #tpu.memory_space<vmem_shared>>) offsets(%dma_start3A_482 : memref<128xi32, #tpu.memory_space<vmem>>) semaphore(%arg27 : memref<!tpu.dma_semaphore, #tpu.memory_space<semaphore_mem>>) {add = true}
      %eq3A_486 = arith.constant 0 : i32
      %eq3A_487 = arith.cmpi eq, %arg0, %eq3A_486 : i32
      %convert_element_type3A_488 = arith.extui %eq3A_487 : i1 to i32
      %cond3A_489 = arith.constant 0 : i32
      %cond3A_490 = arith.cmpi ne, %convert_element_type3A_488, %cond3A_489 : i32
      scf.if %cond3A_490 {
        %mul3A_497 = arith.constant 128 : i32
        %mul3A_498 = arith.muli %add3A_462, %mul3A_497 : i32
        %dma_start3A_499 = tpu.memref_slice %arg12[%mul3A_498] : memref<20480xi32, #tpu.memory_space<vmem>> -> memref<128xi32, #tpu.memory_space<vmem>>
        %dma_start3A_500 = arith.constant 0 : i32
        %dma_start3A_501 = tpu.memref_slice %arg18[%dma_start3A_500] : memref<10240xf32, #tpu.memory_space<vmem_shared>> -> memref<10240xf32, #tpu.memory_space<vmem_shared>>
        tpu.enqueue_indirect_dma source(%arg11 : memref<128xf32, #tpu.memory_space<vmem>>) target(%dma_start3A_501 : memref<10240xf32, #tpu.memory_space<vmem_shared>>) offsets(%dma_start3A_499 : memref<128xi32, #tpu.memory_space<vmem>>) semaphore(%arg27 : memref<!tpu.dma_semaphore, #tpu.memory_space<semaphore_mem>>) {add = true}
      } else {
      }
      %eq3A_491 = arith.constant 1 : i32
      %eq3A_492 = arith.cmpi eq, %arg0, %eq3A_491 : i32
      %convert_element_type3A_493 = arith.extui %eq3A_492 : i1 to i32
      %cond3A_494 = arith.constant 0 : i32
      %cond3A_495 = arith.cmpi ne, %convert_element_type3A_493, %cond3A_494 : i32
      scf.if %cond3A_495 {
        %mul3A_497 = arith.constant 128 : i32
        %mul3A_498 = arith.muli %add3A_462, %mul3A_497 : i32
        %dma_start3A_499 = tpu.memref_slice %arg13[%mul3A_498] : memref<20480xi32, #tpu.memory_space<vmem>> -> memref<128xi32, #tpu.memory_space<vmem>>
        %dma_start3A_500 = arith.constant 0 : i32
        %dma_start3A_501 = tpu.memref_slice %arg18[%dma_start3A_500] : memref<10240xf32, #tpu.memory_space<vmem_shared>> -> memref<10240xf32, #tpu.memory_space<vmem_shared>>
        tpu.enqueue_indirect_dma source(%arg11 : memref<128xf32, #tpu.memory_space<vmem>>) target(%dma_start3A_501 : memref<10240xf32, #tpu.memory_space<vmem_shared>>) offsets(%dma_start3A_499 : memref<128xi32, #tpu.memory_space<vmem>>) semaphore(%arg27 : memref<!tpu.dma_semaphore, #tpu.memory_space<semaphore_mem>>) {add = true}
      } else {
      }
      %while3A_496 = arith.constant 0 : i32
      scf.yield %while3A_496 : i32
    }
    %while3A_315 = arith.constant 1 : i32
    %while3A_316 = scf.for %while3A_348 = %while3A_312 to %while3A_308 step %while3A_315 iter_args(%while3A_349 = %while3A_314) -> (i32)  : i32 {
      %mul3A_350 = arith.constant 4 : i32
      %mul3A_351 = arith.muli %mul3A_350, %while3A_348 : i32
      %add3A_352 = arith.constant 0 : i32
      %add3A_353 = arith.addi %mul3A_351, %add3A_352 : i32
      %ge3A = arith.constant 2 : i32
      %ge3A_354 = arith.cmpi sge, %add3A_353, %ge3A : i32
      %convert_element_type3A_355 = arith.extui %ge3A_354 : i1 to i32
      %cond3A_356 = arith.constant 0 : i32
      %cond3A_357 = arith.cmpi ne, %convert_element_type3A_355, %cond3A_356 : i32
      scf.if %cond3A_357 {
        %dma_wait3A_497 = arith.constant 0 : i32
        %dma_wait3A_498 = arith.constant 0 : i32
        %dma_wait3A_499 = tpu.memref_slice %arg19[%dma_wait3A_497, %dma_wait3A_498] : memref<10240x64xf32, #tpu.memory_space<vmem_shared>> -> memref<128x64xf32, #tpu.memory_space<vmem_shared>>
        %dma_wait3A_500 = arith.constant 0 : i32
        %dma_wait3A_501 = arith.constant 0 : i32
        %dma_wait3A_502 = tpu.memref_slice %arg19[%dma_wait3A_500, %dma_wait3A_501] : memref<10240x64xf32, #tpu.memory_space<vmem_shared>> -> memref<128x64xf32, #tpu.memory_space<vmem_shared>>
        tpu.wait_dma2 semaphore(%arg26 : memref<!tpu.dma_semaphore, #tpu.memory_space<semaphore_mem>>) src(%arg16 : memref<128x64xf32, #tpu.memory_space<vmem>>) dst(%dma_wait3A_502 : memref<128x64xf32, #tpu.memory_space<vmem_shared>>)
        %dma_wait3A_503 = arith.constant 0 : i32
        %dma_wait3A_504 = tpu.memref_slice %arg18[%dma_wait3A_503] : memref<10240xf32, #tpu.memory_space<vmem_shared>> -> memref<128xf32, #tpu.memory_space<vmem_shared>>
        %dma_wait3A_505 = arith.constant 0 : i32
        %dma_wait3A_506 = tpu.memref_slice %arg18[%dma_wait3A_505] : memref<10240xf32, #tpu.memory_space<vmem_shared>> -> memref<128xf32, #tpu.memory_space<vmem_shared>>
        tpu.wait_dma2 semaphore(%arg26 : memref<!tpu.dma_semaphore, #tpu.memory_space<semaphore_mem>>) src(%arg11 : memref<128xf32, #tpu.memory_space<vmem>>) dst(%dma_wait3A_506 : memref<128xf32, #tpu.memory_space<vmem_shared>>)
      } else {
      }
      %add3A_358 = arith.constant 2 : i32
      %add3A_359 = arith.addi %add3A_353, %add3A_358 : i32
      %lt3A = arith.cmpi slt, %add3A_359, %select_n3A : i32
      %convert_element_type3A_360 = arith.extui %lt3A : i1 to i32
      %cond3A_361 = arith.constant 0 : i32
      %cond3A_362 = arith.cmpi ne, %convert_element_type3A_360, %cond3A_361 : i32
      scf.if %cond3A_362 {
        %add3A_497 = arith.constant 2 : i32
        %add3A_498 = arith.addi %add3A_353, %add3A_497 : i32
        %mul3A_499 = arith.constant 128 : i32
        %mul3A_500 = arith.muli %add3A_498, %mul3A_499 : i32
        %eq3A_501 = arith.constant 0 : i32
        %eq3A_502 = arith.cmpi eq, %arg0, %eq3A_501 : i32
        %convert_element_type3A_503 = arith.extui %eq3A_502 : i1 to i32
        %cond3A_504 = arith.constant 0 : i32
        %cond3A_505 = arith.cmpi ne, %convert_element_type3A_503, %cond3A_504 : i32
        scf.if %cond3A_505 {
          %dma_start3A_511 = tpu.memref_slice %arg12[%mul3A_500] : memref<20480xi32, #tpu.memory_space<vmem>> -> memref<128xi32, #tpu.memory_space<vmem>>
          %dma_start3A_512 = arith.constant 0 : i32
          %dma_start3A_513 = arith.constant 0 : i32
          %dma_start3A_514 = tpu.memref_slice %arg3[%dma_start3A_512, %dma_start3A_513] : memref<10000x64xf32, #tpu.memory_space<hbm>> -> memref<10000x64xf32, #tpu.memory_space<hbm>>
          tpu.enqueue_indirect_dma source(%dma_start3A_514 : memref<10000x64xf32, #tpu.memory_space<hbm>>) target(%arg16 : memref<128x64xf32, #tpu.memory_space<vmem>>) offsets(%dma_start3A_511 : memref<128xi32, #tpu.memory_space<vmem>>) semaphore(%arg22 : memref<!tpu.dma_semaphore, #tpu.memory_space<semaphore_mem>>)
        } else {
        }
        %eq3A_506 = arith.constant 1 : i32
        %eq3A_507 = arith.cmpi eq, %arg0, %eq3A_506 : i32
        %convert_element_type3A_508 = arith.extui %eq3A_507 : i1 to i32
        %cond3A_509 = arith.constant 0 : i32
        %cond3A_510 = arith.cmpi ne, %convert_element_type3A_508, %cond3A_509 : i32
        scf.if %cond3A_510 {
          %dma_start3A_511 = tpu.memref_slice %arg12[%mul3A_500] : memref<20480xi32, #tpu.memory_space<vmem>> -> memref<128xi32, #tpu.memory_space<vmem>>
          %dma_start3A_512 = arith.constant 0 : i32
          %dma_start3A_513 = arith.constant 0 : i32
          %dma_start3A_514 = tpu.memref_slice %arg4[%dma_start3A_512, %dma_start3A_513] : memref<10000x64xf32, #tpu.memory_space<hbm>> -> memref<10000x64xf32, #tpu.memory_space<hbm>>
          tpu.enqueue_indirect_dma source(%dma_start3A_514 : memref<10000x64xf32, #tpu.memory_space<hbm>>) target(%arg16 : memref<128x64xf32, #tpu.memory_space<vmem>>) offsets(%dma_start3A_511 : memref<128xi32, #tpu.memory_space<vmem>>) semaphore(%arg22 : memref<!tpu.dma_semaphore, #tpu.memory_space<semaphore_mem>>)
        } else {
        }
      } else {
      }
      %dma_wait3A_363 = arith.constant 0 : i32
      %dma_wait3A_364 = arith.constant 0 : i32
      %dma_wait3A_365 = tpu.memref_slice %arg3[%dma_wait3A_363, %dma_wait3A_364] : memref<10000x64xf32, #tpu.memory_space<hbm>> -> memref<128x64xf32, #tpu.memory_space<hbm>>
      %dma_wait3A_366 = arith.constant 0 : i32
      %dma_wait3A_367 = arith.constant 0 : i32
      %dma_wait3A_368 = tpu.memref_slice %arg3[%dma_wait3A_366, %dma_wait3A_367] : memref<10000x64xf32, #tpu.memory_space<hbm>> -> memref<128x64xf32, #tpu.memory_space<hbm>>
      tpu.wait_dma2 semaphore(%arg20 : memref<!tpu.dma_semaphore, #tpu.memory_space<semaphore_mem>>) src(%dma_wait3A_368 : memref<128x64xf32, #tpu.memory_space<hbm>>) dst(%arg14 : memref<128x64xf32, #tpu.memory_space<vmem>>)
      %mul3A_369 = arith.constant 128 : i32
      %mul3A_370 = arith.muli %add3A_353, %mul3A_369 : i32
      %dma_start3A_371 = tpu.memref_slice %arg13[%mul3A_370] : memref<20480xi32, #tpu.memory_space<vmem>> -> memref<128xi32, #tpu.memory_space<vmem>>
      %dma_start3A_372 = arith.constant 0 : i32
      %dma_start3A_373 = arith.constant 0 : i32
      %dma_start3A_374 = tpu.memref_slice %arg19[%dma_start3A_372, %dma_start3A_373] : memref<10240x64xf32, #tpu.memory_space<vmem_shared>> -> memref<10240x64xf32, #tpu.memory_space<vmem_shared>>
      tpu.enqueue_indirect_dma source(%arg14 : memref<128x64xf32, #tpu.memory_space<vmem>>) target(%dma_start3A_374 : memref<10240x64xf32, #tpu.memory_space<vmem_shared>>) offsets(%dma_start3A_371 : memref<128xi32, #tpu.memory_space<vmem>>) semaphore(%arg24 : memref<!tpu.dma_semaphore, #tpu.memory_space<semaphore_mem>>) {add = true}
      %eq3A_375 = arith.constant 0 : i32
      %eq3A_376 = arith.cmpi eq, %arg0, %eq3A_375 : i32
      %convert_element_type3A_377 = arith.extui %eq3A_376 : i1 to i32
      %cond3A_378 = arith.constant 0 : i32
      %cond3A_379 = arith.cmpi ne, %convert_element_type3A_377, %cond3A_378 : i32
      scf.if %cond3A_379 {
        %mul3A_497 = arith.constant 128 : i32
        %mul3A_498 = arith.muli %add3A_353, %mul3A_497 : i32
        %dma_start3A_499 = tpu.memref_slice %arg12[%mul3A_498] : memref<20480xi32, #tpu.memory_space<vmem>> -> memref<128xi32, #tpu.memory_space<vmem>>
        %dma_start3A_500 = arith.constant 0 : i32
        %dma_start3A_501 = tpu.memref_slice %arg18[%dma_start3A_500] : memref<10240xf32, #tpu.memory_space<vmem_shared>> -> memref<10240xf32, #tpu.memory_space<vmem_shared>>
        tpu.enqueue_indirect_dma source(%arg11 : memref<128xf32, #tpu.memory_space<vmem>>) target(%dma_start3A_501 : memref<10240xf32, #tpu.memory_space<vmem_shared>>) offsets(%dma_start3A_499 : memref<128xi32, #tpu.memory_space<vmem>>) semaphore(%arg24 : memref<!tpu.dma_semaphore, #tpu.memory_space<semaphore_mem>>) {add = true}
      } else {
      }
      %eq3A_380 = arith.constant 1 : i32
      %eq3A_381 = arith.cmpi eq, %arg0, %eq3A_380 : i32
      %convert_element_type3A_382 = arith.extui %eq3A_381 : i1 to i32
      %cond3A_383 = arith.constant 0 : i32
      %cond3A_384 = arith.cmpi ne, %convert_element_type3A_382, %cond3A_383 : i32
      scf.if %cond3A_384 {
        %mul3A_497 = arith.constant 128 : i32
        %mul3A_498 = arith.muli %add3A_353, %mul3A_497 : i32
        %dma_start3A_499 = tpu.memref_slice %arg13[%mul3A_498] : memref<20480xi32, #tpu.memory_space<vmem>> -> memref<128xi32, #tpu.memory_space<vmem>>
        %dma_start3A_500 = arith.constant 0 : i32
        %dma_start3A_501 = tpu.memref_slice %arg18[%dma_start3A_500] : memref<10240xf32, #tpu.memory_space<vmem_shared>> -> memref<10240xf32, #tpu.memory_space<vmem_shared>>
        tpu.enqueue_indirect_dma source(%arg11 : memref<128xf32, #tpu.memory_space<vmem>>) target(%dma_start3A_501 : memref<10240xf32, #tpu.memory_space<vmem_shared>>) offsets(%dma_start3A_499 : memref<128xi32, #tpu.memory_space<vmem>>) semaphore(%arg24 : memref<!tpu.dma_semaphore, #tpu.memory_space<semaphore_mem>>) {add = true}
      } else {
      }
      %mul3A_385 = arith.constant 4 : i32
      %mul3A_386 = arith.muli %mul3A_385, %while3A_348 : i32
      %add3A_387 = arith.constant 1 : i32
      %add3A_388 = arith.addi %mul3A_386, %add3A_387 : i32
      %ge3A_389 = arith.constant 2 : i32
      %ge3A_390 = arith.cmpi sge, %add3A_388, %ge3A_389 : i32
      %convert_element_type3A_391 = arith.extui %ge3A_390 : i1 to i32
      %cond3A_392 = arith.constant 0 : i32
      %cond3A_393 = arith.cmpi ne, %convert_element_type3A_391, %cond3A_392 : i32
      scf.if %cond3A_393 {
        %dma_wait3A_497 = arith.constant 0 : i32
        %dma_wait3A_498 = arith.constant 0 : i32
        %dma_wait3A_499 = tpu.memref_slice %arg19[%dma_wait3A_497, %dma_wait3A_498] : memref<10240x64xf32, #tpu.memory_space<vmem_shared>> -> memref<128x64xf32, #tpu.memory_space<vmem_shared>>
        %dma_wait3A_500 = arith.constant 0 : i32
        %dma_wait3A_501 = arith.constant 0 : i32
        %dma_wait3A_502 = tpu.memref_slice %arg19[%dma_wait3A_500, %dma_wait3A_501] : memref<10240x64xf32, #tpu.memory_space<vmem_shared>> -> memref<128x64xf32, #tpu.memory_space<vmem_shared>>
        tpu.wait_dma2 semaphore(%arg27 : memref<!tpu.dma_semaphore, #tpu.memory_space<semaphore_mem>>) src(%arg17 : memref<128x64xf32, #tpu.memory_space<vmem>>) dst(%dma_wait3A_502 : memref<128x64xf32, #tpu.memory_space<vmem_shared>>)
        %dma_wait3A_503 = arith.constant 0 : i32
        %dma_wait3A_504 = tpu.memref_slice %arg18[%dma_wait3A_503] : memref<10240xf32, #tpu.memory_space<vmem_shared>> -> memref<128xf32, #tpu.memory_space<vmem_shared>>
        %dma_wait3A_505 = arith.constant 0 : i32
        %dma_wait3A_506 = tpu.memref_slice %arg18[%dma_wait3A_505] : memref<10240xf32, #tpu.memory_space<vmem_shared>> -> memref<128xf32, #tpu.memory_space<vmem_shared>>
        tpu.wait_dma2 semaphore(%arg27 : memref<!tpu.dma_semaphore, #tpu.memory_space<semaphore_mem>>) src(%arg11 : memref<128xf32, #tpu.memory_space<vmem>>) dst(%dma_wait3A_506 : memref<128xf32, #tpu.memory_space<vmem_shared>>)
      } else {
      }
      %add3A_394 = arith.constant 2 : i32
      %add3A_395 = arith.addi %add3A_388, %add3A_394 : i32
      %lt3A_396 = arith.cmpi slt, %add3A_395, %select_n3A : i32
      %convert_element_type3A_397 = arith.extui %lt3A_396 : i1 to i32
      %cond3A_398 = arith.constant 0 : i32
      %cond3A_399 = arith.cmpi ne, %convert_element_type3A_397, %cond3A_398 : i32
      scf.if %cond3A_399 {
        %add3A_497 = arith.constant 2 : i32
        %add3A_498 = arith.addi %add3A_388, %add3A_497 : i32
        %mul3A_499 = arith.constant 128 : i32
        %mul3A_500 = arith.muli %add3A_498, %mul3A_499 : i32
        %eq3A_501 = arith.constant 0 : i32
        %eq3A_502 = arith.cmpi eq, %arg0, %eq3A_501 : i32
        %convert_element_type3A_503 = arith.extui %eq3A_502 : i1 to i32
        %cond3A_504 = arith.constant 0 : i32
        %cond3A_505 = arith.cmpi ne, %convert_element_type3A_503, %cond3A_504 : i32
        scf.if %cond3A_505 {
          %dma_start3A_511 = tpu.memref_slice %arg12[%mul3A_500] : memref<20480xi32, #tpu.memory_space<vmem>> -> memref<128xi32, #tpu.memory_space<vmem>>
          %dma_start3A_512 = arith.constant 0 : i32
          %dma_start3A_513 = arith.constant 0 : i32
          %dma_start3A_514 = tpu.memref_slice %arg3[%dma_start3A_512, %dma_start3A_513] : memref<10000x64xf32, #tpu.memory_space<hbm>> -> memref<10000x64xf32, #tpu.memory_space<hbm>>
          tpu.enqueue_indirect_dma source(%dma_start3A_514 : memref<10000x64xf32, #tpu.memory_space<hbm>>) target(%arg17 : memref<128x64xf32, #tpu.memory_space<vmem>>) offsets(%dma_start3A_511 : memref<128xi32, #tpu.memory_space<vmem>>) semaphore(%arg23 : memref<!tpu.dma_semaphore, #tpu.memory_space<semaphore_mem>>)
        } else {
        }
        %eq3A_506 = arith.constant 1 : i32
        %eq3A_507 = arith.cmpi eq, %arg0, %eq3A_506 : i32
        %convert_element_type3A_508 = arith.extui %eq3A_507 : i1 to i32
        %cond3A_509 = arith.constant 0 : i32
        %cond3A_510 = arith.cmpi ne, %convert_element_type3A_508, %cond3A_509 : i32
        scf.if %cond3A_510 {
          %dma_start3A_511 = tpu.memref_slice %arg12[%mul3A_500] : memref<20480xi32, #tpu.memory_space<vmem>> -> memref<128xi32, #tpu.memory_space<vmem>>
          %dma_start3A_512 = arith.constant 0 : i32
          %dma_start3A_513 = arith.constant 0 : i32
          %dma_start3A_514 = tpu.memref_slice %arg4[%dma_start3A_512, %dma_start3A_513] : memref<10000x64xf32, #tpu.memory_space<hbm>> -> memref<10000x64xf32, #tpu.memory_space<hbm>>
          tpu.enqueue_indirect_dma source(%dma_start3A_514 : memref<10000x64xf32, #tpu.memory_space<hbm>>) target(%arg17 : memref<128x64xf32, #tpu.memory_space<vmem>>) offsets(%dma_start3A_511 : memref<128xi32, #tpu.memory_space<vmem>>) semaphore(%arg23 : memref<!tpu.dma_semaphore, #tpu.memory_space<semaphore_mem>>)
        } else {
        }
      } else {
      }
      %dma_wait3A_400 = arith.constant 0 : i32
      %dma_wait3A_401 = arith.constant 0 : i32
      %dma_wait3A_402 = tpu.memref_slice %arg3[%dma_wait3A_400, %dma_wait3A_401] : memref<10000x64xf32, #tpu.memory_space<hbm>> -> memref<128x64xf32, #tpu.memory_space<hbm>>
      %dma_wait3A_403 = arith.constant 0 : i32
      %dma_wait3A_404 = arith.constant 0 : i32
      %dma_wait3A_405 = tpu.memref_slice %arg3[%dma_wait3A_403, %dma_wait3A_404] : memref<10000x64xf32, #tpu.memory_space<hbm>> -> memref<128x64xf32, #tpu.memory_space<hbm>>
      tpu.wait_dma2 semaphore(%arg21 : memref<!tpu.dma_semaphore, #tpu.memory_space<semaphore_mem>>) src(%dma_wait3A_405 : memref<128x64xf32, #tpu.memory_space<hbm>>) dst(%arg15 : memref<128x64xf32, #tpu.memory_space<vmem>>)
      %mul3A_406 = arith.constant 128 : i32
      %mul3A_407 = arith.muli %add3A_388, %mul3A_406 : i32
      %dma_start3A_408 = tpu.memref_slice %arg13[%mul3A_407] : memref<20480xi32, #tpu.memory_space<vmem>> -> memref<128xi32, #tpu.memory_space<vmem>>
      %dma_start3A_409 = arith.constant 0 : i32
      %dma_start3A_410 = arith.constant 0 : i32
      %dma_start3A_411 = tpu.memref_slice %arg19[%dma_start3A_409, %dma_start3A_410] : memref<10240x64xf32, #tpu.memory_space<vmem_shared>> -> memref<10240x64xf32, #tpu.memory_space<vmem_shared>>
      tpu.enqueue_indirect_dma source(%arg15 : memref<128x64xf32, #tpu.memory_space<vmem>>) target(%dma_start3A_411 : memref<10240x64xf32, #tpu.memory_space<vmem_shared>>) offsets(%dma_start3A_408 : memref<128xi32, #tpu.memory_space<vmem>>) semaphore(%arg25 : memref<!tpu.dma_semaphore, #tpu.memory_space<semaphore_mem>>) {add = true}
      %eq3A_412 = arith.constant 0 : i32
      %eq3A_413 = arith.cmpi eq, %arg0, %eq3A_412 : i32
      %convert_element_type3A_414 = arith.extui %eq3A_413 : i1 to i32
      %cond3A_415 = arith.constant 0 : i32
      %cond3A_416 = arith.cmpi ne, %convert_element_type3A_414, %cond3A_415 : i32
      scf.if %cond3A_416 {
        %mul3A_497 = arith.constant 128 : i32
        %mul3A_498 = arith.muli %add3A_388, %mul3A_497 : i32
        %dma_start3A_499 = tpu.memref_slice %arg12[%mul3A_498] : memref<20480xi32, #tpu.memory_space<vmem>> -> memref<128xi32, #tpu.memory_space<vmem>>
        %dma_start3A_500 = arith.constant 0 : i32
        %dma_start3A_501 = tpu.memref_slice %arg18[%dma_start3A_500] : memref<10240xf32, #tpu.memory_space<vmem_shared>> -> memref<10240xf32, #tpu.memory_space<vmem_shared>>
        tpu.enqueue_indirect_dma source(%arg11 : memref<128xf32, #tpu.memory_space<vmem>>) target(%dma_start3A_501 : memref<10240xf32, #tpu.memory_space<vmem_shared>>) offsets(%dma_start3A_499 : memref<128xi32, #tpu.memory_space<vmem>>) semaphore(%arg25 : memref<!tpu.dma_semaphore, #tpu.memory_space<semaphore_mem>>) {add = true}
      } else {
      }
      %eq3A_417 = arith.constant 1 : i32
      %eq3A_418 = arith.cmpi eq, %arg0, %eq3A_417 : i32
      %convert_element_type3A_419 = arith.extui %eq3A_418 : i1 to i32
      %cond3A_420 = arith.constant 0 : i32
      %cond3A_421 = arith.cmpi ne, %convert_element_type3A_419, %cond3A_420 : i32
      scf.if %cond3A_421 {
        %mul3A_497 = arith.constant 128 : i32
        %mul3A_498 = arith.muli %add3A_388, %mul3A_497 : i32
        %dma_start3A_499 = tpu.memref_slice %arg13[%mul3A_498] : memref<20480xi32, #tpu.memory_space<vmem>> -> memref<128xi32, #tpu.memory_space<vmem>>
        %dma_start3A_500 = arith.constant 0 : i32
        %dma_start3A_501 = tpu.memref_slice %arg18[%dma_start3A_500] : memref<10240xf32, #tpu.memory_space<vmem_shared>> -> memref<10240xf32, #tpu.memory_space<vmem_shared>>
        tpu.enqueue_indirect_dma source(%arg11 : memref<128xf32, #tpu.memory_space<vmem>>) target(%dma_start3A_501 : memref<10240xf32, #tpu.memory_space<vmem_shared>>) offsets(%dma_start3A_499 : memref<128xi32, #tpu.memory_space<vmem>>) semaphore(%arg25 : memref<!tpu.dma_semaphore, #tpu.memory_space<semaphore_mem>>) {add = true}
      } else {
      }
      %mul3A_422 = arith.constant 4 : i32
      %mul3A_423 = arith.muli %mul3A_422, %while3A_348 : i32
      %add3A_424 = arith.constant 2 : i32
      %add3A_425 = arith.addi %mul3A_423, %add3A_424 : i32
      %ge3A_426 = arith.constant 2 : i32
      %ge3A_427 = arith.cmpi sge, %add3A_425, %ge3A_426 : i32
      %convert_element_type3A_428 = arith.extui %ge3A_427 : i1 to i32
      %cond3A_429 = arith.constant 0 : i32
      %cond3A_430 = arith.cmpi ne, %convert_element_type3A_428, %cond3A_429 : i32
      scf.if %cond3A_430 {
        %dma_wait3A_497 = arith.constant 0 : i32
        %dma_wait3A_498 = arith.constant 0 : i32
        %dma_wait3A_499 = tpu.memref_slice %arg19[%dma_wait3A_497, %dma_wait3A_498] : memref<10240x64xf32, #tpu.memory_space<vmem_shared>> -> memref<128x64xf32, #tpu.memory_space<vmem_shared>>
        %dma_wait3A_500 = arith.constant 0 : i32
        %dma_wait3A_501 = arith.constant 0 : i32
        %dma_wait3A_502 = tpu.memref_slice %arg19[%dma_wait3A_500, %dma_wait3A_501] : memref<10240x64xf32, #tpu.memory_space<vmem_shared>> -> memref<128x64xf32, #tpu.memory_space<vmem_shared>>
        tpu.wait_dma2 semaphore(%arg24 : memref<!tpu.dma_semaphore, #tpu.memory_space<semaphore_mem>>) src(%arg14 : memref<128x64xf32, #tpu.memory_space<vmem>>) dst(%dma_wait3A_502 : memref<128x64xf32, #tpu.memory_space<vmem_shared>>)
        %dma_wait3A_503 = arith.constant 0 : i32
        %dma_wait3A_504 = tpu.memref_slice %arg18[%dma_wait3A_503] : memref<10240xf32, #tpu.memory_space<vmem_shared>> -> memref<128xf32, #tpu.memory_space<vmem_shared>>
        %dma_wait3A_505 = arith.constant 0 : i32
        %dma_wait3A_506 = tpu.memref_slice %arg18[%dma_wait3A_505] : memref<10240xf32, #tpu.memory_space<vmem_shared>> -> memref<128xf32, #tpu.memory_space<vmem_shared>>
        tpu.wait_dma2 semaphore(%arg24 : memref<!tpu.dma_semaphore, #tpu.memory_space<semaphore_mem>>) src(%arg11 : memref<128xf32, #tpu.memory_space<vmem>>) dst(%dma_wait3A_506 : memref<128xf32, #tpu.memory_space<vmem_shared>>)
      } else {
      }
      %add3A_431 = arith.constant 2 : i32
      %add3A_432 = arith.addi %add3A_425, %add3A_431 : i32
      %lt3A_433 = arith.cmpi slt, %add3A_432, %select_n3A : i32
      %convert_element_type3A_434 = arith.extui %lt3A_433 : i1 to i32
      %cond3A_435 = arith.constant 0 : i32
      %cond3A_436 = arith.cmpi ne, %convert_element_type3A_434, %cond3A_435 : i32
      scf.if %cond3A_436 {
        %add3A_497 = arith.constant 2 : i32
        %add3A_498 = arith.addi %add3A_425, %add3A_497 : i32
        %mul3A_499 = arith.constant 128 : i32
        %mul3A_500 = arith.muli %add3A_498, %mul3A_499 : i32
        %eq3A_501 = arith.constant 0 : i32
        %eq3A_502 = arith.cmpi eq, %arg0, %eq3A_501 : i32
        %convert_element_type3A_503 = arith.extui %eq3A_502 : i1 to i32
        %cond3A_504 = arith.constant 0 : i32
        %cond3A_505 = arith.cmpi ne, %convert_element_type3A_503, %cond3A_504 : i32
        scf.if %cond3A_505 {
          %dma_start3A_511 = tpu.memref_slice %arg12[%mul3A_500] : memref<20480xi32, #tpu.memory_space<vmem>> -> memref<128xi32, #tpu.memory_space<vmem>>
          %dma_start3A_512 = arith.constant 0 : i32
          %dma_start3A_513 = arith.constant 0 : i32
          %dma_start3A_514 = tpu.memref_slice %arg3[%dma_start3A_512, %dma_start3A_513] : memref<10000x64xf32, #tpu.memory_space<hbm>> -> memref<10000x64xf32, #tpu.memory_space<hbm>>
          tpu.enqueue_indirect_dma source(%dma_start3A_514 : memref<10000x64xf32, #tpu.memory_space<hbm>>) target(%arg14 : memref<128x64xf32, #tpu.memory_space<vmem>>) offsets(%dma_start3A_511 : memref<128xi32, #tpu.memory_space<vmem>>) semaphore(%arg20 : memref<!tpu.dma_semaphore, #tpu.memory_space<semaphore_mem>>)
        } else {
        }
        %eq3A_506 = arith.constant 1 : i32
        %eq3A_507 = arith.cmpi eq, %arg0, %eq3A_506 : i32
        %convert_element_type3A_508 = arith.extui %eq3A_507 : i1 to i32
        %cond3A_509 = arith.constant 0 : i32
        %cond3A_510 = arith.cmpi ne, %convert_element_type3A_508, %cond3A_509 : i32
        scf.if %cond3A_510 {
          %dma_start3A_511 = tpu.memref_slice %arg12[%mul3A_500] : memref<20480xi32, #tpu.memory_space<vmem>> -> memref<128xi32, #tpu.memory_space<vmem>>
          %dma_start3A_512 = arith.constant 0 : i32
          %dma_start3A_513 = arith.constant 0 : i32
          %dma_start3A_514 = tpu.memref_slice %arg4[%dma_start3A_512, %dma_start3A_513] : memref<10000x64xf32, #tpu.memory_space<hbm>> -> memref<10000x64xf32, #tpu.memory_space<hbm>>
          tpu.enqueue_indirect_dma source(%dma_start3A_514 : memref<10000x64xf32, #tpu.memory_space<hbm>>) target(%arg14 : memref<128x64xf32, #tpu.memory_space<vmem>>) offsets(%dma_start3A_511 : memref<128xi32, #tpu.memory_space<vmem>>) semaphore(%arg20 : memref<!tpu.dma_semaphore, #tpu.memory_space<semaphore_mem>>)
        } else {
        }
      } else {
      }
      %dma_wait3A_437 = arith.constant 0 : i32
      %dma_wait3A_438 = arith.constant 0 : i32
      %dma_wait3A_439 = tpu.memref_slice %arg3[%dma_wait3A_437, %dma_wait3A_438] : memref<10000x64xf32, #tpu.memory_space<hbm>> -> memref<128x64xf32, #tpu.memory_space<hbm>>
      %dma_wait3A_440 = arith.constant 0 : i32
      %dma_wait3A_441 = arith.constant 0 : i32
      %dma_wait3A_442 = tpu.memref_slice %arg3[%dma_wait3A_440, %dma_wait3A_441] : memref<10000x64xf32, #tpu.memory_space<hbm>> -> memref<128x64xf32, #tpu.memory_space<hbm>>
      tpu.wait_dma2 semaphore(%arg22 : memref<!tpu.dma_semaphore, #tpu.memory_space<semaphore_mem>>) src(%dma_wait3A_442 : memref<128x64xf32, #tpu.memory_space<hbm>>) dst(%arg16 : memref<128x64xf32, #tpu.memory_space<vmem>>)
      %mul3A_443 = arith.constant 128 : i32
      %mul3A_444 = arith.muli %add3A_425, %mul3A_443 : i32
      %dma_start3A_445 = tpu.memref_slice %arg13[%mul3A_444] : memref<20480xi32, #tpu.memory_space<vmem>> -> memref<128xi32, #tpu.memory_space<vmem>>
      %dma_start3A_446 = arith.constant 0 : i32
      %dma_start3A_447 = arith.constant 0 : i32
      %dma_start3A_448 = tpu.memref_slice %arg19[%dma_start3A_446, %dma_start3A_447] : memref<10240x64xf32, #tpu.memory_space<vmem_shared>> -> memref<10240x64xf32, #tpu.memory_space<vmem_shared>>
      tpu.enqueue_indirect_dma source(%arg16 : memref<128x64xf32, #tpu.memory_space<vmem>>) target(%dma_start3A_448 : memref<10240x64xf32, #tpu.memory_space<vmem_shared>>) offsets(%dma_start3A_445 : memref<128xi32, #tpu.memory_space<vmem>>) semaphore(%arg26 : memref<!tpu.dma_semaphore, #tpu.memory_space<semaphore_mem>>) {add = true}
      %eq3A_449 = arith.constant 0 : i32
      %eq3A_450 = arith.cmpi eq, %arg0, %eq3A_449 : i32
      %convert_element_type3A_451 = arith.extui %eq3A_450 : i1 to i32
      %cond3A_452 = arith.constant 0 : i32
      %cond3A_453 = arith.cmpi ne, %convert_element_type3A_451, %cond3A_452 : i32
      scf.if %cond3A_453 {
        %mul3A_497 = arith.constant 128 : i32
        %mul3A_498 = arith.muli %add3A_425, %mul3A_497 : i32
        %dma_start3A_499 = tpu.memref_slice %arg12[%mul3A_498] : memref<20480xi32, #tpu.memory_space<vmem>> -> memref<128xi32, #tpu.memory_space<vmem>>
        %dma_start3A_500 = arith.constant 0 : i32
        %dma_start3A_501 = tpu.memref_slice %arg18[%dma_start3A_500] : memref<10240xf32, #tpu.memory_space<vmem_shared>> -> memref<10240xf32, #tpu.memory_space<vmem_shared>>
        tpu.enqueue_indirect_dma source(%arg11 : memref<128xf32, #tpu.memory_space<vmem>>) target(%dma_start3A_501 : memref<10240xf32, #tpu.memory_space<vmem_shared>>) offsets(%dma_start3A_499 : memref<128xi32, #tpu.memory_space<vmem>>) semaphore(%arg26 : memref<!tpu.dma_semaphore, #tpu.memory_space<semaphore_mem>>) {add = true}
      } else {
      }
      %eq3A_454 = arith.constant 1 : i32
      %eq3A_455 = arith.cmpi eq, %arg0, %eq3A_454 : i32
      %convert_element_type3A_456 = arith.extui %eq3A_455 : i1 to i32
      %cond3A_457 = arith.constant 0 : i32
      %cond3A_458 = arith.cmpi ne, %convert_element_type3A_456, %cond3A_457 : i32
      scf.if %cond3A_458 {
        %mul3A_497 = arith.constant 128 : i32
        %mul3A_498 = arith.muli %add3A_425, %mul3A_497 : i32
        %dma_start3A_499 = tpu.memref_slice %arg13[%mul3A_498] : memref<20480xi32, #tpu.memory_space<vmem>> -> memref<128xi32, #tpu.memory_space<vmem>>
        %dma_start3A_500 = arith.constant 0 : i32
        %dma_start3A_501 = tpu.memref_slice %arg18[%dma_start3A_500] : memref<10240xf32, #tpu.memory_space<vmem_shared>> -> memref<10240xf32, #tpu.memory_space<vmem_shared>>
        tpu.enqueue_indirect_dma source(%arg11 : memref<128xf32, #tpu.memory_space<vmem>>) target(%dma_start3A_501 : memref<10240xf32, #tpu.memory_space<vmem_shared>>) offsets(%dma_start3A_499 : memref<128xi32, #tpu.memory_space<vmem>>) semaphore(%arg26 : memref<!tpu.dma_semaphore, #tpu.memory_space<semaphore_mem>>) {add = true}
      } else {
      }
      %mul3A_459 = arith.constant 4 : i32
      %mul3A_460 = arith.muli %mul3A_459, %while3A_348 : i32
      %add3A_461 = arith.constant 3 : i32
      %add3A_462 = arith.addi %mul3A_460, %add3A_461 : i32
      %ge3A_463 = arith.constant 2 : i32
      %ge3A_464 = arith.cmpi sge, %add3A_462, %ge3A_463 : i32
      %convert_element_type3A_465 = arith.extui %ge3A_464 : i1 to i32
      %cond3A_466 = arith.constant 0 : i32
      %cond3A_467 = arith.cmpi ne, %convert_element_type3A_465, %cond3A_466 : i32
      scf.if %cond3A_467 {
        %dma_wait3A_497 = arith.constant 0 : i32
        %dma_wait3A_498 = arith.constant 0 : i32
        %dma_wait3A_499 = tpu.memref_slice %arg19[%dma_wait3A_497, %dma_wait3A_498] : memref<10240x64xf32, #tpu.memory_space<vmem_shared>> -> memref<128x64xf32, #tpu.memory_space<vmem_shared>>
        %dma_wait3A_500 = arith.constant 0 : i32
        %dma_wait3A_501 = arith.constant 0 : i32
        %dma_wait3A_502 = tpu.memref_slice %arg19[%dma_wait3A_500, %dma_wait3A_501] : memref<10240x64xf32, #tpu.memory_space<vmem_shared>> -> memref<128x64xf32, #tpu.memory_space<vmem_shared>>
        tpu.wait_dma2 semaphore(%arg25 : memref<!tpu.dma_semaphore, #tpu.memory_space<semaphore_mem>>) src(%arg15 : memref<128x64xf32, #tpu.memory_space<vmem>>) dst(%dma_wait3A_502 : memref<128x64xf32, #tpu.memory_space<vmem_shared>>)
        %dma_wait3A_503 = arith.constant 0 : i32
        %dma_wait3A_504 = tpu.memref_slice %arg18[%dma_wait3A_503] : memref<10240xf32, #tpu.memory_space<vmem_shared>> -> memref<128xf32, #tpu.memory_space<vmem_shared>>
        %dma_wait3A_505 = arith.constant 0 : i32
        %dma_wait3A_506 = tpu.memref_slice %arg18[%dma_wait3A_505] : memref<10240xf32, #tpu.memory_space<vmem_shared>> -> memref<128xf32, #tpu.memory_space<vmem_shared>>
        tpu.wait_dma2 semaphore(%arg25 : memref<!tpu.dma_semaphore, #tpu.memory_space<semaphore_mem>>) src(%arg11 : memref<128xf32, #tpu.memory_space<vmem>>) dst(%dma_wait3A_506 : memref<128xf32, #tpu.memory_space<vmem_shared>>)
      } else {
      }
      %add3A_468 = arith.constant 2 : i32
      %add3A_469 = arith.addi %add3A_462, %add3A_468 : i32
      %lt3A_470 = arith.cmpi slt, %add3A_469, %select_n3A : i32
      %convert_element_type3A_471 = arith.extui %lt3A_470 : i1 to i32
      %cond3A_472 = arith.constant 0 : i32
      %cond3A_473 = arith.cmpi ne, %convert_element_type3A_471, %cond3A_472 : i32
      scf.if %cond3A_473 {
        %add3A_497 = arith.constant 2 : i32
        %add3A_498 = arith.addi %add3A_462, %add3A_497 : i32
        %mul3A_499 = arith.constant 128 : i32
        %mul3A_500 = arith.muli %add3A_498, %mul3A_499 : i32
        %eq3A_501 = arith.constant 0 : i32
        %eq3A_502 = arith.cmpi eq, %arg0, %eq3A_501 : i32
        %convert_element_type3A_503 = arith.extui %eq3A_502 : i1 to i32
        %cond3A_504 = arith.constant 0 : i32
        %cond3A_505 = arith.cmpi ne, %convert_element_type3A_503, %cond3A_504 : i32
        scf.if %cond3A_505 {
          %dma_start3A_511 = tpu.memref_slice %arg12[%mul3A_500] : memref<20480xi32, #tpu.memory_space<vmem>> -> memref<128xi32, #tpu.memory_space<vmem>>
          %dma_start3A_512 = arith.constant 0 : i32
          %dma_start3A_513 = arith.constant 0 : i32
          %dma_start3A_514 = tpu.memref_slice %arg3[%dma_start3A_512, %dma_start3A_513] : memref<10000x64xf32, #tpu.memory_space<hbm>> -> memref<10000x64xf32, #tpu.memory_space<hbm>>
          tpu.enqueue_indirect_dma source(%dma_start3A_514 : memref<10000x64xf32, #tpu.memory_space<hbm>>) target(%arg15 : memref<128x64xf32, #tpu.memory_space<vmem>>) offsets(%dma_start3A_511 : memref<128xi32, #tpu.memory_space<vmem>>) semaphore(%arg21 : memref<!tpu.dma_semaphore, #tpu.memory_space<semaphore_mem>>)
        } else {
        }
        %eq3A_506 = arith.constant 1 : i32
        %eq3A_507 = arith.cmpi eq, %arg0, %eq3A_506 : i32
        %convert_element_type3A_508 = arith.extui %eq3A_507 : i1 to i32
        %cond3A_509 = arith.constant 0 : i32
        %cond3A_510 = arith.cmpi ne, %convert_element_type3A_508, %cond3A_509 : i32
        scf.if %cond3A_510 {
          %dma_start3A_511 = tpu.memref_slice %arg12[%mul3A_500] : memref<20480xi32, #tpu.memory_space<vmem>> -> memref<128xi32, #tpu.memory_space<vmem>>
          %dma_start3A_512 = arith.constant 0 : i32
          %dma_start3A_513 = arith.constant 0 : i32
          %dma_start3A_514 = tpu.memref_slice %arg4[%dma_start3A_512, %dma_start3A_513] : memref<10000x64xf32, #tpu.memory_space<hbm>> -> memref<10000x64xf32, #tpu.memory_space<hbm>>
          tpu.enqueue_indirect_dma source(%dma_start3A_514 : memref<10000x64xf32, #tpu.memory_space<hbm>>) target(%arg15 : memref<128x64xf32, #tpu.memory_space<vmem>>) offsets(%dma_start3A_511 : memref<128xi32, #tpu.memory_space<vmem>>) semaphore(%arg21 : memref<!tpu.dma_semaphore, #tpu.memory_space<semaphore_mem>>)
        } else {
        }
      } else {
      }
      %dma_wait3A_474 = arith.constant 0 : i32
      %dma_wait3A_475 = arith.constant 0 : i32
      %dma_wait3A_476 = tpu.memref_slice %arg3[%dma_wait3A_474, %dma_wait3A_475] : memref<10000x64xf32, #tpu.memory_space<hbm>> -> memref<128x64xf32, #tpu.memory_space<hbm>>
      %dma_wait3A_477 = arith.constant 0 : i32
      %dma_wait3A_478 = arith.constant 0 : i32
      %dma_wait3A_479 = tpu.memref_slice %arg3[%dma_wait3A_477, %dma_wait3A_478] : memref<10000x64xf32, #tpu.memory_space<hbm>> -> memref<128x64xf32, #tpu.memory_space<hbm>>
      tpu.wait_dma2 semaphore(%arg23 : memref<!tpu.dma_semaphore, #tpu.memory_space<semaphore_mem>>) src(%dma_wait3A_479 : memref<128x64xf32, #tpu.memory_space<hbm>>) dst(%arg17 : memref<128x64xf32, #tpu.memory_space<vmem>>)
      %mul3A_480 = arith.constant 128 : i32
      %mul3A_481 = arith.muli %add3A_462, %mul3A_480 : i32
      %dma_start3A_482 = tpu.memref_slice %arg13[%mul3A_481] : memref<20480xi32, #tpu.memory_space<vmem>> -> memref<128xi32, #tpu.memory_space<vmem>>
      %dma_start3A_483 = arith.constant 0 : i32
      %dma_start3A_484 = arith.constant 0 : i32
      %dma_start3A_485 = tpu.memref_slice %arg19[%dma_start3A_483, %dma_start3A_484] : memref<10240x64xf32, #tpu.memory_space<vmem_shared>> -> memref<10240x64xf32, #tpu.memory_space<vmem_shared>>
      tpu.enqueue_indirect_dma source(%arg17 : memref<128x64xf32, #tpu.memory_space<vmem>>) target(%dma_start3A_485 : memref<10240x64xf32, #tpu.memory_space<vmem_shared>>) offsets(%dma_start3A_482 : memref<128xi32, #tpu.memory_space<vmem>>) semaphore(%arg27 : memref<!tpu.dma_semaphore, #tpu.memory_space<semaphore_mem>>) {add = true}
      %eq3A_486 = arith.constant 0 : i32
      %eq3A_487 = arith.cmpi eq, %arg0, %eq3A_486 : i32
      %convert_element_type3A_488 = arith.extui %eq3A_487 : i1 to i32
      %cond3A_489 = arith.constant 0 : i32
      %cond3A_490 = arith.cmpi ne, %convert_element_type3A_488, %cond3A_489 : i32
      scf.if %cond3A_490 {
        %mul3A_497 = arith.constant 128 : i32
        %mul3A_498 = arith.muli %add3A_462, %mul3A_497 : i32
        %dma_start3A_499 = tpu.memref_slice %arg12[%mul3A_498] : memref<20480xi32, #tpu.memory_space<vmem>> -> memref<128xi32, #tpu.memory_space<vmem>>
        %dma_start3A_500 = arith.constant 0 : i32
        %dma_start3A_501 = tpu.memref_slice %arg18[%dma_start3A_500] : memref<10240xf32, #tpu.memory_space<vmem_shared>> -> memref<10240xf32, #tpu.memory_space<vmem_shared>>
        tpu.enqueue_indirect_dma source(%arg11 : memref<128xf32, #tpu.memory_space<vmem>>) target(%dma_start3A_501 : memref<10240xf32, #tpu.memory_space<vmem_shared>>) offsets(%dma_start3A_499 : memref<128xi32, #tpu.memory_space<vmem>>) semaphore(%arg27 : memref<!tpu.dma_semaphore, #tpu.memory_space<semaphore_mem>>) {add = true}
      } else {
      }
      %eq3A_491 = arith.constant 1 : i32
      %eq3A_492 = arith.cmpi eq, %arg0, %eq3A_491 : i32
      %convert_element_type3A_493 = arith.extui %eq3A_492 : i1 to i32
      %cond3A_494 = arith.constant 0 : i32
      %cond3A_495 = arith.cmpi ne, %convert_element_type3A_493, %cond3A_494 : i32
      scf.if %cond3A_495 {
        %mul3A_497 = arith.constant 128 : i32
        %mul3A_498 = arith.muli %add3A_462, %mul3A_497 : i32
        %dma_start3A_499 = tpu.memref_slice %arg13[%mul3A_498] : memref<20480xi32, #tpu.memory_space<vmem>> -> memref<128xi32, #tpu.memory_space<vmem>>
        %dma_start3A_500 = arith.constant 0 : i32
        %dma_start3A_501 = tpu.memref_slice %arg18[%dma_start3A_500] : memref<10240xf32, #tpu.memory_space<vmem_shared>> -> memref<10240xf32, #tpu.memory_space<vmem_shared>>
        tpu.enqueue_indirect_dma source(%arg11 : memref<128xf32, #tpu.memory_space<vmem>>) target(%dma_start3A_501 : memref<10240xf32, #tpu.memory_space<vmem_shared>>) offsets(%dma_start3A_499 : memref<128xi32, #tpu.memory_space<vmem>>) semaphore(%arg27 : memref<!tpu.dma_semaphore, #tpu.memory_space<semaphore_mem>>) {add = true}
      } else {
      }
      %while3A_496 = arith.constant 0 : i32
      scf.yield %while3A_496 : i32
    }
    %dma_wait3A_317 = arith.constant 0 : i32
    %dma_wait3A_318 = arith.constant 0 : i32
    %dma_wait3A_319 = tpu.memref_slice %arg19[%dma_wait3A_317, %dma_wait3A_318] : memref<10240x64xf32, #tpu.memory_space<vmem_shared>> -> memref<128x64xf32, #tpu.memory_space<vmem_shared>>
    %dma_wait3A_320 = arith.constant 0 : i32
    %dma_wait3A_321 = arith.constant 0 : i32
    %dma_wait3A_322 = tpu.memref_slice %arg19[%dma_wait3A_320, %dma_wait3A_321] : memref<10240x64xf32, #tpu.memory_space<vmem_shared>> -> memref<128x64xf32, #tpu.memory_space<vmem_shared>>
    tpu.wait_dma2 semaphore(%arg26 : memref<!tpu.dma_semaphore, #tpu.memory_space<semaphore_mem>>) src(%arg16 : memref<128x64xf32, #tpu.memory_space<vmem>>) dst(%dma_wait3A_322 : memref<128x64xf32, #tpu.memory_space<vmem_shared>>)
    %dma_wait3A_323 = arith.constant 0 : i32
    %dma_wait3A_324 = tpu.memref_slice %arg18[%dma_wait3A_323] : memref<10240xf32, #tpu.memory_space<vmem_shared>> -> memref<128xf32, #tpu.memory_space<vmem_shared>>
    %dma_wait3A_325 = arith.constant 0 : i32
    %dma_wait3A_326 = tpu.memref_slice %arg18[%dma_wait3A_325] : memref<10240xf32, #tpu.memory_space<vmem_shared>> -> memref<128xf32, #tpu.memory_space<vmem_shared>>
    tpu.wait_dma2 semaphore(%arg26 : memref<!tpu.dma_semaphore, #tpu.memory_space<semaphore_mem>>) src(%arg11 : memref<128xf32, #tpu.memory_space<vmem>>) dst(%dma_wait3A_326 : memref<128xf32, #tpu.memory_space<vmem_shared>>)
    %dma_wait3A_327 = arith.constant 0 : i32
    %dma_wait3A_328 = arith.constant 0 : i32
    %dma_wait3A_329 = tpu.memref_slice %arg19[%dma_wait3A_327, %dma_wait3A_328] : memref<10240x64xf32, #tpu.memory_space<vmem_shared>> -> memref<128x64xf32, #tpu.memory_space<vmem_shared>>
    %dma_wait3A_330 = arith.constant 0 : i32
    %dma_wait3A_331 = arith.constant 0 : i32
    %dma_wait3A_332 = tpu.memref_slice %arg19[%dma_wait3A_330, %dma_wait3A_331] : memref<10240x64xf32, #tpu.memory_space<vmem_shared>> -> memref<128x64xf32, #tpu.memory_space<vmem_shared>>
    tpu.wait_dma2 semaphore(%arg27 : memref<!tpu.dma_semaphore, #tpu.memory_space<semaphore_mem>>) src(%arg17 : memref<128x64xf32, #tpu.memory_space<vmem>>) dst(%dma_wait3A_332 : memref<128x64xf32, #tpu.memory_space<vmem_shared>>)
    %dma_wait3A_333 = arith.constant 0 : i32
    %dma_wait3A_334 = tpu.memref_slice %arg18[%dma_wait3A_333] : memref<10240xf32, #tpu.memory_space<vmem_shared>> -> memref<128xf32, #tpu.memory_space<vmem_shared>>
    %dma_wait3A_335 = arith.constant 0 : i32
    %dma_wait3A_336 = tpu.memref_slice %arg18[%dma_wait3A_335] : memref<10240xf32, #tpu.memory_space<vmem_shared>> -> memref<128xf32, #tpu.memory_space<vmem_shared>>
    tpu.wait_dma2 semaphore(%arg27 : memref<!tpu.dma_semaphore, #tpu.memory_space<semaphore_mem>>) src(%arg11 : memref<128xf32, #tpu.memory_space<vmem>>) dst(%dma_wait3A_336 : memref<128xf32, #tpu.memory_space<vmem_shared>>)
    %barrier3A_337 = arith.constant 0 : index
    tpu.barrier barrier_id(%barrier3A_337)
    %eq3A_338 = arith.constant 0 : i32
    %eq3A_339 = arith.cmpi eq, %arg0, %eq3A_338 : i32
    %convert_element_type3A_340 = arith.extui %eq3A_339 : i1 to i32
    %cond3A_341 = arith.constant 0 : i32
    %cond3A_342 = arith.cmpi ne, %convert_element_type3A_340, %cond3A_341 : i32
    scf.if %cond3A_342 {
      "tpu.region"() ({
        %run_scoped3A = tpu.sem_alloc : memref<!tpu.dma_semaphore, #tpu.memory_space<semaphore_mem>>
        %dma_start3A_348 = arith.constant 0 : i32
        %dma_start3A_349 = tpu.memref_slice %arg7[%mul3A_0, %dma_start3A_348] : memref<10240x64xf32, #tpu.memory_space<hbm>> -> memref<640x64xf32, #tpu.memory_space<hbm>>
        %dma_start3A_350 = arith.constant 0 : i32
        %dma_start3A_351 = tpu.memref_slice %arg19[%mul3A_0, %dma_start3A_350] : memref<10240x64xf32, #tpu.memory_space<vmem_shared>> -> memref<640x64xf32, #tpu.memory_space<vmem_shared>>
        tpu.enqueue_dma source(%dma_start3A_351 : memref<640x64xf32, #tpu.memory_space<vmem_shared>>) target(%dma_start3A_349 : memref<640x64xf32, #tpu.memory_space<hbm>>) target_semaphore(%run_scoped3A : memref<!tpu.dma_semaphore, #tpu.memory_space<semaphore_mem>>)
        %dma_wait3A_352 = arith.constant 0 : i32
        %dma_wait3A_353 = tpu.memref_slice %arg7[%mul3A_0, %dma_wait3A_352] : memref<10240x64xf32, #tpu.memory_space<hbm>> -> memref<640x64xf32, #tpu.memory_space<hbm>>
        %dma_wait3A_354 = arith.constant 0 : i32
        %dma_wait3A_355 = tpu.memref_slice %arg19[%mul3A_0, %dma_wait3A_354] : memref<10240x64xf32, #tpu.memory_space<vmem_shared>> -> memref<640x64xf32, #tpu.memory_space<vmem_shared>>
        tpu.wait_dma2 semaphore(%run_scoped3A : memref<!tpu.dma_semaphore, #tpu.memory_space<semaphore_mem>>) src(%dma_wait3A_355 : memref<640x64xf32, #tpu.memory_space<vmem_shared>>) dst(%dma_wait3A_353 : memref<640x64xf32, #tpu.memory_space<hbm>>)
        tpu.yield
      }) : () -> ()
      "tpu.region"() ({
        %run_scoped3A = tpu.sem_alloc : memref<!tpu.dma_semaphore, #tpu.memory_space<semaphore_mem>>
        %dma_start3A_348 = tpu.memref_slice %arg5[%mul3A_0] : memref<10240xf32, #tpu.memory_space<hbm>> -> memref<640xf32, #tpu.memory_space<hbm>>
        %dma_start3A_349 = tpu.memref_slice %arg18[%mul3A_0] : memref<10240xf32, #tpu.memory_space<vmem_shared>> -> memref<640xf32, #tpu.memory_space<vmem_shared>>
        tpu.enqueue_dma source(%dma_start3A_349 : memref<640xf32, #tpu.memory_space<vmem_shared>>) target(%dma_start3A_348 : memref<640xf32, #tpu.memory_space<hbm>>) target_semaphore(%run_scoped3A : memref<!tpu.dma_semaphore, #tpu.memory_space<semaphore_mem>>)
        %dma_wait3A_350 = tpu.memref_slice %arg5[%mul3A_0] : memref<10240xf32, #tpu.memory_space<hbm>> -> memref<640xf32, #tpu.memory_space<hbm>>
        %dma_wait3A_351 = tpu.memref_slice %arg18[%mul3A_0] : memref<10240xf32, #tpu.memory_space<vmem_shared>> -> memref<640xf32, #tpu.memory_space<vmem_shared>>
        tpu.wait_dma2 semaphore(%run_scoped3A : memref<!tpu.dma_semaphore, #tpu.memory_space<semaphore_mem>>) src(%dma_wait3A_351 : memref<640xf32, #tpu.memory_space<vmem_shared>>) dst(%dma_wait3A_350 : memref<640xf32, #tpu.memory_space<hbm>>)
        tpu.yield
      }) : () -> ()
    } else {
    }
    %eq3A_343 = arith.constant 1 : i32
    %eq3A_344 = arith.cmpi eq, %arg0, %eq3A_343 : i32
    %convert_element_type3A_345 = arith.extui %eq3A_344 : i1 to i32
    %cond3A_346 = arith.constant 0 : i32
    %cond3A_347 = arith.cmpi ne, %convert_element_type3A_345, %cond3A_346 : i32
    scf.if %cond3A_347 {
      "tpu.region"() ({
        %run_scoped3A = tpu.sem_alloc : memref<!tpu.dma_semaphore, #tpu.memory_space<semaphore_mem>>
        %dma_start3A_348 = arith.constant 0 : i32
        %dma_start3A_349 = tpu.memref_slice %arg8[%mul3A_0, %dma_start3A_348] : memref<10240x64xf32, #tpu.memory_space<hbm>> -> memref<640x64xf32, #tpu.memory_space<hbm>>
        %dma_start3A_350 = arith.constant 0 : i32
        %dma_start3A_351 = tpu.memref_slice %arg19[%mul3A_0, %dma_start3A_350] : memref<10240x64xf32, #tpu.memory_space<vmem_shared>> -> memref<640x64xf32, #tpu.memory_space<vmem_shared>>
        tpu.enqueue_dma source(%dma_start3A_351 : memref<640x64xf32, #tpu.memory_space<vmem_shared>>) target(%dma_start3A_349 : memref<640x64xf32, #tpu.memory_space<hbm>>) target_semaphore(%run_scoped3A : memref<!tpu.dma_semaphore, #tpu.memory_space<semaphore_mem>>)
        %dma_wait3A_352 = arith.constant 0 : i32
        %dma_wait3A_353 = tpu.memref_slice %arg8[%mul3A_0, %dma_wait3A_352] : memref<10240x64xf32, #tpu.memory_space<hbm>> -> memref<640x64xf32, #tpu.memory_space<hbm>>
        %dma_wait3A_354 = arith.constant 0 : i32
        %dma_wait3A_355 = tpu.memref_slice %arg19[%mul3A_0, %dma_wait3A_354] : memref<10240x64xf32, #tpu.memory_space<vmem_shared>> -> memref<640x64xf32, #tpu.memory_space<vmem_shared>>
        tpu.wait_dma2 semaphore(%run_scoped3A : memref<!tpu.dma_semaphore, #tpu.memory_space<semaphore_mem>>) src(%dma_wait3A_355 : memref<640x64xf32, #tpu.memory_space<vmem_shared>>) dst(%dma_wait3A_353 : memref<640x64xf32, #tpu.memory_space<hbm>>)
        tpu.yield
      }) : () -> ()
      "tpu.region"() ({
        %run_scoped3A = tpu.sem_alloc : memref<!tpu.dma_semaphore, #tpu.memory_space<semaphore_mem>>
        %dma_start3A_348 = tpu.memref_slice %arg6[%mul3A_0] : memref<10240xf32, #tpu.memory_space<hbm>> -> memref<640xf32, #tpu.memory_space<hbm>>
        %dma_start3A_349 = tpu.memref_slice %arg18[%mul3A_0] : memref<10240xf32, #tpu.memory_space<vmem_shared>> -> memref<640xf32, #tpu.memory_space<vmem_shared>>
        tpu.enqueue_dma source(%dma_start3A_349 : memref<640xf32, #tpu.memory_space<vmem_shared>>) target(%dma_start3A_348 : memref<640xf32, #tpu.memory_space<hbm>>) target_semaphore(%run_scoped3A : memref<!tpu.dma_semaphore, #tpu.memory_space<semaphore_mem>>)
        %dma_wait3A_350 = tpu.memref_slice %arg6[%mul3A_0] : memref<10240xf32, #tpu.memory_space<hbm>> -> memref<640xf32, #tpu.memory_space<hbm>>
        %dma_wait3A_351 = tpu.memref_slice %arg18[%mul3A_0] : memref<10240xf32, #tpu.memory_space<vmem_shared>> -> memref<640xf32, #tpu.memory_space<vmem_shared>>
        tpu.wait_dma2 semaphore(%run_scoped3A : memref<!tpu.dma_semaphore, #tpu.memory_space<semaphore_mem>>) src(%dma_wait3A_351 : memref<640xf32, #tpu.memory_space<vmem_shared>>) dst(%dma_wait3A_350 : memref<640xf32, #tpu.memory_space<hbm>>)
        tpu.yield
      }) : () -> ()
    } else {
    }
    return
  }
}

#map = affine_map<(d0, d1) -> (0, 0)>
module attributes {stable_mosaic.version = 14 : i64} {
  func.func @_sc_pass_b_body(%arg0: i32, %arg1: i32, %arg2: memref<2x320000xi32, #tpu.memory_space<hbm>>, %arg3: memref<10240x64xf32, #tpu.memory_space<hbm>>, %arg4: memref<10240x64xf32, #tpu.memory_space<hbm>>, %arg5: memref<10240x64xf32, #tpu.memory_space<hbm>>, %arg6: memref<10240x64xf32, #tpu.memory_space<hbm>>, %arg7: memref<128x64xf32, #tpu.memory_space<vmem>>, %arg8: memref<20480xi32, #tpu.memory_space<vmem>>, %arg9: memref<20480xi32, #tpu.memory_space<vmem>>, %arg10: memref<128x64xf32, #tpu.memory_space<vmem>>, %arg11: memref<128x64xf32, #tpu.memory_space<vmem>>, %arg12: memref<128x64xf32, #tpu.memory_space<vmem>>, %arg13: memref<128x64xf32, #tpu.memory_space<vmem>>, %arg14: memref<10240x64xf32, #tpu.memory_space<vmem_shared>>, %arg15: memref<!tpu.dma_semaphore, #tpu.memory_space<semaphore_mem>>, %arg16: memref<!tpu.dma_semaphore, #tpu.memory_space<semaphore_mem>>, %arg17: memref<!tpu.dma_semaphore, #tpu.memory_space<semaphore_mem>>, %arg18: memref<!tpu.dma_semaphore, #tpu.memory_space<semaphore_mem>>, %arg19: memref<!tpu.dma_semaphore, #tpu.memory_space<semaphore_mem>>, %arg20: memref<!tpu.dma_semaphore, #tpu.memory_space<semaphore_mem>>, %arg21: memref<!tpu.dma_semaphore, #tpu.memory_space<semaphore_mem>>, %arg22: memref<!tpu.dma_semaphore, #tpu.memory_space<semaphore_mem>>) attributes {dimension_semantics = [#tpu.dimension_semantics<core_parallel>, #tpu.dimension_semantics<subcore_parallel>], iteration_bounds = array<i64: 2, 16>, scalar_prefetch = 0 : i64, scratch_operands = 16 : i64, tpu.core_type = #tpu.core_type<sc_vector_subcore>, window_params = [{transform_indices = #map}, {transform_indices = #map}, {transform_indices = #map}, {transform_indices = #map}, {transform_indices = #map}]} {
    %mul3A = arith.constant 640 : i32
    %mul3A_0 = arith.muli %arg1, %mul3A : i32
    %eq3A = arith.constant 0 : i32
    %eq3A_1 = arith.cmpi eq, %arg1, %eq3A : i32
    %jit3A = arith.constant 160 : i32
    %jit3A_2 = arith.constant 156 : i32
    %select_n3A = arith.select %eq3A_1, %jit3A, %jit3A_2 : i32
    %mul3A_3 = arith.constant 156 : i32
    %mul3A_4 = arith.muli %mul3A_3, %arg1 : i32
    %min3A = arith.constant 1 : i32
    %min3A_5 = arith.minsi %arg1, %min3A : i32
    %mul3A_6 = arith.constant 4 : i32
    %mul3A_7 = arith.muli %mul3A_6, %min3A_5 : i32
    %add3A = arith.addi %mul3A_4, %mul3A_7 : i32
    %mul3A_8 = arith.constant 128 : i32
    %mul3A_9 = arith.muli %add3A, %mul3A_8 : i32
    %dma_start3A = arith.constant 1 : i32
    %dma_start3A_10 = arith.constant 0 : i32
    %dma_start3A_11 = tpu.memref_slice %arg8[%dma_start3A_10] : memref<20480xi32, #tpu.memory_space<vmem>> -> memref<19968xi32, #tpu.memory_space<vmem>>
    %dma_start3A_12 = tpu.memref_slice %arg2[%dma_start3A, %mul3A_9] : memref<2x320000xi32, #tpu.memory_space<hbm>> -> memref<1x19968xi32, #tpu.memory_space<hbm>>
    %dma_start3A_13 = tpu.memref_squeeze %dma_start3A_12 : memref<1x19968xi32, #tpu.memory_space<hbm>> -> memref<19968xi32, #tpu.memory_space<hbm>>
    %dma_start3A_14 = arith.constant 0 : i32
    %dma_start3A_15 = tpu.memref_slice %arg8[%dma_start3A_14] : memref<20480xi32, #tpu.memory_space<vmem>> -> memref<19968xi32, #tpu.memory_space<vmem>>
    %dma_start3A_16 = tpu.memref_slice %arg2[%dma_start3A, %mul3A_9] : memref<2x320000xi32, #tpu.memory_space<hbm>> -> memref<1x19968xi32, #tpu.memory_space<hbm>>
    %dma_start3A_17 = tpu.memref_squeeze %dma_start3A_16 : memref<1x19968xi32, #tpu.memory_space<hbm>> -> memref<19968xi32, #tpu.memory_space<hbm>>
    tpu.enqueue_dma source(%dma_start3A_17 : memref<19968xi32, #tpu.memory_space<hbm>>) target(%dma_start3A_15 : memref<19968xi32, #tpu.memory_space<vmem>>) target_semaphore(%arg15 : memref<!tpu.dma_semaphore, #tpu.memory_space<semaphore_mem>>)
    %mul3A_18 = arith.constant 128 : i32
    %mul3A_19 = arith.muli %add3A, %mul3A_18 : i32
    %dma_start3A_20 = arith.constant 0 : i32
    %dma_start3A_21 = arith.constant 0 : i32
    %dma_start3A_22 = tpu.memref_slice %arg9[%dma_start3A_21] : memref<20480xi32, #tpu.memory_space<vmem>> -> memref<19968xi32, #tpu.memory_space<vmem>>
    %dma_start3A_23 = tpu.memref_slice %arg2[%dma_start3A_20, %mul3A_19] : memref<2x320000xi32, #tpu.memory_space<hbm>> -> memref<1x19968xi32, #tpu.memory_space<hbm>>
    %dma_start3A_24 = tpu.memref_squeeze %dma_start3A_23 : memref<1x19968xi32, #tpu.memory_space<hbm>> -> memref<19968xi32, #tpu.memory_space<hbm>>
    %dma_start3A_25 = arith.constant 0 : i32
    %dma_start3A_26 = tpu.memref_slice %arg9[%dma_start3A_25] : memref<20480xi32, #tpu.memory_space<vmem>> -> memref<19968xi32, #tpu.memory_space<vmem>>
    %dma_start3A_27 = tpu.memref_slice %arg2[%dma_start3A_20, %mul3A_19] : memref<2x320000xi32, #tpu.memory_space<hbm>> -> memref<1x19968xi32, #tpu.memory_space<hbm>>
    %dma_start3A_28 = tpu.memref_squeeze %dma_start3A_27 : memref<1x19968xi32, #tpu.memory_space<hbm>> -> memref<19968xi32, #tpu.memory_space<hbm>>
    tpu.enqueue_dma source(%dma_start3A_28 : memref<19968xi32, #tpu.memory_space<hbm>>) target(%dma_start3A_26 : memref<19968xi32, #tpu.memory_space<vmem>>) target_semaphore(%arg16 : memref<!tpu.dma_semaphore, #tpu.memory_space<semaphore_mem>>)
    %eq3A_29 = arith.constant 0 : i32
    %eq3A_30 = arith.cmpi eq, %arg1, %eq3A_29 : i32
    %convert_element_type3A = arith.extui %eq3A_30 : i1 to i32
    %cond3A = arith.constant 0 : i32
    %cond3A_31 = arith.cmpi ne, %convert_element_type3A, %cond3A : i32
    scf.if %cond3A_31 {
      %dma_start3A_147 = arith.constant 1 : i32
      %dma_start3A_148 = arith.constant 19968 : i32
      %dma_start3A_149 = tpu.memref_slice %arg8[%dma_start3A_148] : memref<20480xi32, #tpu.memory_space<vmem>> -> memref<512xi32, #tpu.memory_space<vmem>>
      %dma_start3A_150 = arith.constant 19968 : i32
      %dma_start3A_151 = tpu.memref_slice %arg2[%dma_start3A_147, %dma_start3A_150] : memref<2x320000xi32, #tpu.memory_space<hbm>> -> memref<1x512xi32, #tpu.memory_space<hbm>>
      %dma_start3A_152 = tpu.memref_squeeze %dma_start3A_151 : memref<1x512xi32, #tpu.memory_space<hbm>> -> memref<512xi32, #tpu.memory_space<hbm>>
      %dma_start3A_153 = arith.constant 19968 : i32
      %dma_start3A_154 = tpu.memref_slice %arg8[%dma_start3A_153] : memref<20480xi32, #tpu.memory_space<vmem>> -> memref<512xi32, #tpu.memory_space<vmem>>
      %dma_start3A_155 = arith.constant 19968 : i32
      %dma_start3A_156 = tpu.memref_slice %arg2[%dma_start3A_147, %dma_start3A_155] : memref<2x320000xi32, #tpu.memory_space<hbm>> -> memref<1x512xi32, #tpu.memory_space<hbm>>
      %dma_start3A_157 = tpu.memref_squeeze %dma_start3A_156 : memref<1x512xi32, #tpu.memory_space<hbm>> -> memref<512xi32, #tpu.memory_space<hbm>>
      tpu.enqueue_dma source(%dma_start3A_157 : memref<512xi32, #tpu.memory_space<hbm>>) target(%dma_start3A_154 : memref<512xi32, #tpu.memory_space<vmem>>) target_semaphore(%arg17 : memref<!tpu.dma_semaphore, #tpu.memory_space<semaphore_mem>>)
      %dma_start3A_158 = arith.constant 0 : i32
      %dma_start3A_159 = arith.constant 19968 : i32
      %dma_start3A_160 = tpu.memref_slice %arg9[%dma_start3A_159] : memref<20480xi32, #tpu.memory_space<vmem>> -> memref<512xi32, #tpu.memory_space<vmem>>
      %dma_start3A_161 = arith.constant 19968 : i32
      %dma_start3A_162 = tpu.memref_slice %arg2[%dma_start3A_158, %dma_start3A_161] : memref<2x320000xi32, #tpu.memory_space<hbm>> -> memref<1x512xi32, #tpu.memory_space<hbm>>
      %dma_start3A_163 = tpu.memref_squeeze %dma_start3A_162 : memref<1x512xi32, #tpu.memory_space<hbm>> -> memref<512xi32, #tpu.memory_space<hbm>>
      %dma_start3A_164 = arith.constant 19968 : i32
      %dma_start3A_165 = tpu.memref_slice %arg9[%dma_start3A_164] : memref<20480xi32, #tpu.memory_space<vmem>> -> memref<512xi32, #tpu.memory_space<vmem>>
      %dma_start3A_166 = arith.constant 19968 : i32
      %dma_start3A_167 = tpu.memref_slice %arg2[%dma_start3A_158, %dma_start3A_166] : memref<2x320000xi32, #tpu.memory_space<hbm>> -> memref<1x512xi32, #tpu.memory_space<hbm>>
      %dma_start3A_168 = tpu.memref_squeeze %dma_start3A_167 : memref<1x512xi32, #tpu.memory_space<hbm>> -> memref<512xi32, #tpu.memory_space<hbm>>
      tpu.enqueue_dma source(%dma_start3A_168 : memref<512xi32, #tpu.memory_space<hbm>>) target(%dma_start3A_165 : memref<512xi32, #tpu.memory_space<vmem>>) target_semaphore(%arg18 : memref<!tpu.dma_semaphore, #tpu.memory_space<semaphore_mem>>)
    } else {
    }
    %broadcast_in_dim3A = arith.constant 0.000000e+00 : f32
    %broadcast_in_dim3A_32 = vector.broadcast %broadcast_in_dim3A : f32 to vector<16xf32>
    %scan3A = arith.constant 0 : i32
    %scan3A_33 = arith.constant 0 : i32
    %scan3A_34 = arith.constant 128 : i32
    %scan3A_35 = arith.addi %scan3A_33, %scan3A_34 : i32
    %scan3A_36 = arith.constant 1 : i32
    %scan3A_37 = scf.for %scan3A_147 = %scan3A_33 to %scan3A_35 step %scan3A_36 iter_args(%scan3A_148 = %scan3A) -> (i32)  : i32 {
      %swap3A = arith.index_cast %scan3A_147 : i32 to index
      %swap3A_149 = arith.constant 0 : index
      %swap3A_150 = tpu.vector_load %arg7[%swap3A, %swap3A_149] {strides = array<i32>} : memref<128x64xf32, #tpu.memory_space<vmem>>, vector<1x16xf32>,
      %swap3A_151 = vector.shape_cast %swap3A_150 : vector<1x16xf32> to vector<16xf32>
      %swap3A_152 = vector.shape_cast %broadcast_in_dim3A_32 : vector<16xf32> to vector<1x16xf32>
      tpu.vector_store %arg7[%swap3A, %swap3A_149], %swap3A_152 {strides = array<i32>} : memref<128x64xf32, #tpu.memory_space<vmem>>, vector<1x16xf32>,
      %swap3A_153 = arith.index_cast %scan3A_147 : i32 to index
      %swap3A_154 = arith.constant 16 : index
      %swap3A_155 = tpu.vector_load %arg7[%swap3A_153, %swap3A_154] {strides = array<i32>} : memref<128x64xf32, #tpu.memory_space<vmem>>, vector<1x16xf32>,
      %swap3A_156 = vector.shape_cast %swap3A_155 : vector<1x16xf32> to vector<16xf32>
      %swap3A_157 = vector.shape_cast %broadcast_in_dim3A_32 : vector<16xf32> to vector<1x16xf32>
      tpu.vector_store %arg7[%swap3A_153, %swap3A_154], %swap3A_157 {strides = array<i32>} : memref<128x64xf32, #tpu.memory_space<vmem>>, vector<1x16xf32>,
      %swap3A_158 = arith.index_cast %scan3A_147 : i32 to index
      %swap3A_159 = arith.constant 32 : index
      %swap3A_160 = tpu.vector_load %arg7[%swap3A_158, %swap3A_159] {strides = array<i32>} : memref<128x64xf32, #tpu.memory_space<vmem>>, vector<1x16xf32>,
      %swap3A_161 = vector.shape_cast %swap3A_160 : vector<1x16xf32> to vector<16xf32>
      %swap3A_162 = vector.shape_cast %broadcast_in_dim3A_32 : vector<16xf32> to vector<1x16xf32>
      tpu.vector_store %arg7[%swap3A_158, %swap3A_159], %swap3A_162 {strides = array<i32>} : memref<128x64xf32, #tpu.memory_space<vmem>>, vector<1x16xf32>,
      %swap3A_163 = arith.index_cast %scan3A_147 : i32 to index
      %swap3A_164 = arith.constant 48 : index
      %swap3A_165 = tpu.vector_load %arg7[%swap3A_163, %swap3A_164] {strides = array<i32>} : memref<128x64xf32, #tpu.memory_space<vmem>>, vector<1x16xf32>,
      %swap3A_166 = vector.shape_cast %swap3A_165 : vector<1x16xf32> to vector<16xf32>
      %swap3A_167 = vector.shape_cast %broadcast_in_dim3A_32 : vector<16xf32> to vector<1x16xf32>
      tpu.vector_store %arg7[%swap3A_163, %swap3A_164], %swap3A_167 {strides = array<i32>} : memref<128x64xf32, #tpu.memory_space<vmem>>, vector<1x16xf32>,
      %scan3A_168 = arith.constant 0 : i32
      scf.yield %scan3A_168 : i32
    }
    %scan3A_38 = arith.constant 128 : i32
    %add3A_39 = arith.constant 0 : i32
    %add3A_40 = arith.addi %mul3A_0, %add3A_39 : i32
    "tpu.region"() ({
      %run_scoped3A = tpu.sem_alloc : memref<!tpu.dma_semaphore, #tpu.memory_space<semaphore_mem>>
      %dma_start3A_147 = arith.constant 0 : i32
      %dma_start3A_148 = tpu.memref_slice %arg14[%add3A_40, %dma_start3A_147] : memref<10240x64xf32, #tpu.memory_space<vmem_shared>> -> memref<128x64xf32, #tpu.memory_space<vmem_shared>>
      %dma_start3A_149 = arith.constant 0 : i32
      %dma_start3A_150 = tpu.memref_slice %arg14[%add3A_40, %dma_start3A_149] : memref<10240x64xf32, #tpu.memory_space<vmem_shared>> -> memref<128x64xf32, #tpu.memory_space<vmem_shared>>
      tpu.enqueue_dma source(%arg7 : memref<128x64xf32, #tpu.memory_space<vmem>>) target(%dma_start3A_150 : memref<128x64xf32, #tpu.memory_space<vmem_shared>>) target_semaphore(%run_scoped3A : memref<!tpu.dma_semaphore, #tpu.memory_space<semaphore_mem>>)
      %dma_wait3A_151 = arith.constant 0 : i32
      %dma_wait3A_152 = tpu.memref_slice %arg14[%add3A_40, %dma_wait3A_151] : memref<10240x64xf32, #tpu.memory_space<vmem_shared>> -> memref<128x64xf32, #tpu.memory_space<vmem_shared>>
      %dma_wait3A_153 = arith.constant 0 : i32
      %dma_wait3A_154 = tpu.memref_slice %arg14[%add3A_40, %dma_wait3A_153] : memref<10240x64xf32, #tpu.memory_space<vmem_shared>> -> memref<128x64xf32, #tpu.memory_space<vmem_shared>>
      tpu.wait_dma2 semaphore(%run_scoped3A : memref<!tpu.dma_semaphore, #tpu.memory_space<semaphore_mem>>) src(%arg7 : memref<128x64xf32, #tpu.memory_space<vmem>>) dst(%dma_wait3A_154 : memref<128x64xf32, #tpu.memory_space<vmem_shared>>)
      tpu.yield
    }) : () -> ()
    %add3A_41 = arith.constant 128 : i32
    %add3A_42 = arith.addi %mul3A_0, %add3A_41 : i32
    "tpu.region"() ({
      %run_scoped3A = tpu.sem_alloc : memref<!tpu.dma_semaphore, #tpu.memory_space<semaphore_mem>>
      %dma_start3A_147 = arith.constant 0 : i32
      %dma_start3A_148 = tpu.memref_slice %arg14[%add3A_42, %dma_start3A_147] : memref<10240x64xf32, #tpu.memory_space<vmem_shared>> -> memref<128x64xf32, #tpu.memory_space<vmem_shared>>
      %dma_start3A_149 = arith.constant 0 : i32
      %dma_start3A_150 = tpu.memref_slice %arg14[%add3A_42, %dma_start3A_149] : memref<10240x64xf32, #tpu.memory_space<vmem_shared>> -> memref<128x64xf32, #tpu.memory_space<vmem_shared>>
      tpu.enqueue_dma source(%arg7 : memref<128x64xf32, #tpu.memory_space<vmem>>) target(%dma_start3A_150 : memref<128x64xf32, #tpu.memory_space<vmem_shared>>) target_semaphore(%run_scoped3A : memref<!tpu.dma_semaphore, #tpu.memory_space<semaphore_mem>>)
      %dma_wait3A_151 = arith.constant 0 : i32
      %dma_wait3A_152 = tpu.memref_slice %arg14[%add3A_42, %dma_wait3A_151] : memref<10240x64xf32, #tpu.memory_space<vmem_shared>> -> memref<128x64xf32, #tpu.memory_space<vmem_shared>>
      %dma_wait3A_153 = arith.constant 0 : i32
      %dma_wait3A_154 = tpu.memref_slice %arg14[%add3A_42, %dma_wait3A_153] : memref<10240x64xf32, #tpu.memory_space<vmem_shared>> -> memref<128x64xf32, #tpu.memory_space<vmem_shared>>
      tpu.wait_dma2 semaphore(%run_scoped3A : memref<!tpu.dma_semaphore, #tpu.memory_space<semaphore_mem>>) src(%arg7 : memref<128x64xf32, #tpu.memory_space<vmem>>) dst(%dma_wait3A_154 : memref<128x64xf32, #tpu.memory_space<vmem_shared>>)
      tpu.yield
    }) : () -> ()
    %add3A_43 = arith.constant 256 : i32
    %add3A_44 = arith.addi %mul3A_0, %add3A_43 : i32
    "tpu.region"() ({
      %run_scoped3A = tpu.sem_alloc : memref<!tpu.dma_semaphore, #tpu.memory_space<semaphore_mem>>
      %dma_start3A_147 = arith.constant 0 : i32
      %dma_start3A_148 = tpu.memref_slice %arg14[%add3A_44, %dma_start3A_147] : memref<10240x64xf32, #tpu.memory_space<vmem_shared>> -> memref<128x64xf32, #tpu.memory_space<vmem_shared>>
      %dma_start3A_149 = arith.constant 0 : i32
      %dma_start3A_150 = tpu.memref_slice %arg14[%add3A_44, %dma_start3A_149] : memref<10240x64xf32, #tpu.memory_space<vmem_shared>> -> memref<128x64xf32, #tpu.memory_space<vmem_shared>>
      tpu.enqueue_dma source(%arg7 : memref<128x64xf32, #tpu.memory_space<vmem>>) target(%dma_start3A_150 : memref<128x64xf32, #tpu.memory_space<vmem_shared>>) target_semaphore(%run_scoped3A : memref<!tpu.dma_semaphore, #tpu.memory_space<semaphore_mem>>)
      %dma_wait3A_151 = arith.constant 0 : i32
      %dma_wait3A_152 = tpu.memref_slice %arg14[%add3A_44, %dma_wait3A_151] : memref<10240x64xf32, #tpu.memory_space<vmem_shared>> -> memref<128x64xf32, #tpu.memory_space<vmem_shared>>
      %dma_wait3A_153 = arith.constant 0 : i32
      %dma_wait3A_154 = tpu.memref_slice %arg14[%add3A_44, %dma_wait3A_153] : memref<10240x64xf32, #tpu.memory_space<vmem_shared>> -> memref<128x64xf32, #tpu.memory_space<vmem_shared>>
      tpu.wait_dma2 semaphore(%run_scoped3A : memref<!tpu.dma_semaphore, #tpu.memory_space<semaphore_mem>>) src(%arg7 : memref<128x64xf32, #tpu.memory_space<vmem>>) dst(%dma_wait3A_154 : memref<128x64xf32, #tpu.memory_space<vmem_shared>>)
      tpu.yield
    }) : () -> ()
    %add3A_45 = arith.constant 384 : i32
    %add3A_46 = arith.addi %mul3A_0, %add3A_45 : i32
    "tpu.region"() ({
      %run_scoped3A = tpu.sem_alloc : memref<!tpu.dma_semaphore, #tpu.memory_space<semaphore_mem>>
      %dma_start3A_147 = arith.constant 0 : i32
      %dma_start3A_148 = tpu.memref_slice %arg14[%add3A_46, %dma_start3A_147] : memref<10240x64xf32, #tpu.memory_space<vmem_shared>> -> memref<128x64xf32, #tpu.memory_space<vmem_shared>>
      %dma_start3A_149 = arith.constant 0 : i32
      %dma_start3A_150 = tpu.memref_slice %arg14[%add3A_46, %dma_start3A_149] : memref<10240x64xf32, #tpu.memory_space<vmem_shared>> -> memref<128x64xf32, #tpu.memory_space<vmem_shared>>
      tpu.enqueue_dma source(%arg7 : memref<128x64xf32, #tpu.memory_space<vmem>>) target(%dma_start3A_150 : memref<128x64xf32, #tpu.memory_space<vmem_shared>>) target_semaphore(%run_scoped3A : memref<!tpu.dma_semaphore, #tpu.memory_space<semaphore_mem>>)
      %dma_wait3A_151 = arith.constant 0 : i32
      %dma_wait3A_152 = tpu.memref_slice %arg14[%add3A_46, %dma_wait3A_151] : memref<10240x64xf32, #tpu.memory_space<vmem_shared>> -> memref<128x64xf32, #tpu.memory_space<vmem_shared>>
      %dma_wait3A_153 = arith.constant 0 : i32
      %dma_wait3A_154 = tpu.memref_slice %arg14[%add3A_46, %dma_wait3A_153] : memref<10240x64xf32, #tpu.memory_space<vmem_shared>> -> memref<128x64xf32, #tpu.memory_space<vmem_shared>>
      tpu.wait_dma2 semaphore(%run_scoped3A : memref<!tpu.dma_semaphore, #tpu.memory_space<semaphore_mem>>) src(%arg7 : memref<128x64xf32, #tpu.memory_space<vmem>>) dst(%dma_wait3A_154 : memref<128x64xf32, #tpu.memory_space<vmem_shared>>)
      tpu.yield
    }) : () -> ()
    %add3A_47 = arith.constant 512 : i32
    %add3A_48 = arith.addi %mul3A_0, %add3A_47 : i32
    "tpu.region"() ({
      %run_scoped3A = tpu.sem_alloc : memref<!tpu.dma_semaphore, #tpu.memory_space<semaphore_mem>>
      %dma_start3A_147 = arith.constant 0 : i32
      %dma_start3A_148 = tpu.memref_slice %arg14[%add3A_48, %dma_start3A_147] : memref<10240x64xf32, #tpu.memory_space<vmem_shared>> -> memref<128x64xf32, #tpu.memory_space<vmem_shared>>
      %dma_start3A_149 = arith.constant 0 : i32
      %dma_start3A_150 = tpu.memref_slice %arg14[%add3A_48, %dma_start3A_149] : memref<10240x64xf32, #tpu.memory_space<vmem_shared>> -> memref<128x64xf32, #tpu.memory_space<vmem_shared>>
      tpu.enqueue_dma source(%arg7 : memref<128x64xf32, #tpu.memory_space<vmem>>) target(%dma_start3A_150 : memref<128x64xf32, #tpu.memory_space<vmem_shared>>) target_semaphore(%run_scoped3A : memref<!tpu.dma_semaphore, #tpu.memory_space<semaphore_mem>>)
      %dma_wait3A_151 = arith.constant 0 : i32
      %dma_wait3A_152 = tpu.memref_slice %arg14[%add3A_48, %dma_wait3A_151] : memref<10240x64xf32, #tpu.memory_space<vmem_shared>> -> memref<128x64xf32, #tpu.memory_space<vmem_shared>>
      %dma_wait3A_153 = arith.constant 0 : i32
      %dma_wait3A_154 = tpu.memref_slice %arg14[%add3A_48, %dma_wait3A_153] : memref<10240x64xf32, #tpu.memory_space<vmem_shared>> -> memref<128x64xf32, #tpu.memory_space<vmem_shared>>
      tpu.wait_dma2 semaphore(%run_scoped3A : memref<!tpu.dma_semaphore, #tpu.memory_space<semaphore_mem>>) src(%arg7 : memref<128x64xf32, #tpu.memory_space<vmem>>) dst(%dma_wait3A_154 : memref<128x64xf32, #tpu.memory_space<vmem_shared>>)
      tpu.yield
    }) : () -> ()
    %dma_wait3A = arith.constant 1 : i32
    %dma_wait3A_49 = arith.constant 0 : i32
    %dma_wait3A_50 = tpu.memref_slice %arg8[%dma_wait3A_49] : memref<20480xi32, #tpu.memory_space<vmem>> -> memref<19968xi32, #tpu.memory_space<vmem>>
    %dma_wait3A_51 = arith.constant 0 : i32
    %dma_wait3A_52 = tpu.memref_slice %arg2[%dma_wait3A, %dma_wait3A_51] : memref<2x320000xi32, #tpu.memory_space<hbm>> -> memref<1x19968xi32, #tpu.memory_space<hbm>>
    %dma_wait3A_53 = tpu.memref_squeeze %dma_wait3A_52 : memref<1x19968xi32, #tpu.memory_space<hbm>> -> memref<19968xi32, #tpu.memory_space<hbm>>
    %dma_wait3A_54 = arith.constant 0 : i32
    %dma_wait3A_55 = tpu.memref_slice %arg8[%dma_wait3A_54] : memref<20480xi32, #tpu.memory_space<vmem>> -> memref<19968xi32, #tpu.memory_space<vmem>>
    %dma_wait3A_56 = arith.constant 0 : i32
    %dma_wait3A_57 = tpu.memref_slice %arg2[%dma_wait3A, %dma_wait3A_56] : memref<2x320000xi32, #tpu.memory_space<hbm>> -> memref<1x19968xi32, #tpu.memory_space<hbm>>
    %dma_wait3A_58 = tpu.memref_squeeze %dma_wait3A_57 : memref<1x19968xi32, #tpu.memory_space<hbm>> -> memref<19968xi32, #tpu.memory_space<hbm>>
    tpu.wait_dma2 semaphore(%arg15 : memref<!tpu.dma_semaphore, #tpu.memory_space<semaphore_mem>>) src(%dma_wait3A_58 : memref<19968xi32, #tpu.memory_space<hbm>>) dst(%dma_wait3A_55 : memref<19968xi32, #tpu.memory_space<vmem>>)
    %dma_wait3A_59 = arith.constant 0 : i32
    %dma_wait3A_60 = arith.constant 0 : i32
    %dma_wait3A_61 = tpu.memref_slice %arg9[%dma_wait3A_60] : memref<20480xi32, #tpu.memory_space<vmem>> -> memref<19968xi32, #tpu.memory_space<vmem>>
    %dma_wait3A_62 = arith.constant 0 : i32
    %dma_wait3A_63 = tpu.memref_slice %arg2[%dma_wait3A_59, %dma_wait3A_62] : memref<2x320000xi32, #tpu.memory_space<hbm>> -> memref<1x19968xi32, #tpu.memory_space<hbm>>
    %dma_wait3A_64 = tpu.memref_squeeze %dma_wait3A_63 : memref<1x19968xi32, #tpu.memory_space<hbm>> -> memref<19968xi32, #tpu.memory_space<hbm>>
    %dma_wait3A_65 = arith.constant 0 : i32
    %dma_wait3A_66 = tpu.memref_slice %arg9[%dma_wait3A_65] : memref<20480xi32, #tpu.memory_space<vmem>> -> memref<19968xi32, #tpu.memory_space<vmem>>
    %dma_wait3A_67 = arith.constant 0 : i32
    %dma_wait3A_68 = tpu.memref_slice %arg2[%dma_wait3A_59, %dma_wait3A_67] : memref<2x320000xi32, #tpu.memory_space<hbm>> -> memref<1x19968xi32, #tpu.memory_space<hbm>>
    %dma_wait3A_69 = tpu.memref_squeeze %dma_wait3A_68 : memref<1x19968xi32, #tpu.memory_space<hbm>> -> memref<19968xi32, #tpu.memory_space<hbm>>
    tpu.wait_dma2 semaphore(%arg16 : memref<!tpu.dma_semaphore, #tpu.memory_space<semaphore_mem>>) src(%dma_wait3A_69 : memref<19968xi32, #tpu.memory_space<hbm>>) dst(%dma_wait3A_66 : memref<19968xi32, #tpu.memory_space<vmem>>)
    %eq3A_70 = arith.constant 0 : i32
    %eq3A_71 = arith.cmpi eq, %arg1, %eq3A_70 : i32
    %convert_element_type3A_72 = arith.extui %eq3A_71 : i1 to i32
    %cond3A_73 = arith.constant 0 : i32
    %cond3A_74 = arith.cmpi ne, %convert_element_type3A_72, %cond3A_73 : i32
    scf.if %cond3A_74 {
      %dma_wait3A_147 = arith.constant 1 : i32
      %dma_wait3A_148 = arith.constant 0 : i32
      %dma_wait3A_149 = tpu.memref_slice %arg8[%dma_wait3A_148] : memref<20480xi32, #tpu.memory_space<vmem>> -> memref<512xi32, #tpu.memory_space<vmem>>
      %dma_wait3A_150 = arith.constant 0 : i32
      %dma_wait3A_151 = tpu.memref_slice %arg2[%dma_wait3A_147, %dma_wait3A_150] : memref<2x320000xi32, #tpu.memory_space<hbm>> -> memref<1x512xi32, #tpu.memory_space<hbm>>
      %dma_wait3A_152 = tpu.memref_squeeze %dma_wait3A_151 : memref<1x512xi32, #tpu.memory_space<hbm>> -> memref<512xi32, #tpu.memory_space<hbm>>
      %dma_wait3A_153 = arith.constant 0 : i32
      %dma_wait3A_154 = tpu.memref_slice %arg8[%dma_wait3A_153] : memref<20480xi32, #tpu.memory_space<vmem>> -> memref<512xi32, #tpu.memory_space<vmem>>
      %dma_wait3A_155 = arith.constant 0 : i32
      %dma_wait3A_156 = tpu.memref_slice %arg2[%dma_wait3A_147, %dma_wait3A_155] : memref<2x320000xi32, #tpu.memory_space<hbm>> -> memref<1x512xi32, #tpu.memory_space<hbm>>
      %dma_wait3A_157 = tpu.memref_squeeze %dma_wait3A_156 : memref<1x512xi32, #tpu.memory_space<hbm>> -> memref<512xi32, #tpu.memory_space<hbm>>
      tpu.wait_dma2 semaphore(%arg17 : memref<!tpu.dma_semaphore, #tpu.memory_space<semaphore_mem>>) src(%dma_wait3A_157 : memref<512xi32, #tpu.memory_space<hbm>>) dst(%dma_wait3A_154 : memref<512xi32, #tpu.memory_space<vmem>>)
      %dma_wait3A_158 = arith.constant 0 : i32
      %dma_wait3A_159 = arith.constant 0 : i32
      %dma_wait3A_160 = tpu.memref_slice %arg9[%dma_wait3A_159] : memref<20480xi32, #tpu.memory_space<vmem>> -> memref<512xi32, #tpu.memory_space<vmem>>
      %dma_wait3A_161 = arith.constant 0 : i32
      %dma_wait3A_162 = tpu.memref_slice %arg2[%dma_wait3A_158, %dma_wait3A_161] : memref<2x320000xi32, #tpu.memory_space<hbm>> -> memref<1x512xi32, #tpu.memory_space<hbm>>
      %dma_wait3A_163 = tpu.memref_squeeze %dma_wait3A_162 : memref<1x512xi32, #tpu.memory_space<hbm>> -> memref<512xi32, #tpu.memory_space<hbm>>
      %dma_wait3A_164 = arith.constant 0 : i32
      %dma_wait3A_165 = tpu.memref_slice %arg9[%dma_wait3A_164] : memref<20480xi32, #tpu.memory_space<vmem>> -> memref<512xi32, #tpu.memory_space<vmem>>
      %dma_wait3A_166 = arith.constant 0 : i32
      %dma_wait3A_167 = tpu.memref_slice %arg2[%dma_wait3A_158, %dma_wait3A_166] : memref<2x320000xi32, #tpu.memory_space<hbm>> -> memref<1x512xi32, #tpu.memory_space<hbm>>
      %dma_wait3A_168 = tpu.memref_squeeze %dma_wait3A_167 : memref<1x512xi32, #tpu.memory_space<hbm>> -> memref<512xi32, #tpu.memory_space<hbm>>
      tpu.wait_dma2 semaphore(%arg18 : memref<!tpu.dma_semaphore, #tpu.memory_space<semaphore_mem>>) src(%dma_wait3A_168 : memref<512xi32, #tpu.memory_space<hbm>>) dst(%dma_wait3A_165 : memref<512xi32, #tpu.memory_space<vmem>>)
    } else {
    }
    %barrier3A = arith.constant 0 : index
    tpu.barrier barrier_id(%barrier3A)
    %eq3A_75 = arith.constant 0 : i32
    %eq3A_76 = arith.cmpi eq, %arg0, %eq3A_75 : i32
    %convert_element_type3A_77 = arith.extui %eq3A_76 : i1 to i32
    %cond3A_78 = arith.constant 0 : i32
    %cond3A_79 = arith.cmpi ne, %convert_element_type3A_77, %cond3A_78 : i32
    scf.if %cond3A_79 {
      %dma_start3A_147 = arith.constant 0 : i32
      %dma_start3A_148 = tpu.memref_slice %arg8[%dma_start3A_147] : memref<20480xi32, #tpu.memory_space<vmem>> -> memref<128xi32, #tpu.memory_space<vmem>>
      %dma_start3A_149 = arith.constant 0 : i32
      %dma_start3A_150 = arith.constant 0 : i32
      %dma_start3A_151 = tpu.memref_slice %arg3[%dma_start3A_149, %dma_start3A_150] : memref<10240x64xf32, #tpu.memory_space<hbm>> -> memref<10240x64xf32, #tpu.memory_space<hbm>>
      tpu.enqueue_indirect_dma source(%dma_start3A_151 : memref<10240x64xf32, #tpu.memory_space<hbm>>) target(%arg10 : memref<128x64xf32, #tpu.memory_space<vmem>>) offsets(%dma_start3A_148 : memref<128xi32, #tpu.memory_space<vmem>>) semaphore(%arg15 : memref<!tpu.dma_semaphore, #tpu.memory_space<semaphore_mem>>)
    } else {
    }
    %eq3A_80 = arith.constant 1 : i32
    %eq3A_81 = arith.cmpi eq, %arg0, %eq3A_80 : i32
    %convert_element_type3A_82 = arith.extui %eq3A_81 : i1 to i32
    %cond3A_83 = arith.constant 0 : i32
    %cond3A_84 = arith.cmpi ne, %convert_element_type3A_82, %cond3A_83 : i32
    scf.if %cond3A_84 {
      %dma_start3A_147 = arith.constant 0 : i32
      %dma_start3A_148 = tpu.memref_slice %arg8[%dma_start3A_147] : memref<20480xi32, #tpu.memory_space<vmem>> -> memref<128xi32, #tpu.memory_space<vmem>>
      %dma_start3A_149 = arith.constant 0 : i32
      %dma_start3A_150 = arith.constant 0 : i32
      %dma_start3A_151 = tpu.memref_slice %arg4[%dma_start3A_149, %dma_start3A_150] : memref<10240x64xf32, #tpu.memory_space<hbm>> -> memref<10240x64xf32, #tpu.memory_space<hbm>>
      tpu.enqueue_indirect_dma source(%dma_start3A_151 : memref<10240x64xf32, #tpu.memory_space<hbm>>) target(%arg10 : memref<128x64xf32, #tpu.memory_space<vmem>>) offsets(%dma_start3A_148 : memref<128xi32, #tpu.memory_space<vmem>>) semaphore(%arg15 : memref<!tpu.dma_semaphore, #tpu.memory_space<semaphore_mem>>)
    } else {
    }
    %eq3A_85 = arith.constant 0 : i32
    %eq3A_86 = arith.cmpi eq, %arg0, %eq3A_85 : i32
    %convert_element_type3A_87 = arith.extui %eq3A_86 : i1 to i32
    %cond3A_88 = arith.constant 0 : i32
    %cond3A_89 = arith.cmpi ne, %convert_element_type3A_87, %cond3A_88 : i32
    scf.if %cond3A_89 {
      %dma_start3A_147 = arith.constant 128 : i32
      %dma_start3A_148 = tpu.memref_slice %arg8[%dma_start3A_147] : memref<20480xi32, #tpu.memory_space<vmem>> -> memref<128xi32, #tpu.memory_space<vmem>>
      %dma_start3A_149 = arith.constant 0 : i32
      %dma_start3A_150 = arith.constant 0 : i32
      %dma_start3A_151 = tpu.memref_slice %arg3[%dma_start3A_149, %dma_start3A_150] : memref<10240x64xf32, #tpu.memory_space<hbm>> -> memref<10240x64xf32, #tpu.memory_space<hbm>>
      tpu.enqueue_indirect_dma source(%dma_start3A_151 : memref<10240x64xf32, #tpu.memory_space<hbm>>) target(%arg11 : memref<128x64xf32, #tpu.memory_space<vmem>>) offsets(%dma_start3A_148 : memref<128xi32, #tpu.memory_space<vmem>>) semaphore(%arg16 : memref<!tpu.dma_semaphore, #tpu.memory_space<semaphore_mem>>)
    } else {
    }
    %eq3A_90 = arith.constant 1 : i32
    %eq3A_91 = arith.cmpi eq, %arg0, %eq3A_90 : i32
    %convert_element_type3A_92 = arith.extui %eq3A_91 : i1 to i32
    %cond3A_93 = arith.constant 0 : i32
    %cond3A_94 = arith.cmpi ne, %convert_element_type3A_92, %cond3A_93 : i32
    scf.if %cond3A_94 {
      %dma_start3A_147 = arith.constant 128 : i32
      %dma_start3A_148 = tpu.memref_slice %arg8[%dma_start3A_147] : memref<20480xi32, #tpu.memory_space<vmem>> -> memref<128xi32, #tpu.memory_space<vmem>>
      %dma_start3A_149 = arith.constant 0 : i32
      %dma_start3A_150 = arith.constant 0 : i32
      %dma_start3A_151 = tpu.memref_slice %arg4[%dma_start3A_149, %dma_start3A_150] : memref<10240x64xf32, #tpu.memory_space<hbm>> -> memref<10240x64xf32, #tpu.memory_space<hbm>>
      tpu.enqueue_indirect_dma source(%dma_start3A_151 : memref<10240x64xf32, #tpu.memory_space<hbm>>) target(%arg11 : memref<128x64xf32, #tpu.memory_space<vmem>>) offsets(%dma_start3A_148 : memref<128xi32, #tpu.memory_space<vmem>>) semaphore(%arg16 : memref<!tpu.dma_semaphore, #tpu.memory_space<semaphore_mem>>)
    } else {
    }
    %jit3A_95 = arith.constant 4 : i32
    %div3A = arith.divsi %select_n3A, %jit3A_95 : i32
    %sign3A = arith.constant 0 : i32
    %sign3A_96 = arith.cmpi sgt, %select_n3A, %sign3A : i32
    %sign3A_97 = arith.extui %sign3A_96 : i1 to i32
    %sign3A_98 = arith.constant 0 : i32
    %sign3A_99 = arith.cmpi slt, %select_n3A, %sign3A_98 : i32
    %sign3A_100 = arith.extui %sign3A_99 : i1 to i32
    %sign3A_101 = arith.subi %sign3A_97, %sign3A_100 : i32
    %sign3A_102 = arith.constant 0 : i32
    %sign3A_103 = arith.cmpi sgt, %jit3A_95, %sign3A_102 : i32
    %sign3A_104 = arith.extui %sign3A_103 : i1 to i32
    %sign3A_105 = arith.constant 0 : i32
    %sign3A_106 = arith.cmpi slt, %jit3A_95, %sign3A_105 : i32
    %sign3A_107 = arith.extui %sign3A_106 : i1 to i32
    %sign3A_108 = arith.subi %sign3A_104, %sign3A_107 : i32
    %ne3A = arith.cmpi ne, %sign3A_101, %sign3A_108 : i32
    %rem3A = arith.remsi %select_n3A, %jit3A_95 : i32
    %ne3A_109 = arith.constant 0 : i32
    %ne3A_110 = arith.cmpi ne, %rem3A, %ne3A_109 : i32
    %and3A = arith.andi %ne3A, %ne3A_110 : i1
    %sub3A = arith.constant 1 : i32
    %sub3A_111 = arith.subi %div3A, %sub3A : i32
    %select_n3A_112 = arith.select %and3A, %sub3A_111, %div3A : i32
    %while3A = arith.constant 0 : i32
    %while3A_113 = arith.constant 0 : i32
    %while3A_114 = arith.subi %select_n3A_112, %while3A : i32
    %while3A_115 = arith.addi %while3A, %while3A_114 : i32
    %while3A_116 = arith.constant 1 : i32
    %while3A_117 = arith.divsi %while3A_114, %while3A_116 : i32
    %while3A_118 = arith.muli %while3A_117, %while3A_116 : i32
    %while3A_119 = arith.addi %while3A, %while3A_118 : i32
    %while3A_120 = arith.constant 1 : i32
    %while3A_121 = scf.for %while3A_147 = %while3A to %while3A_119 step %while3A_120 iter_args(%while3A_148 = %while3A_113) -> (i32)  : i32 {
      %mul3A_149 = arith.constant 4 : i32
      %mul3A_150 = arith.muli %mul3A_149, %while3A_147 : i32
      %add3A_151 = arith.constant 0 : i32
      %add3A_152 = arith.addi %mul3A_150, %add3A_151 : i32
      %ge3A = arith.constant 2 : i32
      %ge3A_153 = arith.cmpi sge, %add3A_152, %ge3A : i32
      %convert_element_type3A_154 = arith.extui %ge3A_153 : i1 to i32
      %cond3A_155 = arith.constant 0 : i32
      %cond3A_156 = arith.cmpi ne, %convert_element_type3A_154, %cond3A_155 : i32
      scf.if %cond3A_156 {
        %dma_wait3A_256 = arith.constant 0 : i32
        %dma_wait3A_257 = arith.constant 0 : i32
        %dma_wait3A_258 = tpu.memref_slice %arg14[%dma_wait3A_256, %dma_wait3A_257] : memref<10240x64xf32, #tpu.memory_space<vmem_shared>> -> memref<128x64xf32, #tpu.memory_space<vmem_shared>>
        %dma_wait3A_259 = arith.constant 0 : i32
        %dma_wait3A_260 = arith.constant 0 : i32
        %dma_wait3A_261 = tpu.memref_slice %arg14[%dma_wait3A_259, %dma_wait3A_260] : memref<10240x64xf32, #tpu.memory_space<vmem_shared>> -> memref<128x64xf32, #tpu.memory_space<vmem_shared>>
        tpu.wait_dma2 semaphore(%arg21 : memref<!tpu.dma_semaphore, #tpu.memory_space<semaphore_mem>>) src(%arg12 : memref<128x64xf32, #tpu.memory_space<vmem>>) dst(%dma_wait3A_261 : memref<128x64xf32, #tpu.memory_space<vmem_shared>>)
      } else {
      }
      %add3A_157 = arith.constant 2 : i32
      %add3A_158 = arith.addi %add3A_152, %add3A_157 : i32
      %lt3A = arith.cmpi slt, %add3A_158, %select_n3A : i32
      %convert_element_type3A_159 = arith.extui %lt3A : i1 to i32
      %cond3A_160 = arith.constant 0 : i32
      %cond3A_161 = arith.cmpi ne, %convert_element_type3A_159, %cond3A_160 : i32
      scf.if %cond3A_161 {
        %add3A_256 = arith.constant 2 : i32
        %add3A_257 = arith.addi %add3A_152, %add3A_256 : i32
        %mul3A_258 = arith.constant 128 : i32
        %mul3A_259 = arith.muli %add3A_257, %mul3A_258 : i32
        %eq3A_260 = arith.constant 0 : i32
        %eq3A_261 = arith.cmpi eq, %arg0, %eq3A_260 : i32
        %convert_element_type3A_262 = arith.extui %eq3A_261 : i1 to i32
        %cond3A_263 = arith.constant 0 : i32
        %cond3A_264 = arith.cmpi ne, %convert_element_type3A_262, %cond3A_263 : i32
        scf.if %cond3A_264 {
          %dma_start3A_270 = tpu.memref_slice %arg8[%mul3A_259] : memref<20480xi32, #tpu.memory_space<vmem>> -> memref<128xi32, #tpu.memory_space<vmem>>
          %dma_start3A_271 = arith.constant 0 : i32
          %dma_start3A_272 = arith.constant 0 : i32
          %dma_start3A_273 = tpu.memref_slice %arg3[%dma_start3A_271, %dma_start3A_272] : memref<10240x64xf32, #tpu.memory_space<hbm>> -> memref<10240x64xf32, #tpu.memory_space<hbm>>
          tpu.enqueue_indirect_dma source(%dma_start3A_273 : memref<10240x64xf32, #tpu.memory_space<hbm>>) target(%arg12 : memref<128x64xf32, #tpu.memory_space<vmem>>) offsets(%dma_start3A_270 : memref<128xi32, #tpu.memory_space<vmem>>) semaphore(%arg17 : memref<!tpu.dma_semaphore, #tpu.memory_space<semaphore_mem>>)
        } else {
        }
        %eq3A_265 = arith.constant 1 : i32
        %eq3A_266 = arith.cmpi eq, %arg0, %eq3A_265 : i32
        %convert_element_type3A_267 = arith.extui %eq3A_266 : i1 to i32
        %cond3A_268 = arith.constant 0 : i32
        %cond3A_269 = arith.cmpi ne, %convert_element_type3A_267, %cond3A_268 : i32
        scf.if %cond3A_269 {
          %dma_start3A_270 = tpu.memref_slice %arg8[%mul3A_259] : memref<20480xi32, #tpu.memory_space<vmem>> -> memref<128xi32, #tpu.memory_space<vmem>>
          %dma_start3A_271 = arith.constant 0 : i32
          %dma_start3A_272 = arith.constant 0 : i32
          %dma_start3A_273 = tpu.memref_slice %arg4[%dma_start3A_271, %dma_start3A_272] : memref<10240x64xf32, #tpu.memory_space<hbm>> -> memref<10240x64xf32, #tpu.memory_space<hbm>>
          tpu.enqueue_indirect_dma source(%dma_start3A_273 : memref<10240x64xf32, #tpu.memory_space<hbm>>) target(%arg12 : memref<128x64xf32, #tpu.memory_space<vmem>>) offsets(%dma_start3A_270 : memref<128xi32, #tpu.memory_space<vmem>>) semaphore(%arg17 : memref<!tpu.dma_semaphore, #tpu.memory_space<semaphore_mem>>)
        } else {
        }
      } else {
      }
      %dma_wait3A_162 = arith.constant 0 : i32
      %dma_wait3A_163 = arith.constant 0 : i32
      %dma_wait3A_164 = tpu.memref_slice %arg3[%dma_wait3A_162, %dma_wait3A_163] : memref<10240x64xf32, #tpu.memory_space<hbm>> -> memref<128x64xf32, #tpu.memory_space<hbm>>
      %dma_wait3A_165 = arith.constant 0 : i32
      %dma_wait3A_166 = arith.constant 0 : i32
      %dma_wait3A_167 = tpu.memref_slice %arg3[%dma_wait3A_165, %dma_wait3A_166] : memref<10240x64xf32, #tpu.memory_space<hbm>> -> memref<128x64xf32, #tpu.memory_space<hbm>>
      tpu.wait_dma2 semaphore(%arg15 : memref<!tpu.dma_semaphore, #tpu.memory_space<semaphore_mem>>) src(%dma_wait3A_167 : memref<128x64xf32, #tpu.memory_space<hbm>>) dst(%arg10 : memref<128x64xf32, #tpu.memory_space<vmem>>)
      %mul3A_168 = arith.constant 128 : i32
      %mul3A_169 = arith.muli %add3A_152, %mul3A_168 : i32
      %dma_start3A_170 = tpu.memref_slice %arg9[%mul3A_169] : memref<20480xi32, #tpu.memory_space<vmem>> -> memref<128xi32, #tpu.memory_space<vmem>>
      %dma_start3A_171 = arith.constant 0 : i32
      %dma_start3A_172 = arith.constant 0 : i32
      %dma_start3A_173 = tpu.memref_slice %arg14[%dma_start3A_171, %dma_start3A_172] : memref<10240x64xf32, #tpu.memory_space<vmem_shared>> -> memref<10240x64xf32, #tpu.memory_space<vmem_shared>>
      tpu.enqueue_indirect_dma source(%arg10 : memref<128x64xf32, #tpu.memory_space<vmem>>) target(%dma_start3A_173 : memref<10240x64xf32, #tpu.memory_space<vmem_shared>>) offsets(%dma_start3A_170 : memref<128xi32, #tpu.memory_space<vmem>>) semaphore(%arg19 : memref<!tpu.dma_semaphore, #tpu.memory_space<semaphore_mem>>) {add = true}
      %mul3A_174 = arith.constant 4 : i32
      %mul3A_175 = arith.muli %mul3A_174, %while3A_147 : i32
      %add3A_176 = arith.constant 1 : i32
      %add3A_177 = arith.addi %mul3A_175, %add3A_176 : i32
      %ge3A_178 = arith.constant 2 : i32
      %ge3A_179 = arith.cmpi sge, %add3A_177, %ge3A_178 : i32
      %convert_element_type3A_180 = arith.extui %ge3A_179 : i1 to i32
      %cond3A_181 = arith.constant 0 : i32
      %cond3A_182 = arith.cmpi ne, %convert_element_type3A_180, %cond3A_181 : i32
      scf.if %cond3A_182 {
        %dma_wait3A_256 = arith.constant 0 : i32
        %dma_wait3A_257 = arith.constant 0 : i32
        %dma_wait3A_258 = tpu.memref_slice %arg14[%dma_wait3A_256, %dma_wait3A_257] : memref<10240x64xf32, #tpu.memory_space<vmem_shared>> -> memref<128x64xf32, #tpu.memory_space<vmem_shared>>
        %dma_wait3A_259 = arith.constant 0 : i32
        %dma_wait3A_260 = arith.constant 0 : i32
        %dma_wait3A_261 = tpu.memref_slice %arg14[%dma_wait3A_259, %dma_wait3A_260] : memref<10240x64xf32, #tpu.memory_space<vmem_shared>> -> memref<128x64xf32, #tpu.memory_space<vmem_shared>>
        tpu.wait_dma2 semaphore(%arg22 : memref<!tpu.dma_semaphore, #tpu.memory_space<semaphore_mem>>) src(%arg13 : memref<128x64xf32, #tpu.memory_space<vmem>>) dst(%dma_wait3A_261 : memref<128x64xf32, #tpu.memory_space<vmem_shared>>)
      } else {
      }
      %add3A_183 = arith.constant 2 : i32
      %add3A_184 = arith.addi %add3A_177, %add3A_183 : i32
      %lt3A_185 = arith.cmpi slt, %add3A_184, %select_n3A : i32
      %convert_element_type3A_186 = arith.extui %lt3A_185 : i1 to i32
      %cond3A_187 = arith.constant 0 : i32
      %cond3A_188 = arith.cmpi ne, %convert_element_type3A_186, %cond3A_187 : i32
      scf.if %cond3A_188 {
        %add3A_256 = arith.constant 2 : i32
        %add3A_257 = arith.addi %add3A_177, %add3A_256 : i32
        %mul3A_258 = arith.constant 128 : i32
        %mul3A_259 = arith.muli %add3A_257, %mul3A_258 : i32
        %eq3A_260 = arith.constant 0 : i32
        %eq3A_261 = arith.cmpi eq, %arg0, %eq3A_260 : i32
        %convert_element_type3A_262 = arith.extui %eq3A_261 : i1 to i32
        %cond3A_263 = arith.constant 0 : i32
        %cond3A_264 = arith.cmpi ne, %convert_element_type3A_262, %cond3A_263 : i32
        scf.if %cond3A_264 {
          %dma_start3A_270 = tpu.memref_slice %arg8[%mul3A_259] : memref<20480xi32, #tpu.memory_space<vmem>> -> memref<128xi32, #tpu.memory_space<vmem>>
          %dma_start3A_271 = arith.constant 0 : i32
          %dma_start3A_272 = arith.constant 0 : i32
          %dma_start3A_273 = tpu.memref_slice %arg3[%dma_start3A_271, %dma_start3A_272] : memref<10240x64xf32, #tpu.memory_space<hbm>> -> memref<10240x64xf32, #tpu.memory_space<hbm>>
          tpu.enqueue_indirect_dma source(%dma_start3A_273 : memref<10240x64xf32, #tpu.memory_space<hbm>>) target(%arg13 : memref<128x64xf32, #tpu.memory_space<vmem>>) offsets(%dma_start3A_270 : memref<128xi32, #tpu.memory_space<vmem>>) semaphore(%arg18 : memref<!tpu.dma_semaphore, #tpu.memory_space<semaphore_mem>>)
        } else {
        }
        %eq3A_265 = arith.constant 1 : i32
        %eq3A_266 = arith.cmpi eq, %arg0, %eq3A_265 : i32
        %convert_element_type3A_267 = arith.extui %eq3A_266 : i1 to i32
        %cond3A_268 = arith.constant 0 : i32
        %cond3A_269 = arith.cmpi ne, %convert_element_type3A_267, %cond3A_268 : i32
        scf.if %cond3A_269 {
          %dma_start3A_270 = tpu.memref_slice %arg8[%mul3A_259] : memref<20480xi32, #tpu.memory_space<vmem>> -> memref<128xi32, #tpu.memory_space<vmem>>
          %dma_start3A_271 = arith.constant 0 : i32
          %dma_start3A_272 = arith.constant 0 : i32
          %dma_start3A_273 = tpu.memref_slice %arg4[%dma_start3A_271, %dma_start3A_272] : memref<10240x64xf32, #tpu.memory_space<hbm>> -> memref<10240x64xf32, #tpu.memory_space<hbm>>
          tpu.enqueue_indirect_dma source(%dma_start3A_273 : memref<10240x64xf32, #tpu.memory_space<hbm>>) target(%arg13 : memref<128x64xf32, #tpu.memory_space<vmem>>) offsets(%dma_start3A_270 : memref<128xi32, #tpu.memory_space<vmem>>) semaphore(%arg18 : memref<!tpu.dma_semaphore, #tpu.memory_space<semaphore_mem>>)
        } else {
        }
      } else {
      }
      %dma_wait3A_189 = arith.constant 0 : i32
      %dma_wait3A_190 = arith.constant 0 : i32
      %dma_wait3A_191 = tpu.memref_slice %arg3[%dma_wait3A_189, %dma_wait3A_190] : memref<10240x64xf32, #tpu.memory_space<hbm>> -> memref<128x64xf32, #tpu.memory_space<hbm>>
      %dma_wait3A_192 = arith.constant 0 : i32
      %dma_wait3A_193 = arith.constant 0 : i32
      %dma_wait3A_194 = tpu.memref_slice %arg3[%dma_wait3A_192, %dma_wait3A_193] : memref<10240x64xf32, #tpu.memory_space<hbm>> -> memref<128x64xf32, #tpu.memory_space<hbm>>
      tpu.wait_dma2 semaphore(%arg16 : memref<!tpu.dma_semaphore, #tpu.memory_space<semaphore_mem>>) src(%dma_wait3A_194 : memref<128x64xf32, #tpu.memory_space<hbm>>) dst(%arg11 : memref<128x64xf32, #tpu.memory_space<vmem>>)
      %mul3A_195 = arith.constant 128 : i32
      %mul3A_196 = arith.muli %add3A_177, %mul3A_195 : i32
      %dma_start3A_197 = tpu.memref_slice %arg9[%mul3A_196] : memref<20480xi32, #tpu.memory_space<vmem>> -> memref<128xi32, #tpu.memory_space<vmem>>
      %dma_start3A_198 = arith.constant 0 : i32
      %dma_start3A_199 = arith.constant 0 : i32
      %dma_start3A_200 = tpu.memref_slice %arg14[%dma_start3A_198, %dma_start3A_199] : memref<10240x64xf32, #tpu.memory_space<vmem_shared>> -> memref<10240x64xf32, #tpu.memory_space<vmem_shared>>
      tpu.enqueue_indirect_dma source(%arg11 : memref<128x64xf32, #tpu.memory_space<vmem>>) target(%dma_start3A_200 : memref<10240x64xf32, #tpu.memory_space<vmem_shared>>) offsets(%dma_start3A_197 : memref<128xi32, #tpu.memory_space<vmem>>) semaphore(%arg20 : memref<!tpu.dma_semaphore, #tpu.memory_space<semaphore_mem>>) {add = true}
      %mul3A_201 = arith.constant 4 : i32
      %mul3A_202 = arith.muli %mul3A_201, %while3A_147 : i32
      %add3A_203 = arith.constant 2 : i32
      %add3A_204 = arith.addi %mul3A_202, %add3A_203 : i32
      %ge3A_205 = arith.constant 2 : i32
      %ge3A_206 = arith.cmpi sge, %add3A_204, %ge3A_205 : i32
      %convert_element_type3A_207 = arith.extui %ge3A_206 : i1 to i32
      %cond3A_208 = arith.constant 0 : i32
      %cond3A_209 = arith.cmpi ne, %convert_element_type3A_207, %cond3A_208 : i32
      scf.if %cond3A_209 {
        %dma_wait3A_256 = arith.constant 0 : i32
        %dma_wait3A_257 = arith.constant 0 : i32
        %dma_wait3A_258 = tpu.memref_slice %arg14[%dma_wait3A_256, %dma_wait3A_257] : memref<10240x64xf32, #tpu.memory_space<vmem_shared>> -> memref<128x64xf32, #tpu.memory_space<vmem_shared>>
        %dma_wait3A_259 = arith.constant 0 : i32
        %dma_wait3A_260 = arith.constant 0 : i32
        %dma_wait3A_261 = tpu.memref_slice %arg14[%dma_wait3A_259, %dma_wait3A_260] : memref<10240x64xf32, #tpu.memory_space<vmem_shared>> -> memref<128x64xf32, #tpu.memory_space<vmem_shared>>
        tpu.wait_dma2 semaphore(%arg19 : memref<!tpu.dma_semaphore, #tpu.memory_space<semaphore_mem>>) src(%arg10 : memref<128x64xf32, #tpu.memory_space<vmem>>) dst(%dma_wait3A_261 : memref<128x64xf32, #tpu.memory_space<vmem_shared>>)
      } else {
      }
      %add3A_210 = arith.constant 2 : i32
      %add3A_211 = arith.addi %add3A_204, %add3A_210 : i32
      %lt3A_212 = arith.cmpi slt, %add3A_211, %select_n3A : i32
      %convert_element_type3A_213 = arith.extui %lt3A_212 : i1 to i32
      %cond3A_214 = arith.constant 0 : i32
      %cond3A_215 = arith.cmpi ne, %convert_element_type3A_213, %cond3A_214 : i32
      scf.if %cond3A_215 {
        %add3A_256 = arith.constant 2 : i32
        %add3A_257 = arith.addi %add3A_204, %add3A_256 : i32
        %mul3A_258 = arith.constant 128 : i32
        %mul3A_259 = arith.muli %add3A_257, %mul3A_258 : i32
        %eq3A_260 = arith.constant 0 : i32
        %eq3A_261 = arith.cmpi eq, %arg0, %eq3A_260 : i32
        %convert_element_type3A_262 = arith.extui %eq3A_261 : i1 to i32
        %cond3A_263 = arith.constant 0 : i32
        %cond3A_264 = arith.cmpi ne, %convert_element_type3A_262, %cond3A_263 : i32
        scf.if %cond3A_264 {
          %dma_start3A_270 = tpu.memref_slice %arg8[%mul3A_259] : memref<20480xi32, #tpu.memory_space<vmem>> -> memref<128xi32, #tpu.memory_space<vmem>>
          %dma_start3A_271 = arith.constant 0 : i32
          %dma_start3A_272 = arith.constant 0 : i32
          %dma_start3A_273 = tpu.memref_slice %arg3[%dma_start3A_271, %dma_start3A_272] : memref<10240x64xf32, #tpu.memory_space<hbm>> -> memref<10240x64xf32, #tpu.memory_space<hbm>>
          tpu.enqueue_indirect_dma source(%dma_start3A_273 : memref<10240x64xf32, #tpu.memory_space<hbm>>) target(%arg10 : memref<128x64xf32, #tpu.memory_space<vmem>>) offsets(%dma_start3A_270 : memref<128xi32, #tpu.memory_space<vmem>>) semaphore(%arg15 : memref<!tpu.dma_semaphore, #tpu.memory_space<semaphore_mem>>)
        } else {
        }
        %eq3A_265 = arith.constant 1 : i32
        %eq3A_266 = arith.cmpi eq, %arg0, %eq3A_265 : i32
        %convert_element_type3A_267 = arith.extui %eq3A_266 : i1 to i32
        %cond3A_268 = arith.constant 0 : i32
        %cond3A_269 = arith.cmpi ne, %convert_element_type3A_267, %cond3A_268 : i32
        scf.if %cond3A_269 {
          %dma_start3A_270 = tpu.memref_slice %arg8[%mul3A_259] : memref<20480xi32, #tpu.memory_space<vmem>> -> memref<128xi32, #tpu.memory_space<vmem>>
          %dma_start3A_271 = arith.constant 0 : i32
          %dma_start3A_272 = arith.constant 0 : i32
          %dma_start3A_273 = tpu.memref_slice %arg4[%dma_start3A_271, %dma_start3A_272] : memref<10240x64xf32, #tpu.memory_space<hbm>> -> memref<10240x64xf32, #tpu.memory_space<hbm>>
          tpu.enqueue_indirect_dma source(%dma_start3A_273 : memref<10240x64xf32, #tpu.memory_space<hbm>>) target(%arg10 : memref<128x64xf32, #tpu.memory_space<vmem>>) offsets(%dma_start3A_270 : memref<128xi32, #tpu.memory_space<vmem>>) semaphore(%arg15 : memref<!tpu.dma_semaphore, #tpu.memory_space<semaphore_mem>>)
        } else {
        }
      } else {
      }
      %dma_wait3A_216 = arith.constant 0 : i32
      %dma_wait3A_217 = arith.constant 0 : i32
      %dma_wait3A_218 = tpu.memref_slice %arg3[%dma_wait3A_216, %dma_wait3A_217] : memref<10240x64xf32, #tpu.memory_space<hbm>> -> memref<128x64xf32, #tpu.memory_space<hbm>>
      %dma_wait3A_219 = arith.constant 0 : i32
      %dma_wait3A_220 = arith.constant 0 : i32
      %dma_wait3A_221 = tpu.memref_slice %arg3[%dma_wait3A_219, %dma_wait3A_220] : memref<10240x64xf32, #tpu.memory_space<hbm>> -> memref<128x64xf32, #tpu.memory_space<hbm>>
      tpu.wait_dma2 semaphore(%arg17 : memref<!tpu.dma_semaphore, #tpu.memory_space<semaphore_mem>>) src(%dma_wait3A_221 : memref<128x64xf32, #tpu.memory_space<hbm>>) dst(%arg12 : memref<128x64xf32, #tpu.memory_space<vmem>>)
      %mul3A_222 = arith.constant 128 : i32
      %mul3A_223 = arith.muli %add3A_204, %mul3A_222 : i32
      %dma_start3A_224 = tpu.memref_slice %arg9[%mul3A_223] : memref<20480xi32, #tpu.memory_space<vmem>> -> memref<128xi32, #tpu.memory_space<vmem>>
      %dma_start3A_225 = arith.constant 0 : i32
      %dma_start3A_226 = arith.constant 0 : i32
      %dma_start3A_227 = tpu.memref_slice %arg14[%dma_start3A_225, %dma_start3A_226] : memref<10240x64xf32, #tpu.memory_space<vmem_shared>> -> memref<10240x64xf32, #tpu.memory_space<vmem_shared>>
      tpu.enqueue_indirect_dma source(%arg12 : memref<128x64xf32, #tpu.memory_space<vmem>>) target(%dma_start3A_227 : memref<10240x64xf32, #tpu.memory_space<vmem_shared>>) offsets(%dma_start3A_224 : memref<128xi32, #tpu.memory_space<vmem>>) semaphore(%arg21 : memref<!tpu.dma_semaphore, #tpu.memory_space<semaphore_mem>>) {add = true}
      %mul3A_228 = arith.constant 4 : i32
      %mul3A_229 = arith.muli %mul3A_228, %while3A_147 : i32
      %add3A_230 = arith.constant 3 : i32
      %add3A_231 = arith.addi %mul3A_229, %add3A_230 : i32
      %ge3A_232 = arith.constant 2 : i32
      %ge3A_233 = arith.cmpi sge, %add3A_231, %ge3A_232 : i32
      %convert_element_type3A_234 = arith.extui %ge3A_233 : i1 to i32
      %cond3A_235 = arith.constant 0 : i32
      %cond3A_236 = arith.cmpi ne, %convert_element_type3A_234, %cond3A_235 : i32
      scf.if %cond3A_236 {
        %dma_wait3A_256 = arith.constant 0 : i32
        %dma_wait3A_257 = arith.constant 0 : i32
        %dma_wait3A_258 = tpu.memref_slice %arg14[%dma_wait3A_256, %dma_wait3A_257] : memref<10240x64xf32, #tpu.memory_space<vmem_shared>> -> memref<128x64xf32, #tpu.memory_space<vmem_shared>>
        %dma_wait3A_259 = arith.constant 0 : i32
        %dma_wait3A_260 = arith.constant 0 : i32
        %dma_wait3A_261 = tpu.memref_slice %arg14[%dma_wait3A_259, %dma_wait3A_260] : memref<10240x64xf32, #tpu.memory_space<vmem_shared>> -> memref<128x64xf32, #tpu.memory_space<vmem_shared>>
        tpu.wait_dma2 semaphore(%arg20 : memref<!tpu.dma_semaphore, #tpu.memory_space<semaphore_mem>>) src(%arg11 : memref<128x64xf32, #tpu.memory_space<vmem>>) dst(%dma_wait3A_261 : memref<128x64xf32, #tpu.memory_space<vmem_shared>>)
      } else {
      }
      %add3A_237 = arith.constant 2 : i32
      %add3A_238 = arith.addi %add3A_231, %add3A_237 : i32
      %lt3A_239 = arith.cmpi slt, %add3A_238, %select_n3A : i32
      %convert_element_type3A_240 = arith.extui %lt3A_239 : i1 to i32
      %cond3A_241 = arith.constant 0 : i32
      %cond3A_242 = arith.cmpi ne, %convert_element_type3A_240, %cond3A_241 : i32
      scf.if %cond3A_242 {
        %add3A_256 = arith.constant 2 : i32
        %add3A_257 = arith.addi %add3A_231, %add3A_256 : i32
        %mul3A_258 = arith.constant 128 : i32
        %mul3A_259 = arith.muli %add3A_257, %mul3A_258 : i32
        %eq3A_260 = arith.constant 0 : i32
        %eq3A_261 = arith.cmpi eq, %arg0, %eq3A_260 : i32
        %convert_element_type3A_262 = arith.extui %eq3A_261 : i1 to i32
        %cond3A_263 = arith.constant 0 : i32
        %cond3A_264 = arith.cmpi ne, %convert_element_type3A_262, %cond3A_263 : i32
        scf.if %cond3A_264 {
          %dma_start3A_270 = tpu.memref_slice %arg8[%mul3A_259] : memref<20480xi32, #tpu.memory_space<vmem>> -> memref<128xi32, #tpu.memory_space<vmem>>
          %dma_start3A_271 = arith.constant 0 : i32
          %dma_start3A_272 = arith.constant 0 : i32
          %dma_start3A_273 = tpu.memref_slice %arg3[%dma_start3A_271, %dma_start3A_272] : memref<10240x64xf32, #tpu.memory_space<hbm>> -> memref<10240x64xf32, #tpu.memory_space<hbm>>
          tpu.enqueue_indirect_dma source(%dma_start3A_273 : memref<10240x64xf32, #tpu.memory_space<hbm>>) target(%arg11 : memref<128x64xf32, #tpu.memory_space<vmem>>) offsets(%dma_start3A_270 : memref<128xi32, #tpu.memory_space<vmem>>) semaphore(%arg16 : memref<!tpu.dma_semaphore, #tpu.memory_space<semaphore_mem>>)
        } else {
        }
        %eq3A_265 = arith.constant 1 : i32
        %eq3A_266 = arith.cmpi eq, %arg0, %eq3A_265 : i32
        %convert_element_type3A_267 = arith.extui %eq3A_266 : i1 to i32
        %cond3A_268 = arith.constant 0 : i32
        %cond3A_269 = arith.cmpi ne, %convert_element_type3A_267, %cond3A_268 : i32
        scf.if %cond3A_269 {
          %dma_start3A_270 = tpu.memref_slice %arg8[%mul3A_259] : memref<20480xi32, #tpu.memory_space<vmem>> -> memref<128xi32, #tpu.memory_space<vmem>>
          %dma_start3A_271 = arith.constant 0 : i32
          %dma_start3A_272 = arith.constant 0 : i32
          %dma_start3A_273 = tpu.memref_slice %arg4[%dma_start3A_271, %dma_start3A_272] : memref<10240x64xf32, #tpu.memory_space<hbm>> -> memref<10240x64xf32, #tpu.memory_space<hbm>>
          tpu.enqueue_indirect_dma source(%dma_start3A_273 : memref<10240x64xf32, #tpu.memory_space<hbm>>) target(%arg11 : memref<128x64xf32, #tpu.memory_space<vmem>>) offsets(%dma_start3A_270 : memref<128xi32, #tpu.memory_space<vmem>>) semaphore(%arg16 : memref<!tpu.dma_semaphore, #tpu.memory_space<semaphore_mem>>)
        } else {
        }
      } else {
      }
      %dma_wait3A_243 = arith.constant 0 : i32
      %dma_wait3A_244 = arith.constant 0 : i32
      %dma_wait3A_245 = tpu.memref_slice %arg3[%dma_wait3A_243, %dma_wait3A_244] : memref<10240x64xf32, #tpu.memory_space<hbm>> -> memref<128x64xf32, #tpu.memory_space<hbm>>
      %dma_wait3A_246 = arith.constant 0 : i32
      %dma_wait3A_247 = arith.constant 0 : i32
      %dma_wait3A_248 = tpu.memref_slice %arg3[%dma_wait3A_246, %dma_wait3A_247] : memref<10240x64xf32, #tpu.memory_space<hbm>> -> memref<128x64xf32, #tpu.memory_space<hbm>>
      tpu.wait_dma2 semaphore(%arg18 : memref<!tpu.dma_semaphore, #tpu.memory_space<semaphore_mem>>) src(%dma_wait3A_248 : memref<128x64xf32, #tpu.memory_space<hbm>>) dst(%arg13 : memref<128x64xf32, #tpu.memory_space<vmem>>)
      %mul3A_249 = arith.constant 128 : i32
      %mul3A_250 = arith.muli %add3A_231, %mul3A_249 : i32
      %dma_start3A_251 = tpu.memref_slice %arg9[%mul3A_250] : memref<20480xi32, #tpu.memory_space<vmem>> -> memref<128xi32, #tpu.memory_space<vmem>>
      %dma_start3A_252 = arith.constant 0 : i32
      %dma_start3A_253 = arith.constant 0 : i32
      %dma_start3A_254 = tpu.memref_slice %arg14[%dma_start3A_252, %dma_start3A_253] : memref<10240x64xf32, #tpu.memory_space<vmem_shared>> -> memref<10240x64xf32, #tpu.memory_space<vmem_shared>>
      tpu.enqueue_indirect_dma source(%arg13 : memref<128x64xf32, #tpu.memory_space<vmem>>) target(%dma_start3A_254 : memref<10240x64xf32, #tpu.memory_space<vmem_shared>>) offsets(%dma_start3A_251 : memref<128xi32, #tpu.memory_space<vmem>>) semaphore(%arg22 : memref<!tpu.dma_semaphore, #tpu.memory_space<semaphore_mem>>) {add = true}
      %while3A_255 = arith.constant 0 : i32
      scf.yield %while3A_255 : i32
    }
    %while3A_122 = arith.constant 1 : i32
    %while3A_123 = scf.for %while3A_147 = %while3A_119 to %while3A_115 step %while3A_122 iter_args(%while3A_148 = %while3A_121) -> (i32)  : i32 {
      %mul3A_149 = arith.constant 4 : i32
      %mul3A_150 = arith.muli %mul3A_149, %while3A_147 : i32
      %add3A_151 = arith.constant 0 : i32
      %add3A_152 = arith.addi %mul3A_150, %add3A_151 : i32
      %ge3A = arith.constant 2 : i32
      %ge3A_153 = arith.cmpi sge, %add3A_152, %ge3A : i32
      %convert_element_type3A_154 = arith.extui %ge3A_153 : i1 to i32
      %cond3A_155 = arith.constant 0 : i32
      %cond3A_156 = arith.cmpi ne, %convert_element_type3A_154, %cond3A_155 : i32
      scf.if %cond3A_156 {
        %dma_wait3A_256 = arith.constant 0 : i32
        %dma_wait3A_257 = arith.constant 0 : i32
        %dma_wait3A_258 = tpu.memref_slice %arg14[%dma_wait3A_256, %dma_wait3A_257] : memref<10240x64xf32, #tpu.memory_space<vmem_shared>> -> memref<128x64xf32, #tpu.memory_space<vmem_shared>>
        %dma_wait3A_259 = arith.constant 0 : i32
        %dma_wait3A_260 = arith.constant 0 : i32
        %dma_wait3A_261 = tpu.memref_slice %arg14[%dma_wait3A_259, %dma_wait3A_260] : memref<10240x64xf32, #tpu.memory_space<vmem_shared>> -> memref<128x64xf32, #tpu.memory_space<vmem_shared>>
        tpu.wait_dma2 semaphore(%arg21 : memref<!tpu.dma_semaphore, #tpu.memory_space<semaphore_mem>>) src(%arg12 : memref<128x64xf32, #tpu.memory_space<vmem>>) dst(%dma_wait3A_261 : memref<128x64xf32, #tpu.memory_space<vmem_shared>>)
      } else {
      }
      %add3A_157 = arith.constant 2 : i32
      %add3A_158 = arith.addi %add3A_152, %add3A_157 : i32
      %lt3A = arith.cmpi slt, %add3A_158, %select_n3A : i32
      %convert_element_type3A_159 = arith.extui %lt3A : i1 to i32
      %cond3A_160 = arith.constant 0 : i32
      %cond3A_161 = arith.cmpi ne, %convert_element_type3A_159, %cond3A_160 : i32
      scf.if %cond3A_161 {
        %add3A_256 = arith.constant 2 : i32
        %add3A_257 = arith.addi %add3A_152, %add3A_256 : i32
        %mul3A_258 = arith.constant 128 : i32
        %mul3A_259 = arith.muli %add3A_257, %mul3A_258 : i32
        %eq3A_260 = arith.constant 0 : i32
        %eq3A_261 = arith.cmpi eq, %arg0, %eq3A_260 : i32
        %convert_element_type3A_262 = arith.extui %eq3A_261 : i1 to i32
        %cond3A_263 = arith.constant 0 : i32
        %cond3A_264 = arith.cmpi ne, %convert_element_type3A_262, %cond3A_263 : i32
        scf.if %cond3A_264 {
          %dma_start3A_270 = tpu.memref_slice %arg8[%mul3A_259] : memref<20480xi32, #tpu.memory_space<vmem>> -> memref<128xi32, #tpu.memory_space<vmem>>
          %dma_start3A_271 = arith.constant 0 : i32
          %dma_start3A_272 = arith.constant 0 : i32
          %dma_start3A_273 = tpu.memref_slice %arg3[%dma_start3A_271, %dma_start3A_272] : memref<10240x64xf32, #tpu.memory_space<hbm>> -> memref<10240x64xf32, #tpu.memory_space<hbm>>
          tpu.enqueue_indirect_dma source(%dma_start3A_273 : memref<10240x64xf32, #tpu.memory_space<hbm>>) target(%arg12 : memref<128x64xf32, #tpu.memory_space<vmem>>) offsets(%dma_start3A_270 : memref<128xi32, #tpu.memory_space<vmem>>) semaphore(%arg17 : memref<!tpu.dma_semaphore, #tpu.memory_space<semaphore_mem>>)
        } else {
        }
        %eq3A_265 = arith.constant 1 : i32
        %eq3A_266 = arith.cmpi eq, %arg0, %eq3A_265 : i32
        %convert_element_type3A_267 = arith.extui %eq3A_266 : i1 to i32
        %cond3A_268 = arith.constant 0 : i32
        %cond3A_269 = arith.cmpi ne, %convert_element_type3A_267, %cond3A_268 : i32
        scf.if %cond3A_269 {
          %dma_start3A_270 = tpu.memref_slice %arg8[%mul3A_259] : memref<20480xi32, #tpu.memory_space<vmem>> -> memref<128xi32, #tpu.memory_space<vmem>>
          %dma_start3A_271 = arith.constant 0 : i32
          %dma_start3A_272 = arith.constant 0 : i32
          %dma_start3A_273 = tpu.memref_slice %arg4[%dma_start3A_271, %dma_start3A_272] : memref<10240x64xf32, #tpu.memory_space<hbm>> -> memref<10240x64xf32, #tpu.memory_space<hbm>>
          tpu.enqueue_indirect_dma source(%dma_start3A_273 : memref<10240x64xf32, #tpu.memory_space<hbm>>) target(%arg12 : memref<128x64xf32, #tpu.memory_space<vmem>>) offsets(%dma_start3A_270 : memref<128xi32, #tpu.memory_space<vmem>>) semaphore(%arg17 : memref<!tpu.dma_semaphore, #tpu.memory_space<semaphore_mem>>)
        } else {
        }
      } else {
      }
      %dma_wait3A_162 = arith.constant 0 : i32
      %dma_wait3A_163 = arith.constant 0 : i32
      %dma_wait3A_164 = tpu.memref_slice %arg3[%dma_wait3A_162, %dma_wait3A_163] : memref<10240x64xf32, #tpu.memory_space<hbm>> -> memref<128x64xf32, #tpu.memory_space<hbm>>
      %dma_wait3A_165 = arith.constant 0 : i32
      %dma_wait3A_166 = arith.constant 0 : i32
      %dma_wait3A_167 = tpu.memref_slice %arg3[%dma_wait3A_165, %dma_wait3A_166] : memref<10240x64xf32, #tpu.memory_space<hbm>> -> memref<128x64xf32, #tpu.memory_space<hbm>>
      tpu.wait_dma2 semaphore(%arg15 : memref<!tpu.dma_semaphore, #tpu.memory_space<semaphore_mem>>) src(%dma_wait3A_167 : memref<128x64xf32, #tpu.memory_space<hbm>>) dst(%arg10 : memref<128x64xf32, #tpu.memory_space<vmem>>)
      %mul3A_168 = arith.constant 128 : i32
      %mul3A_169 = arith.muli %add3A_152, %mul3A_168 : i32
      %dma_start3A_170 = tpu.memref_slice %arg9[%mul3A_169] : memref<20480xi32, #tpu.memory_space<vmem>> -> memref<128xi32, #tpu.memory_space<vmem>>
      %dma_start3A_171 = arith.constant 0 : i32
      %dma_start3A_172 = arith.constant 0 : i32
      %dma_start3A_173 = tpu.memref_slice %arg14[%dma_start3A_171, %dma_start3A_172] : memref<10240x64xf32, #tpu.memory_space<vmem_shared>> -> memref<10240x64xf32, #tpu.memory_space<vmem_shared>>
      tpu.enqueue_indirect_dma source(%arg10 : memref<128x64xf32, #tpu.memory_space<vmem>>) target(%dma_start3A_173 : memref<10240x64xf32, #tpu.memory_space<vmem_shared>>) offsets(%dma_start3A_170 : memref<128xi32, #tpu.memory_space<vmem>>) semaphore(%arg19 : memref<!tpu.dma_semaphore, #tpu.memory_space<semaphore_mem>>) {add = true}
      %mul3A_174 = arith.constant 4 : i32
      %mul3A_175 = arith.muli %mul3A_174, %while3A_147 : i32
      %add3A_176 = arith.constant 1 : i32
      %add3A_177 = arith.addi %mul3A_175, %add3A_176 : i32
      %ge3A_178 = arith.constant 2 : i32
      %ge3A_179 = arith.cmpi sge, %add3A_177, %ge3A_178 : i32
      %convert_element_type3A_180 = arith.extui %ge3A_179 : i1 to i32
      %cond3A_181 = arith.constant 0 : i32
      %cond3A_182 = arith.cmpi ne, %convert_element_type3A_180, %cond3A_181 : i32
      scf.if %cond3A_182 {
        %dma_wait3A_256 = arith.constant 0 : i32
        %dma_wait3A_257 = arith.constant 0 : i32
        %dma_wait3A_258 = tpu.memref_slice %arg14[%dma_wait3A_256, %dma_wait3A_257] : memref<10240x64xf32, #tpu.memory_space<vmem_shared>> -> memref<128x64xf32, #tpu.memory_space<vmem_shared>>
        %dma_wait3A_259 = arith.constant 0 : i32
        %dma_wait3A_260 = arith.constant 0 : i32
        %dma_wait3A_261 = tpu.memref_slice %arg14[%dma_wait3A_259, %dma_wait3A_260] : memref<10240x64xf32, #tpu.memory_space<vmem_shared>> -> memref<128x64xf32, #tpu.memory_space<vmem_shared>>
        tpu.wait_dma2 semaphore(%arg22 : memref<!tpu.dma_semaphore, #tpu.memory_space<semaphore_mem>>) src(%arg13 : memref<128x64xf32, #tpu.memory_space<vmem>>) dst(%dma_wait3A_261 : memref<128x64xf32, #tpu.memory_space<vmem_shared>>)
      } else {
      }
      %add3A_183 = arith.constant 2 : i32
      %add3A_184 = arith.addi %add3A_177, %add3A_183 : i32
      %lt3A_185 = arith.cmpi slt, %add3A_184, %select_n3A : i32
      %convert_element_type3A_186 = arith.extui %lt3A_185 : i1 to i32
      %cond3A_187 = arith.constant 0 : i32
      %cond3A_188 = arith.cmpi ne, %convert_element_type3A_186, %cond3A_187 : i32
      scf.if %cond3A_188 {
        %add3A_256 = arith.constant 2 : i32
        %add3A_257 = arith.addi %add3A_177, %add3A_256 : i32
        %mul3A_258 = arith.constant 128 : i32
        %mul3A_259 = arith.muli %add3A_257, %mul3A_258 : i32
        %eq3A_260 = arith.constant 0 : i32
        %eq3A_261 = arith.cmpi eq, %arg0, %eq3A_260 : i32
        %convert_element_type3A_262 = arith.extui %eq3A_261 : i1 to i32
        %cond3A_263 = arith.constant 0 : i32
        %cond3A_264 = arith.cmpi ne, %convert_element_type3A_262, %cond3A_263 : i32
        scf.if %cond3A_264 {
          %dma_start3A_270 = tpu.memref_slice %arg8[%mul3A_259] : memref<20480xi32, #tpu.memory_space<vmem>> -> memref<128xi32, #tpu.memory_space<vmem>>
          %dma_start3A_271 = arith.constant 0 : i32
          %dma_start3A_272 = arith.constant 0 : i32
          %dma_start3A_273 = tpu.memref_slice %arg3[%dma_start3A_271, %dma_start3A_272] : memref<10240x64xf32, #tpu.memory_space<hbm>> -> memref<10240x64xf32, #tpu.memory_space<hbm>>
          tpu.enqueue_indirect_dma source(%dma_start3A_273 : memref<10240x64xf32, #tpu.memory_space<hbm>>) target(%arg13 : memref<128x64xf32, #tpu.memory_space<vmem>>) offsets(%dma_start3A_270 : memref<128xi32, #tpu.memory_space<vmem>>) semaphore(%arg18 : memref<!tpu.dma_semaphore, #tpu.memory_space<semaphore_mem>>)
        } else {
        }
        %eq3A_265 = arith.constant 1 : i32
        %eq3A_266 = arith.cmpi eq, %arg0, %eq3A_265 : i32
        %convert_element_type3A_267 = arith.extui %eq3A_266 : i1 to i32
        %cond3A_268 = arith.constant 0 : i32
        %cond3A_269 = arith.cmpi ne, %convert_element_type3A_267, %cond3A_268 : i32
        scf.if %cond3A_269 {
          %dma_start3A_270 = tpu.memref_slice %arg8[%mul3A_259] : memref<20480xi32, #tpu.memory_space<vmem>> -> memref<128xi32, #tpu.memory_space<vmem>>
          %dma_start3A_271 = arith.constant 0 : i32
          %dma_start3A_272 = arith.constant 0 : i32
          %dma_start3A_273 = tpu.memref_slice %arg4[%dma_start3A_271, %dma_start3A_272] : memref<10240x64xf32, #tpu.memory_space<hbm>> -> memref<10240x64xf32, #tpu.memory_space<hbm>>
          tpu.enqueue_indirect_dma source(%dma_start3A_273 : memref<10240x64xf32, #tpu.memory_space<hbm>>) target(%arg13 : memref<128x64xf32, #tpu.memory_space<vmem>>) offsets(%dma_start3A_270 : memref<128xi32, #tpu.memory_space<vmem>>) semaphore(%arg18 : memref<!tpu.dma_semaphore, #tpu.memory_space<semaphore_mem>>)
        } else {
        }
      } else {
      }
      %dma_wait3A_189 = arith.constant 0 : i32
      %dma_wait3A_190 = arith.constant 0 : i32
      %dma_wait3A_191 = tpu.memref_slice %arg3[%dma_wait3A_189, %dma_wait3A_190] : memref<10240x64xf32, #tpu.memory_space<hbm>> -> memref<128x64xf32, #tpu.memory_space<hbm>>
      %dma_wait3A_192 = arith.constant 0 : i32
      %dma_wait3A_193 = arith.constant 0 : i32
      %dma_wait3A_194 = tpu.memref_slice %arg3[%dma_wait3A_192, %dma_wait3A_193] : memref<10240x64xf32, #tpu.memory_space<hbm>> -> memref<128x64xf32, #tpu.memory_space<hbm>>
      tpu.wait_dma2 semaphore(%arg16 : memref<!tpu.dma_semaphore, #tpu.memory_space<semaphore_mem>>) src(%dma_wait3A_194 : memref<128x64xf32, #tpu.memory_space<hbm>>) dst(%arg11 : memref<128x64xf32, #tpu.memory_space<vmem>>)
      %mul3A_195 = arith.constant 128 : i32
      %mul3A_196 = arith.muli %add3A_177, %mul3A_195 : i32
      %dma_start3A_197 = tpu.memref_slice %arg9[%mul3A_196] : memref<20480xi32, #tpu.memory_space<vmem>> -> memref<128xi32, #tpu.memory_space<vmem>>
      %dma_start3A_198 = arith.constant 0 : i32
      %dma_start3A_199 = arith.constant 0 : i32
      %dma_start3A_200 = tpu.memref_slice %arg14[%dma_start3A_198, %dma_start3A_199] : memref<10240x64xf32, #tpu.memory_space<vmem_shared>> -> memref<10240x64xf32, #tpu.memory_space<vmem_shared>>
      tpu.enqueue_indirect_dma source(%arg11 : memref<128x64xf32, #tpu.memory_space<vmem>>) target(%dma_start3A_200 : memref<10240x64xf32, #tpu.memory_space<vmem_shared>>) offsets(%dma_start3A_197 : memref<128xi32, #tpu.memory_space<vmem>>) semaphore(%arg20 : memref<!tpu.dma_semaphore, #tpu.memory_space<semaphore_mem>>) {add = true}
      %mul3A_201 = arith.constant 4 : i32
      %mul3A_202 = arith.muli %mul3A_201, %while3A_147 : i32
      %add3A_203 = arith.constant 2 : i32
      %add3A_204 = arith.addi %mul3A_202, %add3A_203 : i32
      %ge3A_205 = arith.constant 2 : i32
      %ge3A_206 = arith.cmpi sge, %add3A_204, %ge3A_205 : i32
      %convert_element_type3A_207 = arith.extui %ge3A_206 : i1 to i32
      %cond3A_208 = arith.constant 0 : i32
      %cond3A_209 = arith.cmpi ne, %convert_element_type3A_207, %cond3A_208 : i32
      scf.if %cond3A_209 {
        %dma_wait3A_256 = arith.constant 0 : i32
        %dma_wait3A_257 = arith.constant 0 : i32
        %dma_wait3A_258 = tpu.memref_slice %arg14[%dma_wait3A_256, %dma_wait3A_257] : memref<10240x64xf32, #tpu.memory_space<vmem_shared>> -> memref<128x64xf32, #tpu.memory_space<vmem_shared>>
        %dma_wait3A_259 = arith.constant 0 : i32
        %dma_wait3A_260 = arith.constant 0 : i32
        %dma_wait3A_261 = tpu.memref_slice %arg14[%dma_wait3A_259, %dma_wait3A_260] : memref<10240x64xf32, #tpu.memory_space<vmem_shared>> -> memref<128x64xf32, #tpu.memory_space<vmem_shared>>
        tpu.wait_dma2 semaphore(%arg19 : memref<!tpu.dma_semaphore, #tpu.memory_space<semaphore_mem>>) src(%arg10 : memref<128x64xf32, #tpu.memory_space<vmem>>) dst(%dma_wait3A_261 : memref<128x64xf32, #tpu.memory_space<vmem_shared>>)
      } else {
      }
      %add3A_210 = arith.constant 2 : i32
      %add3A_211 = arith.addi %add3A_204, %add3A_210 : i32
      %lt3A_212 = arith.cmpi slt, %add3A_211, %select_n3A : i32
      %convert_element_type3A_213 = arith.extui %lt3A_212 : i1 to i32
      %cond3A_214 = arith.constant 0 : i32
      %cond3A_215 = arith.cmpi ne, %convert_element_type3A_213, %cond3A_214 : i32
      scf.if %cond3A_215 {
        %add3A_256 = arith.constant 2 : i32
        %add3A_257 = arith.addi %add3A_204, %add3A_256 : i32
        %mul3A_258 = arith.constant 128 : i32
        %mul3A_259 = arith.muli %add3A_257, %mul3A_258 : i32
        %eq3A_260 = arith.constant 0 : i32
        %eq3A_261 = arith.cmpi eq, %arg0, %eq3A_260 : i32
        %convert_element_type3A_262 = arith.extui %eq3A_261 : i1 to i32
        %cond3A_263 = arith.constant 0 : i32
        %cond3A_264 = arith.cmpi ne, %convert_element_type3A_262, %cond3A_263 : i32
        scf.if %cond3A_264 {
          %dma_start3A_270 = tpu.memref_slice %arg8[%mul3A_259] : memref<20480xi32, #tpu.memory_space<vmem>> -> memref<128xi32, #tpu.memory_space<vmem>>
          %dma_start3A_271 = arith.constant 0 : i32
          %dma_start3A_272 = arith.constant 0 : i32
          %dma_start3A_273 = tpu.memref_slice %arg3[%dma_start3A_271, %dma_start3A_272] : memref<10240x64xf32, #tpu.memory_space<hbm>> -> memref<10240x64xf32, #tpu.memory_space<hbm>>
          tpu.enqueue_indirect_dma source(%dma_start3A_273 : memref<10240x64xf32, #tpu.memory_space<hbm>>) target(%arg10 : memref<128x64xf32, #tpu.memory_space<vmem>>) offsets(%dma_start3A_270 : memref<128xi32, #tpu.memory_space<vmem>>) semaphore(%arg15 : memref<!tpu.dma_semaphore, #tpu.memory_space<semaphore_mem>>)
        } else {
        }
        %eq3A_265 = arith.constant 1 : i32
        %eq3A_266 = arith.cmpi eq, %arg0, %eq3A_265 : i32
        %convert_element_type3A_267 = arith.extui %eq3A_266 : i1 to i32
        %cond3A_268 = arith.constant 0 : i32
        %cond3A_269 = arith.cmpi ne, %convert_element_type3A_267, %cond3A_268 : i32
        scf.if %cond3A_269 {
          %dma_start3A_270 = tpu.memref_slice %arg8[%mul3A_259] : memref<20480xi32, #tpu.memory_space<vmem>> -> memref<128xi32, #tpu.memory_space<vmem>>
          %dma_start3A_271 = arith.constant 0 : i32
          %dma_start3A_272 = arith.constant 0 : i32
          %dma_start3A_273 = tpu.memref_slice %arg4[%dma_start3A_271, %dma_start3A_272] : memref<10240x64xf32, #tpu.memory_space<hbm>> -> memref<10240x64xf32, #tpu.memory_space<hbm>>
          tpu.enqueue_indirect_dma source(%dma_start3A_273 : memref<10240x64xf32, #tpu.memory_space<hbm>>) target(%arg10 : memref<128x64xf32, #tpu.memory_space<vmem>>) offsets(%dma_start3A_270 : memref<128xi32, #tpu.memory_space<vmem>>) semaphore(%arg15 : memref<!tpu.dma_semaphore, #tpu.memory_space<semaphore_mem>>)
        } else {
        }
      } else {
      }
      %dma_wait3A_216 = arith.constant 0 : i32
      %dma_wait3A_217 = arith.constant 0 : i32
      %dma_wait3A_218 = tpu.memref_slice %arg3[%dma_wait3A_216, %dma_wait3A_217] : memref<10240x64xf32, #tpu.memory_space<hbm>> -> memref<128x64xf32, #tpu.memory_space<hbm>>
      %dma_wait3A_219 = arith.constant 0 : i32
      %dma_wait3A_220 = arith.constant 0 : i32
      %dma_wait3A_221 = tpu.memref_slice %arg3[%dma_wait3A_219, %dma_wait3A_220] : memref<10240x64xf32, #tpu.memory_space<hbm>> -> memref<128x64xf32, #tpu.memory_space<hbm>>
      tpu.wait_dma2 semaphore(%arg17 : memref<!tpu.dma_semaphore, #tpu.memory_space<semaphore_mem>>) src(%dma_wait3A_221 : memref<128x64xf32, #tpu.memory_space<hbm>>) dst(%arg12 : memref<128x64xf32, #tpu.memory_space<vmem>>)
      %mul3A_222 = arith.constant 128 : i32
      %mul3A_223 = arith.muli %add3A_204, %mul3A_222 : i32
      %dma_start3A_224 = tpu.memref_slice %arg9[%mul3A_223] : memref<20480xi32, #tpu.memory_space<vmem>> -> memref<128xi32, #tpu.memory_space<vmem>>
      %dma_start3A_225 = arith.constant 0 : i32
      %dma_start3A_226 = arith.constant 0 : i32
      %dma_start3A_227 = tpu.memref_slice %arg14[%dma_start3A_225, %dma_start3A_226] : memref<10240x64xf32, #tpu.memory_space<vmem_shared>> -> memref<10240x64xf32, #tpu.memory_space<vmem_shared>>
      tpu.enqueue_indirect_dma source(%arg12 : memref<128x64xf32, #tpu.memory_space<vmem>>) target(%dma_start3A_227 : memref<10240x64xf32, #tpu.memory_space<vmem_shared>>) offsets(%dma_start3A_224 : memref<128xi32, #tpu.memory_space<vmem>>) semaphore(%arg21 : memref<!tpu.dma_semaphore, #tpu.memory_space<semaphore_mem>>) {add = true}
      %mul3A_228 = arith.constant 4 : i32
      %mul3A_229 = arith.muli %mul3A_228, %while3A_147 : i32
      %add3A_230 = arith.constant 3 : i32
      %add3A_231 = arith.addi %mul3A_229, %add3A_230 : i32
      %ge3A_232 = arith.constant 2 : i32
      %ge3A_233 = arith.cmpi sge, %add3A_231, %ge3A_232 : i32
      %convert_element_type3A_234 = arith.extui %ge3A_233 : i1 to i32
      %cond3A_235 = arith.constant 0 : i32
      %cond3A_236 = arith.cmpi ne, %convert_element_type3A_234, %cond3A_235 : i32
      scf.if %cond3A_236 {
        %dma_wait3A_256 = arith.constant 0 : i32
        %dma_wait3A_257 = arith.constant 0 : i32
        %dma_wait3A_258 = tpu.memref_slice %arg14[%dma_wait3A_256, %dma_wait3A_257] : memref<10240x64xf32, #tpu.memory_space<vmem_shared>> -> memref<128x64xf32, #tpu.memory_space<vmem_shared>>
        %dma_wait3A_259 = arith.constant 0 : i32
        %dma_wait3A_260 = arith.constant 0 : i32
        %dma_wait3A_261 = tpu.memref_slice %arg14[%dma_wait3A_259, %dma_wait3A_260] : memref<10240x64xf32, #tpu.memory_space<vmem_shared>> -> memref<128x64xf32, #tpu.memory_space<vmem_shared>>
        tpu.wait_dma2 semaphore(%arg20 : memref<!tpu.dma_semaphore, #tpu.memory_space<semaphore_mem>>) src(%arg11 : memref<128x64xf32, #tpu.memory_space<vmem>>) dst(%dma_wait3A_261 : memref<128x64xf32, #tpu.memory_space<vmem_shared>>)
      } else {
      }
      %add3A_237 = arith.constant 2 : i32
      %add3A_238 = arith.addi %add3A_231, %add3A_237 : i32
      %lt3A_239 = arith.cmpi slt, %add3A_238, %select_n3A : i32
      %convert_element_type3A_240 = arith.extui %lt3A_239 : i1 to i32
      %cond3A_241 = arith.constant 0 : i32
      %cond3A_242 = arith.cmpi ne, %convert_element_type3A_240, %cond3A_241 : i32
      scf.if %cond3A_242 {
        %add3A_256 = arith.constant 2 : i32
        %add3A_257 = arith.addi %add3A_231, %add3A_256 : i32
        %mul3A_258 = arith.constant 128 : i32
        %mul3A_259 = arith.muli %add3A_257, %mul3A_258 : i32
        %eq3A_260 = arith.constant 0 : i32
        %eq3A_261 = arith.cmpi eq, %arg0, %eq3A_260 : i32
        %convert_element_type3A_262 = arith.extui %eq3A_261 : i1 to i32
        %cond3A_263 = arith.constant 0 : i32
        %cond3A_264 = arith.cmpi ne, %convert_element_type3A_262, %cond3A_263 : i32
        scf.if %cond3A_264 {
          %dma_start3A_270 = tpu.memref_slice %arg8[%mul3A_259] : memref<20480xi32, #tpu.memory_space<vmem>> -> memref<128xi32, #tpu.memory_space<vmem>>
          %dma_start3A_271 = arith.constant 0 : i32
          %dma_start3A_272 = arith.constant 0 : i32
          %dma_start3A_273 = tpu.memref_slice %arg3[%dma_start3A_271, %dma_start3A_272] : memref<10240x64xf32, #tpu.memory_space<hbm>> -> memref<10240x64xf32, #tpu.memory_space<hbm>>
          tpu.enqueue_indirect_dma source(%dma_start3A_273 : memref<10240x64xf32, #tpu.memory_space<hbm>>) target(%arg11 : memref<128x64xf32, #tpu.memory_space<vmem>>) offsets(%dma_start3A_270 : memref<128xi32, #tpu.memory_space<vmem>>) semaphore(%arg16 : memref<!tpu.dma_semaphore, #tpu.memory_space<semaphore_mem>>)
        } else {
        }
        %eq3A_265 = arith.constant 1 : i32
        %eq3A_266 = arith.cmpi eq, %arg0, %eq3A_265 : i32
        %convert_element_type3A_267 = arith.extui %eq3A_266 : i1 to i32
        %cond3A_268 = arith.constant 0 : i32
        %cond3A_269 = arith.cmpi ne, %convert_element_type3A_267, %cond3A_268 : i32
        scf.if %cond3A_269 {
          %dma_start3A_270 = tpu.memref_slice %arg8[%mul3A_259] : memref<20480xi32, #tpu.memory_space<vmem>> -> memref<128xi32, #tpu.memory_space<vmem>>
          %dma_start3A_271 = arith.constant 0 : i32
          %dma_start3A_272 = arith.constant 0 : i32
          %dma_start3A_273 = tpu.memref_slice %arg4[%dma_start3A_271, %dma_start3A_272] : memref<10240x64xf32, #tpu.memory_space<hbm>> -> memref<10240x64xf32, #tpu.memory_space<hbm>>
          tpu.enqueue_indirect_dma source(%dma_start3A_273 : memref<10240x64xf32, #tpu.memory_space<hbm>>) target(%arg11 : memref<128x64xf32, #tpu.memory_space<vmem>>) offsets(%dma_start3A_270 : memref<128xi32, #tpu.memory_space<vmem>>) semaphore(%arg16 : memref<!tpu.dma_semaphore, #tpu.memory_space<semaphore_mem>>)
        } else {
        }
      } else {
      }
      %dma_wait3A_243 = arith.constant 0 : i32
      %dma_wait3A_244 = arith.constant 0 : i32
      %dma_wait3A_245 = tpu.memref_slice %arg3[%dma_wait3A_243, %dma_wait3A_244] : memref<10240x64xf32, #tpu.memory_space<hbm>> -> memref<128x64xf32, #tpu.memory_space<hbm>>
      %dma_wait3A_246 = arith.constant 0 : i32
      %dma_wait3A_247 = arith.constant 0 : i32
      %dma_wait3A_248 = tpu.memref_slice %arg3[%dma_wait3A_246, %dma_wait3A_247] : memref<10240x64xf32, #tpu.memory_space<hbm>> -> memref<128x64xf32, #tpu.memory_space<hbm>>
      tpu.wait_dma2 semaphore(%arg18 : memref<!tpu.dma_semaphore, #tpu.memory_space<semaphore_mem>>) src(%dma_wait3A_248 : memref<128x64xf32, #tpu.memory_space<hbm>>) dst(%arg13 : memref<128x64xf32, #tpu.memory_space<vmem>>)
      %mul3A_249 = arith.constant 128 : i32
      %mul3A_250 = arith.muli %add3A_231, %mul3A_249 : i32
      %dma_start3A_251 = tpu.memref_slice %arg9[%mul3A_250] : memref<20480xi32, #tpu.memory_space<vmem>> -> memref<128xi32, #tpu.memory_space<vmem>>
      %dma_start3A_252 = arith.constant 0 : i32
      %dma_start3A_253 = arith.constant 0 : i32
      %dma_start3A_254 = tpu.memref_slice %arg14[%dma_start3A_252, %dma_start3A_253] : memref<10240x64xf32, #tpu.memory_space<vmem_shared>> -> memref<10240x64xf32, #tpu.memory_space<vmem_shared>>
      tpu.enqueue_indirect_dma source(%arg13 : memref<128x64xf32, #tpu.memory_space<vmem>>) target(%dma_start3A_254 : memref<10240x64xf32, #tpu.memory_space<vmem_shared>>) offsets(%dma_start3A_251 : memref<128xi32, #tpu.memory_space<vmem>>) semaphore(%arg22 : memref<!tpu.dma_semaphore, #tpu.memory_space<semaphore_mem>>) {add = true}
      %while3A_255 = arith.constant 0 : i32
      scf.yield %while3A_255 : i32
    }
    %dma_wait3A_124 = arith.constant 0 : i32
    %dma_wait3A_125 = arith.constant 0 : i32
    %dma_wait3A_126 = tpu.memref_slice %arg14[%dma_wait3A_124, %dma_wait3A_125] : memref<10240x64xf32, #tpu.memory_space<vmem_shared>> -> memref<128x64xf32, #tpu.memory_space<vmem_shared>>
    %dma_wait3A_127 = arith.constant 0 : i32
    %dma_wait3A_128 = arith.constant 0 : i32
    %dma_wait3A_129 = tpu.memref_slice %arg14[%dma_wait3A_127, %dma_wait3A_128] : memref<10240x64xf32, #tpu.memory_space<vmem_shared>> -> memref<128x64xf32, #tpu.memory_space<vmem_shared>>
    tpu.wait_dma2 semaphore(%arg21 : memref<!tpu.dma_semaphore, #tpu.memory_space<semaphore_mem>>) src(%arg12 : memref<128x64xf32, #tpu.memory_space<vmem>>) dst(%dma_wait3A_129 : memref<128x64xf32, #tpu.memory_space<vmem_shared>>)
    %dma_wait3A_130 = arith.constant 0 : i32
    %dma_wait3A_131 = arith.constant 0 : i32
    %dma_wait3A_132 = tpu.memref_slice %arg14[%dma_wait3A_130, %dma_wait3A_131] : memref<10240x64xf32, #tpu.memory_space<vmem_shared>> -> memref<128x64xf32, #tpu.memory_space<vmem_shared>>
    %dma_wait3A_133 = arith.constant 0 : i32
    %dma_wait3A_134 = arith.constant 0 : i32
    %dma_wait3A_135 = tpu.memref_slice %arg14[%dma_wait3A_133, %dma_wait3A_134] : memref<10240x64xf32, #tpu.memory_space<vmem_shared>> -> memref<128x64xf32, #tpu.memory_space<vmem_shared>>
    tpu.wait_dma2 semaphore(%arg22 : memref<!tpu.dma_semaphore, #tpu.memory_space<semaphore_mem>>) src(%arg13 : memref<128x64xf32, #tpu.memory_space<vmem>>) dst(%dma_wait3A_135 : memref<128x64xf32, #tpu.memory_space<vmem_shared>>)
    %barrier3A_136 = arith.constant 0 : index
    tpu.barrier barrier_id(%barrier3A_136)
    %eq3A_137 = arith.constant 0 : i32
    %eq3A_138 = arith.cmpi eq, %arg0, %eq3A_137 : i32
    %convert_element_type3A_139 = arith.extui %eq3A_138 : i1 to i32
    %cond3A_140 = arith.constant 0 : i32
    %cond3A_141 = arith.cmpi ne, %convert_element_type3A_139, %cond3A_140 : i32
    scf.if %cond3A_141 {
      "tpu.region"() ({
        %run_scoped3A = tpu.sem_alloc : memref<!tpu.dma_semaphore, #tpu.memory_space<semaphore_mem>>
        %dma_start3A_147 = arith.constant 0 : i32
        %dma_start3A_148 = tpu.memref_slice %arg5[%mul3A_0, %dma_start3A_147] : memref<10240x64xf32, #tpu.memory_space<hbm>> -> memref<640x64xf32, #tpu.memory_space<hbm>>
        %dma_start3A_149 = arith.constant 0 : i32
        %dma_start3A_150 = tpu.memref_slice %arg14[%mul3A_0, %dma_start3A_149] : memref<10240x64xf32, #tpu.memory_space<vmem_shared>> -> memref<640x64xf32, #tpu.memory_space<vmem_shared>>
        tpu.enqueue_dma source(%dma_start3A_150 : memref<640x64xf32, #tpu.memory_space<vmem_shared>>) target(%dma_start3A_148 : memref<640x64xf32, #tpu.memory_space<hbm>>) target_semaphore(%run_scoped3A : memref<!tpu.dma_semaphore, #tpu.memory_space<semaphore_mem>>)
        %dma_wait3A_151 = arith.constant 0 : i32
        %dma_wait3A_152 = tpu.memref_slice %arg5[%mul3A_0, %dma_wait3A_151] : memref<10240x64xf32, #tpu.memory_space<hbm>> -> memref<640x64xf32, #tpu.memory_space<hbm>>
        %dma_wait3A_153 = arith.constant 0 : i32
        %dma_wait3A_154 = tpu.memref_slice %arg14[%mul3A_0, %dma_wait3A_153] : memref<10240x64xf32, #tpu.memory_space<vmem_shared>> -> memref<640x64xf32, #tpu.memory_space<vmem_shared>>
        tpu.wait_dma2 semaphore(%run_scoped3A : memref<!tpu.dma_semaphore, #tpu.memory_space<semaphore_mem>>) src(%dma_wait3A_154 : memref<640x64xf32, #tpu.memory_space<vmem_shared>>) dst(%dma_wait3A_152 : memref<640x64xf32, #tpu.memory_space<hbm>>)
        tpu.yield
      }) : () -> ()
    } else {
    }
    %eq3A_142 = arith.constant 1 : i32
    %eq3A_143 = arith.cmpi eq, %arg0, %eq3A_142 : i32
    %convert_element_type3A_144 = arith.extui %eq3A_143 : i1 to i32
    %cond3A_145 = arith.constant 0 : i32
    %cond3A_146 = arith.cmpi ne, %convert_element_type3A_144, %cond3A_145 : i32
    scf.if %cond3A_146 {
      "tpu.region"() ({
        %run_scoped3A = tpu.sem_alloc : memref<!tpu.dma_semaphore, #tpu.memory_space<semaphore_mem>>
        %dma_start3A_147 = arith.constant 0 : i32
        %dma_start3A_148 = tpu.memref_slice %arg6[%mul3A_0, %dma_start3A_147] : memref<10240x64xf32, #tpu.memory_space<hbm>> -> memref<640x64xf32, #tpu.memory_space<hbm>>
        %dma_start3A_149 = arith.constant 0 : i32
        %dma_start3A_150 = tpu.memref_slice %arg14[%mul3A_0, %dma_start3A_149] : memref<10240x64xf32, #tpu.memory_space<vmem_shared>> -> memref<640x64xf32, #tpu.memory_space<vmem_shared>>
        tpu.enqueue_dma source(%dma_start3A_150 : memref<640x64xf32, #tpu.memory_space<vmem_shared>>) target(%dma_start3A_148 : memref<640x64xf32, #tpu.memory_space<hbm>>) target_semaphore(%run_scoped3A : memref<!tpu.dma_semaphore, #tpu.memory_space<semaphore_mem>>)
        %dma_wait3A_151 = arith.constant 0 : i32
        %dma_wait3A_152 = tpu.memref_slice %arg6[%mul3A_0, %dma_wait3A_151] : memref<10240x64xf32, #tpu.memory_space<hbm>> -> memref<640x64xf32, #tpu.memory_space<hbm>>
        %dma_wait3A_153 = arith.constant 0 : i32
        %dma_wait3A_154 = tpu.memref_slice %arg14[%mul3A_0, %dma_wait3A_153] : memref<10240x64xf32, #tpu.memory_space<vmem_shared>> -> memref<640x64xf32, #tpu.memory_space<vmem_shared>>
        tpu.wait_dma2 semaphore(%run_scoped3A : memref<!tpu.dma_semaphore, #tpu.memory_space<semaphore_mem>>) src(%dma_wait3A_154 : memref<640x64xf32, #tpu.memory_space<vmem_shared>>) dst(%dma_wait3A_152 : memref<640x64xf32, #tpu.memory_space<hbm>>)
        tpu.yield
      }) : () -> ()
    } else {
    }
    return
  }
}

module attributes {stable_mosaic.version = 14 : i64} {
  func.func @_combine_body(%arg0: i32, %arg1: memref<1024x1xf32, #tpu.memory_space<vmem>>, %arg2: memref<1024x64xf32, #tpu.memory_space<vmem>>, %arg3: memref<1024x64xf32, #tpu.memory_space<vmem>>, %arg4: memref<1024x64xf32, #tpu.memory_space<vmem>>, %arg5: memref<1024x64xf32, #tpu.memory_space<vmem>>) attributes {dimension_semantics = [#tpu.dimension_semantics<arbitrary>], iteration_bounds = array<i64: 10>, scalar_prefetch = 0 : i64, scratch_operands = 0 : i64, tpu.core_type = #tpu.core_type<tc>, window_params = [{transform_indices = @transform_0, window_bounds = array<i64: 1024, 1>}, {transform_indices = @transform_1, window_bounds = array<i64: 1024, 64>}, {transform_indices = @transform_2, window_bounds = array<i64: 1024, 64>}, {transform_indices = @transform_3, window_bounds = array<i64: 1024, 64>}, {transform_indices = @transform_4, window_bounds = array<i64: 1024, 64>}]} {
    %get3A = arith.constant 0 : index
    %get3A_0 = arith.constant 0 : index
    %get3A_1 = vector.load %arg1[%get3A, %get3A_0] : memref<1024x1xf32, #tpu.memory_space<vmem>>, vector<1024x1xf32>
    %gt3A = arith.constant 0.000000e+00 : f32
    %gt3A_2 = vector.broadcast %gt3A : f32 to vector<1024x1xf32>
    %gt3A_3 = arith.cmpf ogt, %get3A_1, %gt3A_2 : vector<1024x1xf32>
    %div3A = arith.constant 1.000000e+00 : f32
    %div3A_4 = vector.broadcast %div3A : f32 to vector<1024x1xf32>
    %div3A_5 = arith.divf %div3A_4, %get3A_1 : vector<1024x1xf32>
    %jit3A = arith.constant 0.000000e+00 : f32
    %broadcast_in_dim3A = vector.broadcast %jit3A : f32 to vector<1024x1xf32>
    %select_n3A = arith.select %gt3A_3, %div3A_5, %broadcast_in_dim3A : vector<1024x1xi1>, vector<1024x1xf32>
    %get3A_6 = arith.constant 0 : index
    %get3A_7 = arith.constant 0 : index
    %get3A_8 = vector.load %arg2[%get3A_6, %get3A_7] : memref<1024x64xf32, #tpu.memory_space<vmem>>, vector<1024x64xf32>
    %mul3A = vector.broadcast %select_n3A : vector<1024x1xf32> to vector<1024x64xf32>
    %mul3A_9 = arith.mulf %mul3A, %get3A_8 : vector<1024x64xf32>
    %swap3A = arith.constant 0 : index
    %swap3A_10 = arith.constant 0 : index
    %swap3A_11 = vector.load %arg4[%swap3A, %swap3A_10] : memref<1024x64xf32, #tpu.memory_space<vmem>>, vector<1024x64xf32>
    tpu.vector_store %arg4[%swap3A, %swap3A_10], %mul3A_9 {strides = array<i32>} : memref<1024x64xf32, #tpu.memory_space<vmem>>, vector<1024x64xf32>,
    %get3A_12 = arith.constant 0 : index
    %get3A_13 = arith.constant 0 : index
    %get3A_14 = vector.load %arg3[%get3A_12, %get3A_13] : memref<1024x64xf32, #tpu.memory_space<vmem>>, vector<1024x64xf32>
    %mul3A_15 = vector.broadcast %select_n3A : vector<1024x1xf32> to vector<1024x64xf32>
    %mul3A_16 = arith.mulf %mul3A_15, %get3A_14 : vector<1024x64xf32>
    %swap3A_17 = arith.constant 0 : index
    %swap3A_18 = arith.constant 0 : index
    %swap3A_19 = vector.load %arg5[%swap3A_17, %swap3A_18] : memref<1024x64xf32, #tpu.memory_space<vmem>>, vector<1024x64xf32>
    tpu.vector_store %arg5[%swap3A_17, %swap3A_18], %mul3A_16 {strides = array<i32>} : memref<1024x64xf32, #tpu.memory_space<vmem>>, vector<1024x64xf32>,
    return
  }
  func.func @transform_0(%arg0: i32) -> (i32, i32) {
    %c0_i32 = arith.constant 0 : i32
    %c0_i32_0 = arith.constant 0 : i32
    return %arg0, %c0_i32 : i32, i32
  }
  func.func @transform_1(%arg0: i32) -> (i32, i32) {
    %c0_i32 = arith.constant 0 : i32
    %c0_i32_0 = arith.constant 0 : i32
    return %arg0, %c0_i32 : i32, i32
  }
  func.func @transform_2(%arg0: i32) -> (i32, i32) {
    %c0_i32 = arith.constant 0 : i32
    %c0_i32_0 = arith.constant 0 : i32
    return %arg0, %c0_i32 : i32, i32
  }
  func.func @transform_3(%arg0: i32) -> (i32, i32) {
    %c0_i32 = arith.constant 0 : i32
    %c0_i32_0 = arith.constant 0 : i32
    return %arg0, %c0_i32 : i32, i32
  }
  func.func @transform_4(%arg0: i32) -> (i32, i32) {
    %c0_i32 = arith.constant 0 : i32
    %c0_i32_0 = arith.constant 0 : i32
    return %arg0, %c0_i32 : i32, i32
  }
}

module attributes {stable_mosaic.version = 14 : i64} {
  func.func @_final_body(%arg0: i32, %arg1: memref<1024x1xf32, #tpu.memory_space<vmem>>, %arg2: memref<1024x64xf32, #tpu.memory_space<vmem>>, %arg3: memref<1024x64xf32, #tpu.memory_space<vmem>>, %arg4: memref<128x128xf32, #tpu.memory_space<vmem>>, %arg5: memref<1x128xf32, #tpu.memory_space<vmem>>, %arg6: memref<1024x128xf32, #tpu.memory_space<vmem>>) attributes {dimension_semantics = [#tpu.dimension_semantics<arbitrary>], iteration_bounds = array<i64: 10>, scalar_prefetch = 0 : i64, scratch_operands = 0 : i64, tpu.core_type = #tpu.core_type<tc>, window_params = [{transform_indices = @transform_0, window_bounds = array<i64: 1024, 1>}, {transform_indices = @transform_1, window_bounds = array<i64: 1024, 64>}, {transform_indices = @transform_2, window_bounds = array<i64: 1024, 64>}, {pipeline_mode = #tpu.pipeline_mode<synchronous>, transform_indices = @transform_3, window_bounds = array<i64: 128, 128>}, {pipeline_mode = #tpu.pipeline_mode<synchronous>, transform_indices = @transform_4, window_bounds = array<i64: 1, 128>}, {transform_indices = @transform_5, window_bounds = array<i64: 1024, 128>}]} {
    %get3A = arith.constant 0 : index
    %get3A_0 = arith.constant 0 : index
    %get3A_1 = vector.load %arg1[%get3A, %get3A_0] : memref<1024x1xf32, #tpu.memory_space<vmem>>, vector<1024x1xf32>
    %gt3A = arith.constant 0.000000e+00 : f32
    %gt3A_2 = vector.broadcast %gt3A : f32 to vector<1024x1xf32>
    %gt3A_3 = arith.cmpf ogt, %get3A_1, %gt3A_2 : vector<1024x1xf32>
    %div3A = arith.constant 1.000000e+00 : f32
    %div3A_4 = vector.broadcast %div3A : f32 to vector<1024x1xf32>
    %div3A_5 = arith.divf %div3A_4, %get3A_1 : vector<1024x1xf32>
    %jit3A = arith.constant 0.000000e+00 : f32
    %broadcast_in_dim3A = vector.broadcast %jit3A : f32 to vector<1024x1xf32>
    %select_n3A = arith.select %gt3A_3, %div3A_5, %broadcast_in_dim3A : vector<1024x1xi1>, vector<1024x1xf32>
    %get3A_6 = arith.constant 0 : index
    %get3A_7 = arith.constant 0 : index
    %get3A_8 = vector.load %arg2[%get3A_6, %get3A_7] : memref<1024x64xf32, #tpu.memory_space<vmem>>, vector<1024x64xf32>
    %mul3A = vector.broadcast %select_n3A : vector<1024x1xf32> to vector<1024x64xf32>
    %mul3A_9 = arith.mulf %mul3A, %get3A_8 : vector<1024x64xf32>
    %get3A_10 = arith.constant 0 : index
    %get3A_11 = arith.constant 0 : index
    %get3A_12 = vector.load %arg3[%get3A_10, %get3A_11] : memref<1024x64xf32, #tpu.memory_space<vmem>>, vector<1024x64xf32>
    %mul3A_13 = vector.broadcast %select_n3A : vector<1024x1xf32> to vector<1024x64xf32>
    %mul3A_14 = arith.mulf %mul3A_13, %get3A_12 : vector<1024x64xf32>
    %concatenate3A = tpu.concatenate %mul3A_9, %mul3A_14 in 1 : vector<1024x64xf32>, vector<1024x64xf32> -> vector<1024x128xf32>
    %get3A_15 = arith.constant 0 : index
    %get3A_16 = arith.constant 0 : index
    %get3A_17 = vector.load %arg4[%get3A_15, %get3A_16] : memref<128x128xf32, #tpu.memory_space<vmem>>, vector<128x128xf32>
    %dot_general3A = arith.constant dense<0.000000e+00> : vector<1024x128xf32>
    %dot_general3A_18 = tpu.matmul %concatenate3A, %get3A_17, %dot_general3A {dimension_numbers = #tpu.dot_dimension_numbers<[1], [1], [0], [0], [0, 0, 1, 0], [], []>, transpose_lhs_hint = false} : vector<1024x128xf32>, vector<128x128xf32>, vector<1024x128xf32> -> vector<1024x128xf32>
    %get3A_19 = arith.constant 0 : index
    %get3A_20 = arith.constant 0 : index
    %get3A_21 = vector.load %arg5[%get3A_19, %get3A_20] : memref<1x128xf32, #tpu.memory_space<vmem>>, vector<1x128xf32>
    %add3A = vector.broadcast %get3A_21 : vector<1x128xf32> to vector<1024x128xf32>
    %add3A_22 = arith.addf %dot_general3A_18, %add3A : vector<1024x128xf32>
    %swap3A = arith.constant 0 : index
    %swap3A_23 = arith.constant 0 : index
    %swap3A_24 = vector.load %arg6[%swap3A, %swap3A_23] : memref<1024x128xf32, #tpu.memory_space<vmem>>, vector<1024x128xf32>
    tpu.vector_store %arg6[%swap3A, %swap3A_23], %add3A_22 {strides = array<i32>} : memref<1024x128xf32, #tpu.memory_space<vmem>>, vector<1024x128xf32>,
    return
  }
  func.func @transform_0(%arg0: i32) -> (i32, i32) {
    %c0_i32 = arith.constant 0 : i32
    %c0_i32_0 = arith.constant 0 : i32
    return %arg0, %c0_i32 : i32, i32
  }
  func.func @transform_1(%arg0: i32) -> (i32, i32) {
    %c0_i32 = arith.constant 0 : i32
    %c0_i32_0 = arith.constant 0 : i32
    return %arg0, %c0_i32 : i32, i32
  }
  func.func @transform_2(%arg0: i32) -> (i32, i32) {
    %c0_i32 = arith.constant 0 : i32
    %c0_i32_0 = arith.constant 0 : i32
    return %arg0, %c0_i32 : i32, i32
  }
  func.func @transform_3(%arg0: i32) -> (i32, i32) {
    %c0_i32 = arith.constant 0 : i32
    %c0_i32_0 = arith.constant 0 : i32
    %c0_i32_1 = arith.constant 0 : i32
    return %c0_i32, %c0_i32_0 : i32, i32
  }
  func.func @transform_4(%arg0: i32) -> (i32, i32) {
    %c0_i32 = arith.constant 0 : i32
    %c0_i32_0 = arith.constant 0 : i32
    %c0_i32_1 = arith.constant 0 : i32
    return %c0_i32, %c0_i32_0 : i32, i32
  }
  func.func @transform_5(%arg0: i32) -> (i32, i32) {
    %c0_i32 = arith.constant 0 : i32
    %c0_i32_0 = arith.constant 0 : i32
    return %arg0, %c0_i32 : i32, i32
  }
}

</mosaic_0001>

<sc_bundles>
// kernel: kernel.6.cloned.1.call-start
scs
__scs_entry_jumppad:
0x0: {  	(pc) =	sbr.rel $0x88, $3  }
0x1: {  	(tag) =	ssettag $0x0;
	lr =	simm.s32 $0x1  }
0x2: {  	[smem:$0x3F9D] =	sst lr;
	_ =	strace $0xD0000000  }
0x3: {  	_ = 	snop  }
0x4: {  	_ = 	snop  }
0x5: {  	_ = 	snop  }
0x6: {  	_ = 	snop  }
0x7: {  	_ = 	snop  }
__scs_overlays_trampoline_lowered:
0x8: {  	[smem:$0x3FAC] =	sst s0  }
0x9: {  	[smem:$0x3FAD] =	sst s1  }
0xa: {  	[smem:$0x3FAE] =	sst s2  }
0xb: {  	[smem:$0x3FAF] =	sst s3  }
0xc: {  	[smem:$0x3FB0] =	sst s4  }
0xd: {  	[smem:$0x3FB1] =	sst s5  }
0xe: {  	[smem:$0x3FB2] =	sst s6  }
0xf: {  	[smem:$0x3FB3] =	sst s7  }
0x10: {  	[smem:$0x3FB4] =	sst s8  }
0x11: {  	[smem:$0x3FB5] =	sst s9;
	s0 =	simm.s32 @!p0 $0x0  }
0x12: {  	s1 =	sld [smem:$0x3F9B];
	s0 =	simm.s32 @p0 $0x1  }
0x13: {  	[smem:$0x3FB6] =	sst s0;
	s0 =	simm.s32 @!p1 $0x0  }
0x14: {  	s2 =	sld [smem:$0x3F9A];
	s0 =	simm.s32 @p1 $0x1  }
0x15: {  	[smem:$0x3FB7] =	sst s0;
	s0 =	simm.s32 @!p2 $0x0  }
0x16: {  	s3 =	sld [smem:$0x3FDB];
	s0 =	simm.s32 @p2 $0x1  }
0x17: {  	s4 =	simm.s32 $0x1BF5;
	[smem:$0x3FB9] =	sst s0  }
0x18: {  	s0 =	sld [smem:$0x3F9C];
	_ =	swait.ge [sflag:s4], $0x0  }
0x19: {  	s7 =	sld [smem:$0x3F9D]  }
0x1a: {  	s8 =	sadd.s32 $0xFFFFE003, lr  }
0x1b: {  	s9 =	sadd.s32 $0xFFFFFEF7, lr;
	s5 =	simm.s32 $0xFFFFFFFF;
	p2 =	slt.u32 s8, $0xFFFFF086  }
0x1c: {  	p1 =	slt.u32 s9, $0xF7A;
	s5 =	simm.s32 @!p2 $0x0  }
0x1d: {  	s5 =	simm.s32 @p1 $0x1;
	p0 =	seq.s32 s7, s2  }
0x1e: {  	s7 =	smul.u32 @!p0 $0xF7A, s2;
	p2 =	seq.s32 @!p0 s5, $0x0  }
0x1f: {  	s9 =	smul.u32 $0xF7A, s1;
	s8 =	simm.s32 @!p0 $0x1BF5;
	p2 =	por !p2, p0  }
0x20: {  	[sflag:s8] =	ssyncset.s32 @!p0 $0xFFFFF086;
	s6 =	sadd.s32 @!p0 s3, s7;
	s7 =	simm.s32 @!p0 $0x108  }
0x21: {  	s3 =	sadd.s32 s3, s9;
	s6 =	sadd.s32 @!p0 $0x88, s6;
	s7 =	simm.s32 @p2 $0x1082  }
0x22: {  	[simem:s7], [sflag:s8] =	dma.local @!p0 [hbm:s6], $0xF7A  }
0x23: {  	s9 =	sor.u32 $0xD0000000, s2;
	s6 =	simm.s32 $0x108;
	_ =	swait.ge @!p0 [sflag:s8], $0x0  }
0x24: {  	s3 =	sadd.s32 $0x88, s3;
	s6 =	simm.s32 @!p1 $0x1082;
	[sflag:s4] =	ssyncset.s32 $0xFFFFF086  }
0x25: {  	[simem:s6], [sflag:s4] =	dma.local [hbm:s3], $0xF7A  }
0x26: {  	[smem:$0x3F9D] =	sst s1;
	(tag) =	ssettag s2;
	_ =	strace s9  }
0x27: {  	s1 =	sld [smem:$0x3FAD]  }
0x28: {  	s2 =	sld [smem:$0x3FAE]  }
0x29: {  	s4 =	sld [smem:$0x3FB0]  }
0x2a: {  	p0 =	seq.s32 s5, $0x0;
	s5 =	sld [smem:$0x3FB1]  }
0x2b: {  	s6 =	sld [smem:$0x3FB2]  }
0x2c: {  	s7 =	sld [smem:$0x3FB3]  }
0x2d: {  	s3 =	simm.s32 $0x108;
	s8 =	sld [smem:$0x3FB4]  }
0x2e: {  	s3 =	simm.s32 @!p0 $0x1082;
	s9 =	sld [smem:$0x3FB5]  }
0x2f: {  	lr =	sadd.s32 s0, s3;
	s0 =	sld [smem:$0x3FAC]  }
0x30: {  	s3 =	sld [smem:$0x3FAF]  }
0x31: {  	[smem:$0x3FB8] =	sst s10  }
0x32: {  	s10 =	sld [smem:$0x3FB6];
	_ =	sdelay $0x3  }
0x33: {  	p0 =	seq.s32 s10, $0x1;
	s10 =	sld [smem:$0x3FB8];
	_ =	sdelay $0x3  }
0x34: {  	[smem:$0x3FB8] =	sst s10  }
0x35: {  	s10 =	sld [smem:$0x3FB7];
	_ =	sdelay $0x3  }
0x36: {  	p1 =	seq.s32 s10, $0x1;
	s10 =	sld [smem:$0x3FB8];
	_ =	sdelay $0x3  }
0x37: {  	[smem:$0x3FB8] =	sst s10  }
0x38: {  	s10 =	sld [smem:$0x3FB9]  }
0x39: {  	_ = 	snop;
	(pc) =	sbr.ind lr, $3  }
0x3a: {  	_ = 	snop  }
0x3b: {  	_ = 	snop  }
0x3c: {  	p2 =	seq.s32 s10, $0x1;
	s10 =	sld [smem:$0x3FB8]  }
0x3d: {  	_ =	shalt  }
0x3e: {  	_ =	shalt  }
0x3f: {  	_ =	shalt  }
0x40: {  	_ =	shalt  }
0x41: {  	_ =	shalt  }
0x42: {  	_ =	shalt  }
0x43: {  	_ =	shalt  }
0x44: {  	_ =	shalt  }
0x45: {  	_ =	shalt  }
0x46: {  	_ =	shalt  }
0x47: {  	_ =	shalt  }
0x48: {  	_ =	shalt  }
0x49: {  	_ =	shalt  }
0x4a: {  	_ =	shalt  }
0x4b: {  	_ =	shalt  }
0x4c: {  	_ =	shalt  }
0x4d: {  	_ =	shalt  }
0x4e: {  	_ =	shalt  }
0x4f: {  	_ =	shalt  }
0x50: {  	_ =	shalt  }
0x51: {  	_ =	shalt  }
0x52: {  	_ =	shalt  }
0x53: {  	_ =	shalt  }
0x54: {  	_ =	shalt  }
0x55: {  	_ =	shalt  }
0x56: {  	_ =	shalt  }
0x57: {  	_ =	shalt  }
0x58: {  	_ =	shalt  }
0x59: {  	_ =	shalt  }
0x5a: {  	_ =	shalt  }
0x5b: {  	_ =	shalt  }
0x5c: {  	_ =	shalt  }
0x5d: {  	_ =	shalt  }
0x5e: {  	_ =	shalt  }
0x5f: {  	_ =	shalt  }
0x60: {  	_ =	shalt  }
0x61: {  	_ =	shalt  }
0x62: {  	_ =	shalt  }
0x63: {  	_ =	shalt  }
0x64: {  	_ =	shalt  }
0x65: {  	_ =	shalt  }
0x66: {  	_ =	shalt  }
0x67: {  	_ =	shalt  }
0x68: {  	_ =	shalt  }
0x69: {  	_ =	shalt  }
0x6a: {  	_ =	shalt  }
0x6b: {  	_ =	shalt  }
0x6c: {  	_ =	shalt  }
0x6d: {  	_ =	shalt  }
0x6e: {  	_ =	shalt  }
0x6f: {  	_ =	shalt  }
0x70: {  	_ =	shalt  }
0x71: {  	_ =	shalt  }
0x72: {  	_ =	shalt  }
0x73: {  	_ =	shalt  }
0x74: {  	_ =	shalt  }
0x75: {  	_ =	shalt  }
0x76: {  	_ =	shalt  }
0x77: {  	_ =	shalt  }
0x78: {  	_ =	shalt  }
0x79: {  	_ =	shalt  }
0x7a: {  	_ =	shalt  }
0x7b: {  	_ =	shalt  }
0x7c: {  	_ =	shalt  }
0x7d: {  	_ =	shalt  }
0x7e: {  	_ =	shalt  }
0x7f: {  	_ =	shalt  }
0x80: {  	_ =	shalt  }
0x81: {  	_ =	shalt  }
0x82: {  	_ =	shalt  }
0x83: {  	_ =	shalt  }
0x84: {  	_ =	shalt  }
0x85: {  	_ =	shalt  }
0x86: {  	_ =	shalt  }
0x87: {  	_ =	shalt  }
.Lfunc_end0:
.L_simem_size_0:
called_computation_lowered:
.L_overlay_start_0:
0x88: {  	s2 =	sld [smem:$0x3FD9]  }
0x89: {  	s3 =	sld [smem:$0x3FFE];
	_ =	sdelay $0x1  }
0x8a: {  	s1 =	srdreg.scid  }
0x8b: {  	s0 =	sand.u32 $0x1, s1  }
0x8c: {  	s17 =	sshll.u32 s0, $0xA;
	s2 =	sadd.s32 s3, s2  }
0x8d: {  	s2 =	sadd.s32 s2, s17  }
0x8e: {  	[smem:$0x3FC4] =	sst s2  }
0x8f: {  	_ = 	snop  }
0x90: {  	s2 =	sld [smem:$0x3FD0];
	(tm) =	ssettm $0x1  }
0x91: {  	s18 =	sld [smem:$0x3FFB];
	_ =	sdelay $0x3  }
0x92: {  	_ =	strace s18  }
0x93: {  	s3 =	sld [smem:$0x3FFC];
	_ =	sdelay $0x3  }
0x94: {  	_ =	strace s3  }
0x95: {  	s3 =	sld [smem:$0x3FFD];
	_ =	sdelay $0x3  }
0x96: {  	_ =	strace s3  }
0x97: {  	_ =	strace $0x8FFFFFFF  }
0x98: {  	s19 =	sld [smem:$0x3FDB];
	_ =	sdelay $0x1  }
0x99: {  	s4 =	simm.s32 $_scs_section_size  }
0x9a: {  	s5 =	simm.s32 $_size__tile_overlayer_lowered;
	s6 =	simm.s32 $_tile_overlayer_lowered  }
0x9b: {  	s22 =	simm.s32 $0x1BFF;
	s21 =	sshll.u32 s6, $0x1;
	s3 =	sadd.s32 s4, s19  }
0x9c: {  	s7 =	simm.s32 $0x0;
	s20 =	sshll.u32 s5, $0x1;
	s5 =	sadd.s32 s21, s3  }
0x9d: {  	[timem:s7], [sflag:s22] =	dma.local [hbm:s5], s20  }
0x9e: {  	_ =	swait.ge [sflag:s22], s20  }
0x9f: {  	s4 =	ssub.s32 $0x0, s20;
	[sflag:s22] =	ssyncset.done $0x0  }
0xa0: {  	[sflag:s22] =	ssyncadd.s32 s4;
	_ =	sdelay $0x1  }
0xa1: {  	s23 =	simm.s32 $0x1B8B  }
0xa2: {  	_ =	swait.ge [sflag:s23], $0x1  }
0xa3: {  	[sflag:s23] =	ssyncset.done $0x0  }
0xa4: {  	s25 =	simm.s32 $0x1B8E;
	s24 =	sld [smem:$0x3FFE];
	[sflag:s23] =	ssyncadd.s32 $0xFFFFFFFF  }
0xa5: {  	s26 =	simm.s32 $execute0_lowered;
	[smem:$0x3FD2] =	sst s25  }
0xa6: {  	s5 =	sshll.u32 s26, $0x1;
	_ =	strace $0x80000046;
	[dreg:$0x1] =	wrdreg $0xFFFFFFFF  }
0xa7: {  	s28 =	simm.s32 $_size_execute0_lowered;
	s3 =	sadd.s32 s3, s5;
	[dreg:$0x0] =	wrdreg $0x0  }
0xa8: {  	s5 =	sshll.u32 s28, $0x1;
	[dreg:$0x2] =	wrdreg s3  }
0xa9: {  	[dreg:$0x3] =	wrdreg s5  }
0xaa: {  	[dreg:$0x4] =	wrdreg $0xC0  }
0xab: {  	_ =	task [dreg:s7], $0x5FFFF  }
0xac: {  	[dreg:$0x1] =	wrdreg $0xFFFFFFFF  }
0xad: {  	[dreg:$0x0] =	wrdreg $0x60  }
0xae: {  	[dreg:$0x2] =	wrdreg s24  }
0xaf: {  	[dreg:$0x3] =	wrdreg s2  }
0xb0: {  	[dreg:$0x4] =	wrdreg $0x145800  }
0xb1: {  	[dreg:$0x5] =	wrdreg $0x143000  }
0xb2: {  	[dreg:$0x6] =	wrdreg $0x9  }
0xb3: {  	_ =	task.clear_ibuf [dreg:s7], $0x7FFFF;
	_ =	strace $0x90000046  }
0xb4: {  	s29 =	simm.s32 $0x9;
	_ =	strace $0x80000048  }
0xb5: {  	_ =	swait.ge [sflag:s29], $0x1  }
0xb6: {  	[sflag:s29] =	ssyncadd.s32 $0xFFFFFFFF  }
0xb7: {  	_ =	strace $0x90000048  }
0xb8: {  	_ =	sfence  }
0xb9: {  	s30 =	sld [smem:$0x0];
	_ =	sdelay $0x2  }
0xba: {  	s31 =	sshll.u32 s1, $0xD;
	s1 =	sshrl.u32 s1, $0x2  }
0xbb: {  	s3 =	sand.u32 $0x4000, s31;
	s1 =	sadd.s32 s1, s30  }
0xbc: {  	s0 =	sor.u32 s3, s0;
	s1 =	sshll.u32 s1, $0x11  }
0xbd: {  	s0 =	sor.u32 s1, s0  }
0xbe: {  	s0 =	sadd.s32 $0x8F2B, s0  }
0xbf: {  	[sflag:s0] =	ssyncadd.remote.s32 $0x1  }
0xc0: {  	_ =	sfence.sel $0xFFFF  }
0xc1: {  	[dreg:$0x0] =	wrdreg $0xFFFFFFFF;
	(pc) =	sbr.abs _section_cstart, $3  }
0xc2: {  	[dreg:$0x1] =	wrdreg $0xFFFFFFFF  }
0xc3: {  	_ =	task.clear_ibuf [dreg:s7], $0x2FFFF;
	_ =	strace $0x9FFFFFFF  }
0xc4: {  	(tm) =	ssettm $0x7FFFFFFF  }
0xc5: {  	_ =	shalt  }
tec
execute0_lowered:
.L_overlay_start_1:
0x0: {  	(tag) =	ssettag $0x1  }
0x1: {  	s1 =	rddreg [dreg:$0x0]  }
0x2: {  	s2 =	rddreg [dreg:$0x1]  }
0x3: {  	s0 =	rddreg [dreg:$0x2]  }
0x4: {  	s18 =	stileid.u32;
	s5 =	simm.s32 $0x0;
	s3 =	rddreg [dreg:$0x3]  }
0x5: {  	s4 =	simm.s32 $0x0;
	s22 =	srdreg.scid;
	s28 =	simm.s32 $0xC300  }
0x6: {  	s30 =	simm.s32 $0xE300;
	s31 =	simm.s32 $0x2280;
	s29 =	simm.s32 $0x4  }
0x7: {  	p0 =	seq.s32 s18, $0x0;
	s6 =	smul.u32 $0x4E00, s18;
	[smem:$0x7FF] =	sst s4  }
0x8: {  	s8 =	sadd.s32 $0x2200, s1;
	s9 =	sand.u32 $0x1, s22;
	s14 =	smul.u32 $0x280, s18  }
0x9: {  	s10 =	sadd.s32 $0x51600, s1;
	s12 =	sadd.s32 $0x3D000, s1;
	s23 =	smul.u32 $0x28000, s18  }
0xa: {  	s13 =	sadd.s32 $0x3D600, s1;
	s17 =	smul.u32 $0xA000, s18;
	s24 =	sadd.s32 $0x29FC0, s1  }
0xb: {  	p1 =	sne.s32 s18, $0x0;
	s5 =	simm.s32 @!p0 $0x200;
	_ =	strace $0x80000047  }
0xc: {  	[dreg:$0xa] =	wrdreg s24;
	s5 =	sadd.s32 s6, s5;
	s6 =	ssub.s32 $0x2, s9  }
0xd: {  	s25 =	sshrl.u32 s23, $0x2;
	s20 =	sshrl.u32 s17, $0x3;
	s21 =	sshrl.u32 s14, $0x3  }
0xe: {  	s5 =	sshrl.u32 s5, $0x3;
	s11 =	sshrl.u32 s6, $0x1;
	s26 =	sadd.s32 s25, s0  }
0xf: {  	s25 =	simm.s32 $0x10300;
	s7 =	sadd.s32 s5, s1;
	s5 =	sadd.s32 $0x15C00, s1  }
0x10: {  	s15 =	ssub.s32 s6, s11;
	s6 =	simm.s32 $0xA0;
	s1 =	sadd.s32 $0x33C00, s1  }
0x11: {  	s11 =	sadd.s32 s17, s0;
	s19 =	sadd.s32 $0x6000, s26;
	[dreg:$0x6] =	wrdreg s25  }
0x12: {  	s25 =	simm.s32 $0x2;
	s6 =	simm.s32 @!p0 $0x9C;
	[dreg:$0xb] =	wrdreg s1  }
0x13: {  	s16 =	sadd.s32 $0x29600, s7;
	s7 =	sadd.s32 $0x33240, s7;
	[dreg:$0xe] =	wrdreg s19  }
0x14: {  	s1 =	sadd.s32 $0x8000, s26;
	p0 =	seq.s32 s9, $0x0;
	[dreg:$0x8] =	wrdreg s16  }
0x15: {  	s22 =	smax.u32 s15, $0x1;
	[dreg:$0x9] =	wrdreg s7;
	s7 =	sadd.s32 $0x2000, s26  }
0x16: {  	s16 =	sadd.s32 $0x4000, s26;
	[dreg:$0xf] =	wrdreg s1;
	s5 =	smov.u32 @p0 s8  }
0x17: {  	[dreg:$0x10] =	wrdreg s22;
	s13 =	smov.u32 @p0 s2;
	s12 =	smov.u32 @p0 s10  }
0x18: {  	s24 =	sshll.u32 s6, $0x9;
	s22 =	simm.s32 $0x9;
	s26 =	simm.s32 $0x12300  }
0x19: {  	s2 =	simm.s32 $0x5;
	s8 =	simm.s32 $0x0;
	[dreg:$0xc] =	wrdreg s7  }
0x1a: {  	[dreg:$0xd] =	wrdreg s16;
	s16 =	sadd.s32 s14, s3;
	s1 =	sadd.s32 s13, s20  }
0x1b: {  	s23 =	sadd.s32 s12, s21;
	[dreg:$0x5] =	wrdreg s24;
	s13 =	simm.s32 $0x2300  }
0x1c: {  	s24 =	simm.s32 $0x1;
	[dreg:$0x7] =	wrdreg s26;
	s26 =	simm.s32 $0x80  }
0x1d: {  	s21 =	simm.s32 $0x3;
	s7 =	simm.s32 $0x8;
	[dreg:$0x11] =	wrdreg s1  }
0x1e: {  	v0 =	vimm.f32 $0.0e+00;
	v1 =	vimm.f32 $1.000000000e+00;
	[dreg:$0x12] =	wrdreg s23;
	s23 =	simm.s32 $0x6;
	s1 =	simm.s32 $0x7  }
.LBB2_1:
0x1f: {  	s9 =	rddreg [dreg:$0x8]  }
0x20: {  	[tilespmem:s13], [sflag:$0x1] =	stream.linear.gather [hbm4b:s9+s4], $0x4E00, $0x38;
	[tilespmem:$0x1E580] =	vst v63  }
0x21: {  	s20 =	rddreg [dreg:$0x9];
	s10 =	simm.s32 $0x7300  }
0x22: {  	[tilespmem:s10], [sflag:$0x2] =	stream.linear.gather [hbm4b:s20+s4], $0x4E00, $0x38;
	[tilespmem:$0x1E580] =	vst v63  }
0x23: {  	s12 =	rddreg [dreg:$0xa];
	s9 =	simm.s32 @!p1 $0x0;
	s10 =	simm.s32 @!p1 $0x7100  }
0x24: {  	[tilespmem:s10], [sflag:$0x3] =	stream.linear.gather @!p1 [hbm4b:s12+s9], $0x200, $0x38;
	[tilespmem:$0x1E580] =	vst v63  }
0x25: {  	s10 =	simm.s32 @!p1 $0xC100;
	s12 =	rddreg [dreg:$0xb]  }
0x26: {  	[tilespmem:s10], [sflag:$0x4] =	stream.linear.gather @!p1 [hbm4b:s12+s9], $0x200, $0x38;
	[tilespmem:$0x1E580] =	vst v63  }
0x27: {  	s10 =	simm.s32 $0x100;
	s9 =	simm.s32 $0x0  }
.LBB2_2:
0x28: {  	p2 =	sne.s32 s10, $0x7F00;
	[tilespmem:s9+$0x30] =	vst v0;
	s12 =	smov.u32 s10;
	s10 =	sadd.s32 $0x100, s10  }
.Ltmp0:
0x29: {  	[tilespmem:s9+$0x20] =	vst v0;
	(pc) =	sbr.rel @p2 .LBB2_2-.Ltmp0, $3  }
0x2a: {  	[tilespmem:s9+$0x0] =	vst v0  }
0x2b: {  	[tilespmem:s9+$0x10] =	vst v0;
	_ =	sdelay $0x1  }
0x2c: {  	s9 =	sshra.s32 s12, $0x2  }
0x2d: {  	[tilespmem:s9+$0x30] =	vst v0  }
0x2e: {  	[tilespmem:s9+$0x20] =	vst v0  }
0x2f: {  	[tilespmem:s9+$0x0] =	vst v0  }
0x30: {  	[tilespmem:s9+$0x10] =	vst v0  }
0x31: {  	[tilespmem:$0x2280] =	vst v1  }
0x32: {  	[tilespmem:$0x2290] =	vst v1  }
0x33: {  	[tilespmem:$0x22A0] =	vst v1  }
0x34: {  	[tilespmem:$0x22B0] =	vst v1  }
0x35: {  	[tilespmem:$0x22C0] =	vst v1  }
0x36: {  	[tilespmem:$0x22D0] =	vst v1  }
0x37: {  	[tilespmem:$0x22E0] =	vst v1  }
0x38: {  	[tilespmem:$0x22F0] =	vst v1  }
0x39: {  	[tilespmem:$0x2000] =	vst v0  }
0x3a: {  	[tilespmem:$0x2010] =	vst v0  }
0x3b: {  	[tilespmem:$0x2020] =	vst v0  }
0x3c: {  	[tilespmem:$0x2030] =	vst v0  }
0x3d: {  	[tilespmem:$0x2040] =	vst v0  }
0x3e: {  	[tilespmem:$0x2050] =	vst v0  }
0x3f: {  	[tilespmem:$0x2060] =	vst v0  }
0x40: {  	[tilespmem:$0x2070] =	vst v0  }
0x41: {  	[tilespmem:$0x2080] =	vst v0  }
0x42: {  	[tilespmem:$0x2090] =	vst v0  }
0x43: {  	[tilespmem:$0x20A0] =	vst v0  }
0x44: {  	[tilespmem:$0x20B0] =	vst v0  }
0x45: {  	[tilespmem:$0x20C0] =	vst v0  }
0x46: {  	[tilespmem:$0x20D0] =	vst v0  }
0x47: {  	[tilespmem:$0x20E0] =	vst v0  }
0x48: {  	[tilespmem:$0x20F0] =	vst v0  }
0x49: {  	[tilespmem:$0x2100] =	vst v0  }
0x4a: {  	[tilespmem:$0x2110] =	vst v0  }
0x4b: {  	[tilespmem:$0x2120] =	vst v0  }
0x4c: {  	[tilespmem:$0x2130] =	vst v0  }
0x4d: {  	[tilespmem:$0x2140] =	vst v0  }
0x4e: {  	[tilespmem:$0x2150] =	vst v0  }
0x4f: {  	[tilespmem:$0x2160] =	vst v0  }
0x50: {  	[tilespmem:$0x2170] =	vst v0  }
0x51: {  	[tilespmem:$0x2180] =	vst v0  }
0x52: {  	[tilespmem:$0x2190] =	vst v0  }
0x53: {  	[tilespmem:$0x21A0] =	vst v0  }
0x54: {  	[tilespmem:$0x21B0] =	vst v0  }
0x55: {  	[tilespmem:$0x21C0] =	vst v0  }
0x56: {  	[tilespmem:$0x21D0] =	vst v0  }
0x57: {  	[tilespmem:$0x21E0] =	vst v0  }
0x58: {  	[tilespmem:$0x21F0] =	vst v0  }
0x59: {  	[tilespmem:$0x2200] =	vst v0  }
0x5a: {  	[tilespmem:$0x2210] =	vst v0  }
0x5b: {  	[tilespmem:$0x2220] =	vst v0  }
0x5c: {  	[tilespmem:$0x2230] =	vst v0  }
0x5d: {  	[tilespmem:$0x2240] =	vst v0  }
0x5e: {  	[tilespmem:$0x2250] =	vst v0  }
0x5f: {  	[tilespmem:$0x2260] =	vst v0  }
0x60: {  	[tilespmem:$0x2270] =	vst v0  }
0x61: {  	[spmem:s11] =	stream.linear.scatter [tilespmem:s4], [sflag:$0x9], $0x2000, $0x38;
	[tilespmem:$0x1E580] =	vst v63  }
0x62: {  	_ =	swait.ge [sflag:s22], $0x2000  }
0x63: {  	[sflag:s22] =	ssyncset.done $0x0  }
0x64: {  	s20 =	rddreg [dreg:$0xc];
	[sflag:s22] =	ssyncadd.s32 $0xFFFFE000  }
0x65: {  	[spmem:s20] =	stream.linear.scatter [tilespmem:s4], [sflag:$0x9], $0x2000, $0x38;
	[tilespmem:$0x1E580] =	vst v63  }
0x66: {  	_ =	swait.ge [sflag:s22], $0x2000  }
0x67: {  	[sflag:s22] =	ssyncset.done $0x0  }
0x68: {  	s10 =	rddreg [dreg:$0xd];
	[sflag:s22] =	ssyncadd.s32 $0xFFFFE000  }
0x69: {  	[spmem:s10] =	stream.linear.scatter [tilespmem:s4], [sflag:$0x9], $0x2000, $0x38;
	[tilespmem:$0x1E580] =	vst v63  }
0x6a: {  	_ =	swait.ge [sflag:s22], $0x2000  }
0x6b: {  	[sflag:s22] =	ssyncset.done $0x0  }
0x6c: {  	s12 =	rddreg [dreg:$0xe];
	[sflag:s22] =	ssyncadd.s32 $0xFFFFE000  }
0x6d: {  	[spmem:s12] =	stream.linear.scatter [tilespmem:s4], [sflag:$0x9], $0x2000, $0x38;
	[tilespmem:$0x1E580] =	vst v63  }
0x6e: {  	_ =	swait.ge [sflag:s22], $0x2000  }
0x6f: {  	[sflag:s22] =	ssyncset.done $0x0  }
0x70: {  	s14 =	rddreg [dreg:$0xf];
	[sflag:s22] =	ssyncadd.s32 $0xFFFFE000  }
0x71: {  	[spmem:s14] =	stream.linear.scatter [tilespmem:s4], [sflag:$0x9], $0x2000, $0x38;
	[tilespmem:$0x1E580] =	vst v63  }
0x72: {  	_ =	swait.ge [sflag:s22], $0x2000  }
0x73: {  	[sflag:s22] =	ssyncset.done $0x0  }
0x74: {  	s15 =	simm.s32 $0x2000;
	[sflag:s22] =	ssyncadd.s32 $0xFFFFE000  }
0x75: {  	[spmem:s16] =	stream.linear.scatter [tilespmem:s15], [sflag:$0x9], $0x280, $0x38;
	[tilespmem:$0x1E580] =	vst v63  }
0x76: {  	_ =	swait.ge [sflag:s22], $0x280  }
0x77: {  	[sflag:s22] =	ssyncset.done $0x0  }
0x78: {  	[sflag:s22] =	ssyncadd.s32 $0xFFFFFD80  }
0x79: {  	_ =	swait.ge [sflag:s24], $0x4E00  }
0x7a: {  	[sflag:s24] =	ssyncset.done $0x0  }
0x7b: {  	[sflag:s24] =	ssyncadd.s32 $0xFFFFB200  }
0x7c: {  	_ =	swait.ge [sflag:s25], $0x4E00  }
0x7d: {  	[sflag:s25] =	ssyncset.done $0x0  }
0x7e: {  	s9 =	simm.s32 @!p1 $0x3;
	[sflag:s25] =	ssyncadd.s32 $0xFFFFB200  }
0x7f: {  	_ =	swait.ge @!p1 [sflag:s9], $0x200  }
0x80: {  	[sflag:s9] =	ssyncset.done @!p1 $0x0  }
0x81: {  	[sflag:s9] =	ssyncadd.s32 @!p1 $0xFFFFFE00;
	s9 =	simm.s32 @!p1 $0x4  }
0x82: {  	_ =	swait.ge @!p1 [sflag:s9], $0x200  }
0x83: {  	[sflag:s9] =	ssyncset.done @!p1 $0x0  }
0x84: {  	[sflag:s9] =	ssyncadd.s32 @!p1 $0xFFFFFE00  }
0x85: {  	p2 =	por $0x1, $0x1;
	[bflag:$0x0] =	sbarrier.arrive $0xFFFF  }
0x86: {  	[tilespmem:s28], [sflag:$0x1] =	stream.indirect.gather [hbm4b:s5+s26], $0x40, s13, s26, $0xb8;
	[tilespmem:$0x1E580] =	vst v63  }
0x87: {  	s17 =	simm.s32 $0x2380;
	s9 =	simm.s32 @!p2 $0x7  }
0x88: {  	[tilespmem:s30], [sflag:$0x2] =	stream.indirect.gather [hbm4b:s5+s26], $0x40, s17, s26, $0xb8;
	[tilespmem:$0x1E580] =	vst v63  }
0x89: {  	_ =	swait.ge @!p2 [sflag:s9], $0x2000  }
0x8a: {  	[sflag:s9] =	ssyncset.done @!p2 $0x0  }
0x8b: {  	[sflag:s9] =	ssyncadd.s32 @!p2 $0xFFFFE000  }
0x8c: {  	p3 =	sle.u32 s6, $0x2;
	_ =	swait.ge @!p2 [sflag:s9], $0x80  }
0x8d: {  	s10 =	simm.s32 @!p3 $0x10300;
	[sflag:s9] =	ssyncset.done @!p2 $0x0  }
0x8e: {  	s12 =	simm.s32 @!p3 $0x80;
	[sflag:s9] =	ssyncadd.s32 @!p2 $0xFFFFFF80;
	s9 =	simm.s32 @!p3 $0x2400  }
0x8f: {  	[tilespmem:s10], [sflag:$0x3] =	stream.indirect.gather @!p3 [hbm4b:s5+s12], $0x40, s9, s12, $0xb8;
	[tilespmem:$0x1E580] =	vst v63  }
0x90: {  	_ =	swait.ge [sflag:s24], $0x2000  }
0x91: {  	[sflag:s24] =	ssyncset.done $0x0  }
0x92: {  	s9 =	simm.s32 $0x7300;
	s10 =	simm.s32 $0x2300;
	[sflag:s24] =	ssyncadd.s32 $0xFFFFE000  }
0x93: {  	[spmem:s0] =	stream.indirect.scatter.add.f32 [tilespmem:s28], [sflag:$0x5], $0x40, s9, s26, $0xb8;
	[tilespmem:$0x1E580] =	vst v63  }
0x94: {  	s9 =	smov.u32 @p0 s10;
	s10 =	simm.s32 @!p2 $0x8  }
0x95: {  	[spmem:s3] =	stream.indirect.scatter.add.f32 [tilespmem:s31], [sflag:$0x5], $0x1, s9, s26, $0xb8;
	[tilespmem:$0x1E580] =	vst v63  }
0x96: {  	_ =	swait.ge @!p2 [sflag:s10], $0x2000  }
0x97: {  	[sflag:s10] =	ssyncset.done @!p2 $0x0  }
0x98: {  	[sflag:s10] =	ssyncadd.s32 @!p2 $0xFFFFE000  }
0x99: {  	p3 =	sle.u32 s6, $0x3;
	_ =	swait.ge @!p2 [sflag:s10], $0x80  }
0x9a: {  	s12 =	simm.s32 @!p3 $0x12300;
	[sflag:s10] =	ssyncset.done @!p2 $0x0  }
0x9b: {  	s9 =	simm.s32 @!p3 $0x80;
	[sflag:s10] =	ssyncadd.s32 @!p2 $0xFFFFFF80;
	s10 =	simm.s32 @!p3 $0x2480  }
0x9c: {  	[tilespmem:s12], [sflag:$0x4] =	stream.indirect.gather @!p3 [hbm4b:s5+s9], $0x40, s10, s9, $0xb8;
	[tilespmem:$0x1E580] =	vst v63  }
0x9d: {  	_ =	swait.ge [sflag:s25], $0x2000  }
0x9e: {  	[sflag:s25] =	ssyncset.done $0x0  }
0x9f: {  	s9 =	simm.s32 $0x2380;
	s10 =	simm.s32 $0x7380;
	[sflag:s25] =	ssyncadd.s32 $0xFFFFE000  }
0xa0: {  	[spmem:s0] =	stream.indirect.scatter.add.f32 [tilespmem:s30], [sflag:$0x6], $0x40, s10, s26, $0xb8;
	[tilespmem:$0x1E580] =	vst v63  }
0xa1: {  	s10 =	smov.u32 @p0 s9  }
0xa2: {  	[spmem:s3] =	stream.indirect.scatter.add.f32 [tilespmem:s31], [sflag:$0x6], $0x1, s10, s26, $0xb8;
	[tilespmem:$0x1E580] =	vst v63  }
0xa3: {  	_ =	swait.ge [sflag:s2], $0x2000  }
0xa4: {  	[sflag:s2] =	ssyncset.done $0x0  }
0xa5: {  	[sflag:s2] =	ssyncadd.s32 $0xFFFFE000  }
0xa6: {  	p2 =	sle.u32 s6, $0x4;
	_ =	swait.ge [sflag:s2], $0x80  }
0xa7: {  	s12 =	simm.s32 @!p2 $0x80;
	[sflag:s2] =	ssyncset.done $0x0  }
0xa8: {  	s9 =	simm.s32 @!p2 $0xC300;
	s10 =	simm.s32 @!p2 $0x2500;
	[sflag:s2] =	ssyncadd.s32 $0xFFFFFF80  }
0xa9: {  	[tilespmem:s9], [sflag:$0x1] =	stream.indirect.gather @!p2 [hbm4b:s5+s12], $0x40, s10, s12, $0xb8;
	[tilespmem:$0x1E580] =	vst v63  }
0xaa: {  	_ =	swait.ge [sflag:s21], $0x2000  }
0xab: {  	s10 =	simm.s32 $0x2400;
	[sflag:s21] =	ssyncset.done $0x0  }
0xac: {  	s12 =	simm.s32 $0x7400;
	s18 =	rddreg [dreg:$0x6];
	[sflag:s21] =	ssyncadd.s32 $0xFFFFE000  }
0xad: {  	[spmem:s0] =	stream.indirect.scatter.add.f32 [tilespmem:s18], [sflag:$0x7], $0x40, s12, s26, $0xb8;
	[tilespmem:$0x1E580] =	vst v63  }
0xae: {  	s12 =	smov.u32 @p0 s10  }
0xaf: {  	[spmem:s3] =	stream.indirect.scatter.add.f32 [tilespmem:s31], [sflag:$0x7], $0x1, s12, s26, $0xb8;
	[tilespmem:$0x1E580] =	vst v63  }
0xb0: {  	_ =	swait.ge [sflag:s23], $0x2000  }
0xb1: {  	[sflag:s23] =	ssyncset.done $0x0  }
0xb2: {  	[sflag:s23] =	ssyncadd.s32 $0xFFFFE000  }
0xb3: {  	p2 =	sle.u32 s6, $0x5;
	_ =	swait.ge [sflag:s23], $0x80  }
0xb4: {  	s9 =	simm.s32 @!p2 $0xE300;
	[sflag:s23] =	ssyncset.done $0x0  }
0xb5: {  	s10 =	simm.s32 @!p2 $0x2580;
	s12 =	simm.s32 @!p2 $0x80;
	[sflag:s23] =	ssyncadd.s32 $0xFFFFFF80  }
0xb6: {  	[tilespmem:s9], [sflag:$0x2] =	stream.indirect.gather @!p2 [hbm4b:s5+s12], $0x40, s10, s12, $0xb8;
	[tilespmem:$0x1E580] =	vst v63  }
0xb7: {  	_ =	swait.ge [sflag:s29], $0x2000  }
0xb8: {  	s20 =	rddreg [dreg:$0x5]  }
0xb9: {  	p2 =	sne.s32 s20, $0x800  }
.Ltmp1:
0xba: {  	_ = 	snop;
	(pc) =	sbr.rel @!p2 .LBB2_5-.Ltmp1, $4  }
0xbb: {  	s13 =	simm.s32 $0x2480;
	[sflag:s29] =	ssyncset.done $0x0  }
0xbc: {  	s12 =	simm.s32 $0x7480;
	s19 =	rddreg [dreg:$0x7];
	[sflag:s29] =	ssyncadd.s32 $0xFFFFE000  }
0xbd: {  	[spmem:s0] =	stream.indirect.scatter.add.f32 [tilespmem:s19], [sflag:$0x8], $0x40, s12, s26, $0xb8;
	[tilespmem:$0x1E580] =	vst v63  }
0xbe: {  	s9 =	simm.s32 $0x800;
	s10 =	simm.s32 $0x9;
	s12 =	smov.u32 @p0 s13  }
.LBB2_4:
0xbf: {  	[spmem:s3] =	stream.indirect.scatter.add.f32 [tilespmem:s31], [sflag:$0x8], $0x1, s12, s26, $0xb8;
	[tilespmem:$0x1E580] =	vst v63  }
0xc0: {  	p2 =	seq.s32 s9, $0x0  }
0xc1: {  	s13 =	simm.s32 @!p2 $0x7  }
0xc2: {  	_ =	swait.ge @!p2 [sflag:s13], $0x2000  }
0xc3: {  	[sflag:s13] =	ssyncset.done @!p2 $0x0  }
0xc4: {  	s14 =	sadd.s32 $0xFFFFFFFD, s10;
	[sflag:s13] =	ssyncadd.s32 @!p2 $0xFFFFE000  }
0xc5: {  	s12 =	smov.u32 s9;
	p3 =	sge.u32 s14, s6;
	_ =	swait.ge @!p2 [sflag:s13], $0x80  }
0xc6: {  	s14 =	sshra.s32 @!p3 s12, $0x2;
	s15 =	simm.s32 @!p3 $0x10300;
	[sflag:s13] =	ssyncset.done @!p2 $0x0  }
0xc7: {  	[sflag:s13] =	ssyncadd.s32 @!p2 $0xFFFFFF80;
	s13 =	sadd.s32 @!p3 $0x2400, s14;
	s14 =	simm.s32 @!p3 $0x80  }
0xc8: {  	[tilespmem:s15], [sflag:$0x3] =	stream.indirect.gather @!p3 [hbm4b:s5+s14], $0x40, s13, s14, $0xb8;
	[tilespmem:$0x1E580] =	vst v63  }
0xc9: {  	_ =	swait.ge [sflag:s24], $0x2000  }
0xca: {  	s13 =	sshra.s32 s12, $0x2;
	[sflag:s24] =	ssyncset.done $0x0  }
0xcb: {  	s14 =	sadd.s32 $0x7300, s13;
	s15 =	sadd.s32 $0x2300, s13;
	[sflag:s24] =	ssyncadd.s32 $0xFFFFE000  }
0xcc: {  	[spmem:s0] =	stream.indirect.scatter.add.f32 [tilespmem:s28], [sflag:$0x5], $0x40, s14, s26, $0xb8;
	[tilespmem:$0x1E580] =	vst v63  }
0xcd: {  	s17 =	simm.s32 @!p2 $0x8;
	s14 =	smov.u32 @p0 s15  }
0xce: {  	[spmem:s3] =	stream.indirect.scatter.add.f32 [tilespmem:s31], [sflag:$0x5], $0x1, s14, s26, $0xb8;
	[tilespmem:$0x1E580] =	vst v63  }
0xcf: {  	_ =	swait.ge @!p2 [sflag:s17], $0x2000  }
0xd0: {  	[sflag:s17] =	ssyncset.done @!p2 $0x0  }
0xd1: {  	s18 =	sadd.s32 $0xFFFFFFFE, s10;
	[sflag:s17] =	ssyncadd.s32 @!p2 $0xFFFFE000  }
0xd2: {  	p3 =	sge.u32 s18, s6;
	_ =	swait.ge @!p2 [sflag:s17], $0x80  }
0xd3: {  	s18 =	sshra.s32 @!p3 s12, $0x2;
	s19 =	simm.s32 @!p3 $0x80;
	[sflag:s17] =	ssyncset.done @!p2 $0x0  }
0xd4: {  	[sflag:s17] =	ssyncadd.s32 @!p2 $0xFFFFFF80;
	s17 =	sadd.s32 @!p3 $0x2480, s18;
	s18 =	simm.s32 @!p3 $0x12300  }
0xd5: {  	[tilespmem:s18], [sflag:$0x4] =	stream.indirect.gather @!p3 [hbm4b:s5+s19], $0x40, s17, s19, $0xb8;
	[tilespmem:$0x1E580] =	vst v63  }
0xd6: {  	_ =	swait.ge [sflag:s25], $0x2000  }
0xd7: {  	[sflag:s25] =	ssyncset.done $0x0  }
0xd8: {  	s20 =	sadd.s32 $0x2380, s13;
	s17 =	sadd.s32 $0x7380, s13;
	[sflag:s25] =	ssyncadd.s32 $0xFFFFE000  }
0xd9: {  	[spmem:s0] =	stream.indirect.scatter.add.f32 [tilespmem:s30], [sflag:$0x6], $0x40, s17, s26, $0xb8;
	[tilespmem:$0x1E580] =	vst v63  }
0xda: {  	s17 =	smov.u32 @p0 s20  }
0xdb: {  	[spmem:s3] =	stream.indirect.scatter.add.f32 [tilespmem:s31], [sflag:$0x6], $0x1, s17, s26, $0xb8;
	[tilespmem:$0x1E580] =	vst v63  }
0xdc: {  	_ =	swait.ge [sflag:s2], $0x2000  }
0xdd: {  	[sflag:s2] =	ssyncset.done $0x0  }
0xde: {  	s19 =	sadd.s32 $0xFFFFFFFF, s10;
	[sflag:s2] =	ssyncadd.s32 $0xFFFFE000  }
0xdf: {  	p2 =	sge.u32 s19, s6;
	_ =	swait.ge [sflag:s2], $0x80  }
0xe0: {  	s18 =	simm.s32 @!p2 $0xC300;
	s17 =	sshra.s32 @!p2 s12, $0x2;
	[sflag:s2] =	ssyncset.done $0x0  }
0xe1: {  	s19 =	simm.s32 @!p2 $0x80;
	s17 =	sadd.s32 @!p2 $0x2500, s17;
	[sflag:s2] =	ssyncadd.s32 $0xFFFFFF80  }
0xe2: {  	[tilespmem:s18], [sflag:$0x1] =	stream.indirect.gather @!p2 [hbm4b:s5+s19], $0x40, s17, s19, $0xb8;
	[tilespmem:$0x1E580] =	vst v63  }
0xe3: {  	_ =	swait.ge [sflag:s21], $0x2000  }
0xe4: {  	s15 =	sadd.s32 $0x2400, s13;
	[sflag:s21] =	ssyncset.done $0x0  }
0xe5: {  	s18 =	sadd.s32 $0x7400, s13;
	s20 =	rddreg [dreg:$0x6];
	[sflag:s21] =	ssyncadd.s32 $0xFFFFE000  }
0xe6: {  	[spmem:s0] =	stream.indirect.scatter.add.f32 [tilespmem:s20], [sflag:$0x7], $0x40, s18, s26, $0xb8;
	[tilespmem:$0x1E580] =	vst v63  }
0xe7: {  	s18 =	smov.u32 @p0 s15  }
0xe8: {  	[spmem:s3] =	stream.indirect.scatter.add.f32 [tilespmem:s31], [sflag:$0x7], $0x1, s18, s26, $0xb8;
	[tilespmem:$0x1E580] =	vst v63  }
0xe9: {  	_ =	swait.ge [sflag:s23], $0x2000  }
0xea: {  	[sflag:s23] =	ssyncset.done $0x0  }
0xeb: {  	[sflag:s23] =	ssyncadd.s32 $0xFFFFE000  }
0xec: {  	p2 =	sge.u32 s10, s6;
	_ =	swait.ge [sflag:s23], $0x80  }
0xed: {  	s12 =	sshra.s32 @!p2 s12, $0x2;
	s17 =	simm.s32 @!p2 $0x80;
	[sflag:s23] =	ssyncset.done $0x0  }
0xee: {  	s12 =	sadd.s32 @!p2 $0x2580, s12;
	s15 =	simm.s32 @!p2 $0xE300;
	[sflag:s23] =	ssyncadd.s32 $0xFFFFFF80  }
0xef: {  	[tilespmem:s15], [sflag:$0x2] =	stream.indirect.gather @!p2 [hbm4b:s5+s17], $0x40, s12, s17, $0xb8;
	[tilespmem:$0x1E580] =	vst v63  }
0xf0: {  	_ =	swait.ge [sflag:s29], $0x2000  }
0xf1: {  	s9 =	sadd.s32 $0x800, s9;
	s20 =	rddreg [dreg:$0x5]  }
0xf2: {  	p2 =	sne.s32 s20, s9  }
.Ltmp2:
0xf3: {  	_ = 	snop;
	(pc) =	sbr.rel @p2 .LBB2_4-.Ltmp2, $4  }
0xf4: {  	s14 =	sadd.s32 $0x2480, s13;
	[sflag:s29] =	ssyncset.done $0x0  }
0xf5: {  	s12 =	sadd.s32 $0x7480, s13;
	s19 =	rddreg [dreg:$0x7];
	[sflag:s29] =	ssyncadd.s32 $0xFFFFE000  }
0xf6: {  	[spmem:s0] =	stream.indirect.scatter.add.f32 [tilespmem:s19], [sflag:$0x8], $0x40, s12, s26, $0xb8;
	[tilespmem:$0x1E580] =	vst v63  }
0xf7: {  	s10 =	sadd.s32 $0x4, s10;
	s12 =	smov.u32 @p0 s14  }
.LBB2_5:
0xf8: {  	[spmem:s3] =	stream.indirect.scatter.add.f32 [tilespmem:s31], [sflag:$0x8], $0x1, s12, s26, $0xb8;
	[tilespmem:$0x1E580] =	vst v63  }
0xf9: {  	_ =	swait.ge [sflag:s1], $0x2000  }
0xfa: {  	[sflag:s1] =	ssyncset.done $0x0  }
0xfb: {  	[sflag:s1] =	ssyncadd.s32 $0xFFFFE000  }
0xfc: {  	_ =	swait.ge [sflag:s1], $0x80  }
0xfd: {  	[sflag:s1] =	ssyncset.done $0x0  }
0xfe: {  	[sflag:s1] =	ssyncadd.s32 $0xFFFFFF80  }
0xff: {  	_ =	swait.ge [sflag:s7], $0x2000  }
0x100: {  	[sflag:s7] =	ssyncset.done $0x0  }
0x101: {  	[sflag:s7] =	ssyncadd.s32 $0xFFFFE000  }
0x102: {  	_ =	swait.ge [sflag:s7], $0x80  }
0x103: {  	[sflag:s7] =	ssyncset.done $0x0  }
0x104: {  	s9 =	stileid.u32;
	[sflag:s7] =	ssyncadd.s32 $0xFFFFFF80  }
0x105: {  	s9 =	sshll.u32 s9, $0x6;
	[bflag:$0x0] =	sbarrier.arrive $0xFFFF  }
0x106: {  	s10 =	sshrl.u32 s11, $0x3;
	s9 =	sor.u32 $0x1C09, s9;
	s17 =	rddreg [dreg:$0x11]  }
0x107: {  	[hbm:s17], [sflag:s9] =	dma.local [spmem:s10], $0x1400  }
0x108: {  	_ =	swait.ge [sflag:s22], $0x1400  }
0x109: {  	[sflag:s22] =	ssyncset.done $0x0  }
0x10a: {  	s18 =	sshrl.u32 s16, $0x3;
	s19 =	rddreg [dreg:$0x12];
	[sflag:s22] =	ssyncadd.s32 $0xFFFFEC00  }
0x10b: {  	[hbm:s19], [sflag:s9] =	dma.local [spmem:s18], $0x50  }
0x10c: {  	_ =	swait.ge [sflag:s22], $0x50  }
0x10d: {  	s8 =	sadd.s32 $0x1, s8;
	s20 =	rddreg [dreg:$0x10]  }
0x10e: {  	p2 =	sne.s32 s8, s20  }
.Ltmp3:
0x10f: {  	_ = 	snop;
	(pc) =	sbr.rel @p2 .LBB2_1-.Ltmp3, $3  }
0x110: {  	_ =	sdelay $0x1  }
0x111: {  	[sflag:s22] =	ssyncset.done $0x0  }
0x112: {  	s13 =	simm.s32 $0x2300;
	[sflag:s22] =	ssyncadd.s32 $0xFFFFFFB0  }
0x113: {  	_ =	sfence.sel $0x180000  }
0x114: {  	[bflag:$0x0] =	sbarrier.arrive $0xFFFF  }
0x115: {  	_ =	strace $0x90000047  }
0x116: {  	[bflag:$0x2] =	sbarrier.arrive $0xFFFF  }
0x117: {  	s0 =	rddreg [dreg:$0x4]  }
0x118: {  	s0 =	sadd.s32 @!p1 $0x100000, s0  }
0x119: {  	[sflag:s0] =	ssyncadd.tile.s32 @!p1 $0x1;
	_ =	shalt  }
.Lfunc_end2:
_tile_overlayer_lowered:
.L_overlay_start_2:
0x11a: {  	(tag) =	ssettag $0x2  }
0x11b: {  	s0 =	rddreg [dreg:$0x0];
	s2 =	stileid.u32  }
0x11c: {  	s1 =	rddreg [dreg:$0x1];
	p0 =	sne.s32 s2, $0x0  }
0x11d: {  	s3 =	rddreg [dreg:$0x2];
	[bflag:$0x3] =	sbarrier.arrive $0xFFFF;
	s2 =	simm.s32 @!p0 $0x1C09  }
0x11e: {  	[timem:s3], [sflag:s2] =	dma.local @!p0 [hbm:s0], s1  }
0x11f: {  	s0 =	simm.s32 @!p0 $0x9  }
0x120: {  	_ =	swait.ge @!p0 [sflag:s0], s1  }
0x121: {  	s1 =	ssub.s32 @!p0 $0x0, s1;
	[sflag:s0] =	ssyncset.done @!p0 $0x0  }
0x122: {  	[sflag:s0] =	ssyncadd.s32 @!p0 s1  }
0x123: {  	[bflag:$0x3] =	sbarrier.arrive $0xFFFF  }
0x124: {  	_ =	shalt  }

// kernel: kernel.9.cloned.1.call-start
scs
__scs_entry_jumppad:
0x0: {  	(pc) =	sbr.rel $0x88, $3  }
0x1: {  	(tag) =	ssettag $0x0;
	lr =	simm.s32 $0x1  }
0x2: {  	[smem:$0x3F9D] =	sst lr;
	_ =	strace $0xD0000000  }
0x3: {  	_ = 	snop  }
0x4: {  	_ = 	snop  }
0x5: {  	_ = 	snop  }
0x6: {  	_ = 	snop  }
0x7: {  	_ = 	snop  }
__scs_overlays_trampoline_lowered:
0x8: {  	[smem:$0x3FAC] =	sst s0  }
0x9: {  	[smem:$0x3FAD] =	sst s1  }
0xa: {  	[smem:$0x3FAE] =	sst s2  }
0xb: {  	[smem:$0x3FAF] =	sst s3  }
0xc: {  	[smem:$0x3FB0] =	sst s4  }
0xd: {  	[smem:$0x3FB1] =	sst s5  }
0xe: {  	[smem:$0x3FB2] =	sst s6  }
0xf: {  	[smem:$0x3FB3] =	sst s7  }
0x10: {  	[smem:$0x3FB4] =	sst s8  }
0x11: {  	[smem:$0x3FB5] =	sst s9;
	s0 =	simm.s32 @!p0 $0x0  }
0x12: {  	s1 =	sld [smem:$0x3F9B];
	s0 =	simm.s32 @p0 $0x1  }
0x13: {  	[smem:$0x3FB6] =	sst s0;
	s0 =	simm.s32 @!p1 $0x0  }
0x14: {  	s2 =	sld [smem:$0x3F9A];
	s0 =	simm.s32 @p1 $0x1  }
0x15: {  	[smem:$0x3FB7] =	sst s0;
	s0 =	simm.s32 @!p2 $0x0  }
0x16: {  	s3 =	sld [smem:$0x3FDB];
	s0 =	simm.s32 @p2 $0x1  }
0x17: {  	s4 =	simm.s32 $0x1BF5;
	[smem:$0x3FB9] =	sst s0  }
0x18: {  	s0 =	sld [smem:$0x3F9C];
	_ =	swait.ge [sflag:s4], $0x0  }
0x19: {  	s7 =	sld [smem:$0x3F9D]  }
0x1a: {  	s8 =	sadd.s32 $0xFFFFE003, lr  }
0x1b: {  	s9 =	sadd.s32 $0xFFFFFEF7, lr;
	s5 =	simm.s32 $0xFFFFFFFF;
	p2 =	slt.u32 s8, $0xFFFFF086  }
0x1c: {  	p1 =	slt.u32 s9, $0xF7A;
	s5 =	simm.s32 @!p2 $0x0  }
0x1d: {  	s5 =	simm.s32 @p1 $0x1;
	p0 =	seq.s32 s7, s2  }
0x1e: {  	s7 =	smul.u32 @!p0 $0xF7A, s2;
	p2 =	seq.s32 @!p0 s5, $0x0  }
0x1f: {  	s9 =	smul.u32 $0xF7A, s1;
	s8 =	simm.s32 @!p0 $0x1BF5;
	p2 =	por !p2, p0  }
0x20: {  	[sflag:s8] =	ssyncset.s32 @!p0 $0xFFFFF086;
	s6 =	sadd.s32 @!p0 s3, s7;
	s7 =	simm.s32 @!p0 $0x108  }
0x21: {  	s3 =	sadd.s32 s3, s9;
	s6 =	sadd.s32 @!p0 $0x88, s6;
	s7 =	simm.s32 @p2 $0x1082  }
0x22: {  	[simem:s7], [sflag:s8] =	dma.local @!p0 [hbm:s6], $0xF7A  }
0x23: {  	s9 =	sor.u32 $0xD0000000, s2;
	s6 =	simm.s32 $0x108;
	_ =	swait.ge @!p0 [sflag:s8], $0x0  }
0x24: {  	s3 =	sadd.s32 $0x88, s3;
	s6 =	simm.s32 @!p1 $0x1082;
	[sflag:s4] =	ssyncset.s32 $0xFFFFF086  }
0x25: {  	[simem:s6], [sflag:s4] =	dma.local [hbm:s3], $0xF7A  }
0x26: {  	[smem:$0x3F9D] =	sst s1;
	(tag) =	ssettag s2;
	_ =	strace s9  }
0x27: {  	s1 =	sld [smem:$0x3FAD]  }
0x28: {  	s2 =	sld [smem:$0x3FAE]  }
0x29: {  	s4 =	sld [smem:$0x3FB0]  }
0x2a: {  	p0 =	seq.s32 s5, $0x0;
	s5 =	sld [smem:$0x3FB1]  }
0x2b: {  	s6 =	sld [smem:$0x3FB2]  }
0x2c: {  	s7 =	sld [smem:$0x3FB3]  }
0x2d: {  	s3 =	simm.s32 $0x108;
	s8 =	sld [smem:$0x3FB4]  }
0x2e: {  	s3 =	simm.s32 @!p0 $0x1082;
	s9 =	sld [smem:$0x3FB5]  }
0x2f: {  	lr =	sadd.s32 s0, s3;
	s0 =	sld [smem:$0x3FAC]  }
0x30: {  	s3 =	sld [smem:$0x3FAF]  }
0x31: {  	[smem:$0x3FB8] =	sst s10  }
0x32: {  	s10 =	sld [smem:$0x3FB6];
	_ =	sdelay $0x3  }
0x33: {  	p0 =	seq.s32 s10, $0x1;
	s10 =	sld [smem:$0x3FB8];
	_ =	sdelay $0x3  }
0x34: {  	[smem:$0x3FB8] =	sst s10  }
0x35: {  	s10 =	sld [smem:$0x3FB7];
	_ =	sdelay $0x3  }
0x36: {  	p1 =	seq.s32 s10, $0x1;
	s10 =	sld [smem:$0x3FB8];
	_ =	sdelay $0x3  }
0x37: {  	[smem:$0x3FB8] =	sst s10  }
0x38: {  	s10 =	sld [smem:$0x3FB9]  }
0x39: {  	_ = 	snop;
	(pc) =	sbr.ind lr, $3  }
0x3a: {  	_ = 	snop  }
0x3b: {  	_ = 	snop  }
0x3c: {  	p2 =	seq.s32 s10, $0x1;
	s10 =	sld [smem:$0x3FB8]  }
0x3d: {  	_ =	shalt  }
0x3e: {  	_ =	shalt  }
0x3f: {  	_ =	shalt  }
0x40: {  	_ =	shalt  }
0x41: {  	_ =	shalt  }
0x42: {  	_ =	shalt  }
0x43: {  	_ =	shalt  }
0x44: {  	_ =	shalt  }
0x45: {  	_ =	shalt  }
0x46: {  	_ =	shalt  }
0x47: {  	_ =	shalt  }
0x48: {  	_ =	shalt  }
0x49: {  	_ =	shalt  }
0x4a: {  	_ =	shalt  }
0x4b: {  	_ =	shalt  }
0x4c: {  	_ =	shalt  }
0x4d: {  	_ =	shalt  }
0x4e: {  	_ =	shalt  }
0x4f: {  	_ =	shalt  }
0x50: {  	_ =	shalt  }
0x51: {  	_ =	shalt  }
0x52: {  	_ =	shalt  }
0x53: {  	_ =	shalt  }
0x54: {  	_ =	shalt  }
0x55: {  	_ =	shalt  }
0x56: {  	_ =	shalt  }
0x57: {  	_ =	shalt  }
0x58: {  	_ =	shalt  }
0x59: {  	_ =	shalt  }
0x5a: {  	_ =	shalt  }
0x5b: {  	_ =	shalt  }
0x5c: {  	_ =	shalt  }
0x5d: {  	_ =	shalt  }
0x5e: {  	_ =	shalt  }
0x5f: {  	_ =	shalt  }
0x60: {  	_ =	shalt  }
0x61: {  	_ =	shalt  }
0x62: {  	_ =	shalt  }
0x63: {  	_ =	shalt  }
0x64: {  	_ =	shalt  }
0x65: {  	_ =	shalt  }
0x66: {  	_ =	shalt  }
0x67: {  	_ =	shalt  }
0x68: {  	_ =	shalt  }
0x69: {  	_ =	shalt  }
0x6a: {  	_ =	shalt  }
0x6b: {  	_ =	shalt  }
0x6c: {  	_ =	shalt  }
0x6d: {  	_ =	shalt  }
0x6e: {  	_ =	shalt  }
0x6f: {  	_ =	shalt  }
0x70: {  	_ =	shalt  }
0x71: {  	_ =	shalt  }
0x72: {  	_ =	shalt  }
0x73: {  	_ =	shalt  }
0x74: {  	_ =	shalt  }
0x75: {  	_ =	shalt  }
0x76: {  	_ =	shalt  }
0x77: {  	_ =	shalt  }
0x78: {  	_ =	shalt  }
0x79: {  	_ =	shalt  }
0x7a: {  	_ =	shalt  }
0x7b: {  	_ =	shalt  }
0x7c: {  	_ =	shalt  }
0x7d: {  	_ =	shalt  }
0x7e: {  	_ =	shalt  }
0x7f: {  	_ =	shalt  }
0x80: {  	_ =	shalt  }
0x81: {  	_ =	shalt  }
0x82: {  	_ =	shalt  }
0x83: {  	_ =	shalt  }
0x84: {  	_ =	shalt  }
0x85: {  	_ =	shalt  }
0x86: {  	_ =	shalt  }
0x87: {  	_ =	shalt  }
.Lfunc_end0:
.L_simem_size_0:
called_computation.1_lowered:
.L_overlay_start_0:
0x88: {  	s2 =	sld [smem:$0x3FD9]  }
0x89: {  	s3 =	sld [smem:$0x3FFE];
	_ =	sdelay $0x1  }
0x8a: {  	s1 =	srdreg.scid  }
0x8b: {  	s0 =	sand.u32 $0x1, s1  }
0x8c: {  	s17 =	sshll.u32 s0, $0xA;
	s2 =	sadd.s32 s3, s2  }
0x8d: {  	s2 =	sadd.s32 s2, s17  }
0x8e: {  	[smem:$0x3FC4] =	sst s2  }
0x8f: {  	_ = 	snop  }
0x90: {  	s2 =	sld [smem:$0x3FD0];
	(tm) =	ssettm $0x1  }
0x91: {  	s18 =	sld [smem:$0x3FFB];
	_ =	sdelay $0x3  }
0x92: {  	_ =	strace s18  }
0x93: {  	s3 =	sld [smem:$0x3FFC];
	_ =	sdelay $0x3  }
0x94: {  	_ =	strace s3  }
0x95: {  	s3 =	sld [smem:$0x3FFD];
	_ =	sdelay $0x3  }
0x96: {  	_ =	strace s3  }
0x97: {  	_ =	strace $0x8FFFFFFF  }
0x98: {  	s19 =	sld [smem:$0x3FDB];
	_ =	sdelay $0x1  }
0x99: {  	s4 =	simm.s32 $_scs_section_size  }
0x9a: {  	s5 =	simm.s32 $_size__tile_overlayer_lowered;
	s6 =	simm.s32 $_tile_overlayer_lowered  }
0x9b: {  	s22 =	simm.s32 $0x1BFF;
	s21 =	sshll.u32 s6, $0x1;
	s3 =	sadd.s32 s4, s19  }
0x9c: {  	s7 =	simm.s32 $0x0;
	s20 =	sshll.u32 s5, $0x1;
	s5 =	sadd.s32 s21, s3  }
0x9d: {  	[timem:s7], [sflag:s22] =	dma.local [hbm:s5], s20  }
0x9e: {  	_ =	swait.ge [sflag:s22], s20  }
0x9f: {  	s4 =	ssub.s32 $0x0, s20;
	[sflag:s22] =	ssyncset.done $0x0  }
0xa0: {  	[sflag:s22] =	ssyncadd.s32 s4;
	_ =	sdelay $0x1  }
0xa1: {  	s23 =	simm.s32 $0x1B8B  }
0xa2: {  	_ =	swait.ge [sflag:s23], $0x1  }
0xa3: {  	[sflag:s23] =	ssyncset.done $0x0  }
0xa4: {  	s25 =	simm.s32 $0x1B8E;
	s24 =	sld [smem:$0x3FFE];
	[sflag:s23] =	ssyncadd.s32 $0xFFFFFFFF  }
0xa5: {  	s26 =	simm.s32 $execute0_lowered;
	[smem:$0x3FD2] =	sst s25  }
0xa6: {  	s5 =	sshll.u32 s26, $0x1;
	_ =	strace $0x80000049;
	[dreg:$0x1] =	wrdreg $0xFFFFFFFF  }
0xa7: {  	s28 =	simm.s32 $_size_execute0_lowered;
	s3 =	sadd.s32 s3, s5;
	[dreg:$0x0] =	wrdreg $0x0  }
0xa8: {  	s5 =	sshll.u32 s28, $0x1;
	[dreg:$0x2] =	wrdreg s3  }
0xa9: {  	[dreg:$0x3] =	wrdreg s5  }
0xaa: {  	[dreg:$0x4] =	wrdreg $0xC0  }
0xab: {  	_ =	task [dreg:s7], $0x5FFFF  }
0xac: {  	[dreg:$0x1] =	wrdreg $0xFFFFFFFF  }
0xad: {  	[dreg:$0x0] =	wrdreg $0x60  }
0xae: {  	[dreg:$0x2] =	wrdreg s24  }
0xaf: {  	[dreg:$0x3] =	wrdreg s2  }
0xb0: {  	[dreg:$0x4] =	wrdreg $0x140000  }
0xb1: {  	[dreg:$0x5] =	wrdreg $0x9  }
0xb2: {  	_ =	task.clear_ibuf [dreg:s7], $0x6FFFF;
	_ =	strace $0x90000049  }
0xb3: {  	s29 =	simm.s32 $0x9;
	_ =	strace $0x8000004B  }
0xb4: {  	_ =	swait.ge [sflag:s29], $0x1  }
0xb5: {  	[sflag:s29] =	ssyncadd.s32 $0xFFFFFFFF  }
0xb6: {  	_ =	strace $0x9000004B  }
0xb7: {  	_ =	sfence  }
0xb8: {  	s30 =	sld [smem:$0x0];
	_ =	sdelay $0x2  }
0xb9: {  	s31 =	sshll.u32 s1, $0xD;
	s1 =	sshrl.u32 s1, $0x2  }
0xba: {  	s3 =	sand.u32 $0x4000, s31;
	s1 =	sadd.s32 s1, s30  }
0xbb: {  	s0 =	sor.u32 s3, s0;
	s1 =	sshll.u32 s1, $0x11  }
0xbc: {  	s0 =	sor.u32 s1, s0  }
0xbd: {  	s0 =	sadd.s32 $0x8F2B, s0  }
0xbe: {  	[sflag:s0] =	ssyncadd.remote.s32 $0x1  }
0xbf: {  	_ =	sfence.sel $0xFFFF  }
0xc0: {  	[dreg:$0x0] =	wrdreg $0xFFFFFFFF;
	(pc) =	sbr.abs _section_cstart, $3  }
0xc1: {  	[dreg:$0x1] =	wrdreg $0xFFFFFFFF  }
0xc2: {  	_ =	task.clear_ibuf [dreg:s7], $0x2FFFF;
	_ =	strace $0x9FFFFFFF  }
0xc3: {  	(tm) =	ssettm $0x7FFFFFFF  }
tec
execute0_lowered:
.L_overlay_start_1:
0x0: {  	(tag) =	ssettag $0x1  }
0x1: {  	s0 =	rddreg [dreg:$0x0]  }
0x2: {  	s2 =	rddreg [dreg:$0x1]  }
0x3: {  	s1 =	rddreg [dreg:$0x2];
	s11 =	stileid.u32;
	s4 =	simm.s32 $0x0  }
0x4: {  	s3 =	simm.s32 $0x0;
	s17 =	srdreg.scid;
	s28 =	simm.s32 $0x10000  }
0x5: {  	s30 =	simm.s32 $0x12000;
	s29 =	simm.s32 $0x6;
	s31 =	simm.s32 $0x7  }
0x6: {  	p0 =	seq.s32 s11, $0x0;
	s5 =	smul.u32 $0x4E00, s11;
	[smem:$0x7FF] =	sst s3  }
0x7: {  	s6 =	sand.u32 $0x1, s17;
	s8 =	sadd.s32 $0x51C00, s0;
	s18 =	smul.u32 $0x28000, s11  }
0x8: {  	s16 =	sadd.s32 $0x2200, s0;
	s17 =	smul.u32 $0xA000, s11;
	s19 =	sadd.s32 $0x33C00, s0  }
0x9: {  	s4 =	simm.s32 @!p0 $0x200;
	_ =	strace $0x8000004A;
	[dreg:$0x7] =	wrdreg s19  }
0xa: {  	s19 =	simm.s32 $0x9;
	s4 =	sadd.s32 s5, s4;
	s5 =	ssub.s32 $0x2, s6  }
0xb: {  	s20 =	sshrl.u32 s18, $0x2;
	s24 =	sshrl.u32 s17, $0x3;
	s18 =	simm.s32 $0x7000  }
0xc: {  	s4 =	sshrl.u32 s4, $0x3;
	s9 =	sshrl.u32 s5, $0x1;
	s21 =	sadd.s32 s20, s1  }
0xd: {  	s20 =	simm.s32 $0x1;
	s7 =	sadd.s32 s4, s0;
	s4 =	sadd.s32 $0x3D000, s0  }
0xe: {  	s15 =	ssub.s32 s5, s9;
	s5 =	simm.s32 $0xA0;
	s0 =	sadd.s32 $0x29FC0, s0  }
0xf: {  	s22 =	sadd.s32 $0x4000, s21;
	s23 =	sadd.s32 $0x6000, s21;
	[dreg:$0x8] =	wrdreg s0  }
0x10: {  	s14 =	sadd.s32 $0x8000, s21;
	s5 =	simm.s32 @!p0 $0x9C;
	[dreg:$0xa] =	wrdreg s22  }
0x11: {  	s10 =	sadd.s32 $0x33240, s7;
	s7 =	sadd.s32 $0x29600, s7;
	[dreg:$0xb] =	wrdreg s23  }
0x12: {  	p0 =	seq.s32 s6, $0x0;
	s15 =	smax.u32 s15, $0x1;
	s22 =	simm.s32 $0x80  }
0x13: {  	s23 =	simm.s32 $0xC000;
	s0 =	simm.s32 $0x5;
	[dreg:$0x5] =	wrdreg s10  }
0x14: {  	s6 =	simm.s32 $0x0;
	[dreg:$0x6] =	wrdreg s7;
	s10 =	sadd.s32 s17, s1  }
0x15: {  	s7 =	sadd.s32 $0x2000, s21;
	s16 =	smov.u32 @p0 s8;
	s25 =	sshll.u32 s5, $0x9  }
0x16: {  	s4 =	smov.u32 @p0 s2;
	p0 =	sne.s32 s11, $0x0;
	s17 =	simm.s32 $0x2000  }
0x17: {  	s21 =	simm.s32 $0x2;
	s2 =	simm.s32 $0x4;
	[dreg:$0x9] =	wrdreg s7  }
0x18: {  	s16 =	sadd.s32 s16, s24;
	s26 =	sadd.s32 $0xFFFFF800, s25;
	s25 =	simm.s32 $0xE000  }
0x19: {  	v0 =	vimm.f32 $0.0e+00;
	s24 =	simm.s32 $0x3;
	[dreg:$0x4] =	wrdreg s26;
	s26 =	simm.s32 $0x8  }
.LBB2_1:
0x1a: {  	s7 =	rddreg [dreg:$0x5]  }
0x1b: {  	[tilespmem:s17], [sflag:$0x1] =	stream.linear.gather [hbm4b:s7+s3], $0x4E00, $0x38;
	[tilespmem:$0x1E000] =	vst v63  }
0x1c: {  	s13 =	rddreg [dreg:$0x6]  }
0x1d: {  	[tilespmem:s18], [sflag:$0x2] =	stream.linear.gather [hbm4b:s13+s3], $0x4E00, $0x38;
	[tilespmem:$0x1E000] =	vst v63  }
0x1e: {  	s8 =	simm.s32 @!p0 $0x6E00;
	s9 =	rddreg [dreg:$0x7];
	s7 =	simm.s32 @!p0 $0x0  }
0x1f: {  	[tilespmem:s8], [sflag:$0x3] =	stream.linear.gather @!p0 [hbm4b:s9+s7], $0x200, $0x38;
	[tilespmem:$0x1E000] =	vst v63  }
0x20: {  	s8 =	simm.s32 @!p0 $0xBE00;
	s9 =	rddreg [dreg:$0x8]  }
0x21: {  	[tilespmem:s8], [sflag:$0x4] =	stream.linear.gather @!p0 [hbm4b:s9+s7], $0x200, $0x38;
	[tilespmem:$0x1E000] =	vst v63  }
0x22: {  	s8 =	simm.s32 $0x100;
	s7 =	simm.s32 $0x0  }
.LBB2_2:
0x23: {  	p1 =	sne.s32 s8, $0x7F00;
	[tilespmem:s7+$0x30] =	vst v0;
	s9 =	smov.u32 s8;
	s8 =	sadd.s32 $0x100, s8  }
.Ltmp0:
0x24: {  	[tilespmem:s7+$0x20] =	vst v0;
	(pc) =	sbr.rel @p1 .LBB2_2-.Ltmp0, $3  }
0x25: {  	[tilespmem:s7+$0x0] =	vst v0  }
0x26: {  	[tilespmem:s7+$0x10] =	vst v0;
	_ =	sdelay $0x1  }
0x27: {  	s7 =	sshra.s32 s9, $0x2  }
0x28: {  	[tilespmem:s7+$0x30] =	vst v0  }
0x29: {  	[tilespmem:s7+$0x20] =	vst v0  }
0x2a: {  	[tilespmem:s7+$0x0] =	vst v0  }
0x2b: {  	[tilespmem:s7+$0x10] =	vst v0  }
0x2c: {  	[spmem:s10] =	stream.linear.scatter [tilespmem:s3], [sflag:$0x9], $0x2000, $0x38;
	[tilespmem:$0x1E000] =	vst v63  }
0x2d: {  	_ =	swait.ge [sflag:s19], $0x2000  }
0x2e: {  	[sflag:s19] =	ssyncset.done $0x0  }
0x2f: {  	s13 =	rddreg [dreg:$0x9];
	[sflag:s19] =	ssyncadd.s32 $0xFFFFE000  }
0x30: {  	[spmem:s13] =	stream.linear.scatter [tilespmem:s3], [sflag:$0x9], $0x2000, $0x38;
	[tilespmem:$0x1E000] =	vst v63  }
0x31: {  	_ =	swait.ge [sflag:s19], $0x2000  }
0x32: {  	[sflag:s19] =	ssyncset.done $0x0  }
0x33: {  	s8 =	rddreg [dreg:$0xa];
	[sflag:s19] =	ssyncadd.s32 $0xFFFFE000  }
0x34: {  	[spmem:s8] =	stream.linear.scatter [tilespmem:s3], [sflag:$0x9], $0x2000, $0x38;
	[tilespmem:$0x1E000] =	vst v63  }
0x35: {  	_ =	swait.ge [sflag:s19], $0x2000  }
0x36: {  	[sflag:s19] =	ssyncset.done $0x0  }
0x37: {  	s9 =	rddreg [dreg:$0xb];
	[sflag:s19] =	ssyncadd.s32 $0xFFFFE000  }
0x38: {  	[spmem:s9] =	stream.linear.scatter [tilespmem:s3], [sflag:$0x9], $0x2000, $0x38;
	[tilespmem:$0x1E000] =	vst v63  }
0x39: {  	_ =	swait.ge [sflag:s19], $0x2000  }
0x3a: {  	[sflag:s19] =	ssyncset.done $0x0  }
0x3b: {  	[sflag:s19] =	ssyncadd.s32 $0xFFFFE000  }
0x3c: {  	[spmem:s14] =	stream.linear.scatter [tilespmem:s3], [sflag:$0x9], $0x2000, $0x38;
	[tilespmem:$0x1E000] =	vst v63  }
0x3d: {  	_ =	swait.ge [sflag:s19], $0x2000  }
0x3e: {  	[sflag:s19] =	ssyncset.done $0x0  }
0x3f: {  	[sflag:s19] =	ssyncadd.s32 $0xFFFFE000  }
0x40: {  	_ =	swait.ge [sflag:s20], $0x4E00  }
0x41: {  	[sflag:s20] =	ssyncset.done $0x0  }
0x42: {  	[sflag:s20] =	ssyncadd.s32 $0xFFFFB200  }
0x43: {  	_ =	swait.ge [sflag:s21], $0x4E00  }
0x44: {  	[sflag:s21] =	ssyncset.done $0x0  }
0x45: {  	s7 =	simm.s32 @!p0 $0x3;
	[sflag:s21] =	ssyncadd.s32 $0xFFFFB200  }
0x46: {  	_ =	swait.ge @!p0 [sflag:s7], $0x200  }
0x47: {  	[sflag:s7] =	ssyncset.done @!p0 $0x0  }
0x48: {  	[sflag:s7] =	ssyncadd.s32 @!p0 $0xFFFFFE00;
	s7 =	simm.s32 @!p0 $0x4  }
0x49: {  	_ =	swait.ge @!p0 [sflag:s7], $0x200  }
0x4a: {  	[sflag:s7] =	ssyncset.done @!p0 $0x0  }
0x4b: {  	[sflag:s7] =	ssyncadd.s32 @!p0 $0xFFFFFE00  }
0x4c: {  	[bflag:$0x0] =	sbarrier.arrive $0xFFFF  }
0x4d: {  	[tilespmem:s23], [sflag:$0x1] =	stream.indirect.gather [hbm4b:s4+s22], $0x40, s17, s22, $0xb8;
	[tilespmem:$0x1E000] =	vst v63  }
0x4e: {  	s11 =	simm.s32 $0x2080  }
0x4f: {  	[tilespmem:s25], [sflag:$0x2] =	stream.indirect.gather [hbm4b:s4+s22], $0x40, s11, s22, $0xb8;
	[tilespmem:$0x1E000] =	vst v63  }
0x50: {  	s12 =	simm.s32 $0x2100  }
0x51: {  	[tilespmem:s28], [sflag:$0x3] =	stream.indirect.gather [hbm4b:s4+s22], $0x40, s12, s22, $0xb8;
	[tilespmem:$0x1E000] =	vst v63  }
0x52: {  	_ =	swait.ge [sflag:s20], $0x2000  }
0x53: {  	[sflag:s20] =	ssyncset.done $0x0  }
0x54: {  	[sflag:s20] =	ssyncadd.s32 $0xFFFFE000  }
0x55: {  	[spmem:s1] =	stream.indirect.scatter.add.f32 [tilespmem:s23], [sflag:$0x5], $0x40, s18, s22, $0xb8;
	[tilespmem:$0x1E000] =	vst v63  }
0x56: {  	s13 =	simm.s32 $0x2180  }
0x57: {  	[tilespmem:s30], [sflag:$0x4] =	stream.indirect.gather [hbm4b:s4+s22], $0x40, s13, s22, $0xb8;
	[tilespmem:$0x1E000] =	vst v63  }
0x58: {  	_ =	swait.ge [sflag:s21], $0x2000  }
0x59: {  	[sflag:s21] =	ssyncset.done $0x0  }
0x5a: {  	s8 =	simm.s32 $0x7080;
	[sflag:s21] =	ssyncadd.s32 $0xFFFFE000  }
0x5b: {  	[spmem:s1] =	stream.indirect.scatter.add.f32 [tilespmem:s25], [sflag:$0x6], $0x40, s8, s22, $0xb8;
	[tilespmem:$0x1E000] =	vst v63  }
0x5c: {  	_ =	swait.ge [sflag:s0], $0x2000  }
0x5d: {  	[sflag:s0] =	ssyncset.done $0x0  }
0x5e: {  	s9 =	simm.s32 $0x2200;
	[sflag:s0] =	ssyncadd.s32 $0xFFFFE000  }
0x5f: {  	[tilespmem:s23], [sflag:$0x1] =	stream.indirect.gather [hbm4b:s4+s22], $0x40, s9, s22, $0xb8;
	[tilespmem:$0x1E000] =	vst v63  }
0x60: {  	_ =	swait.ge [sflag:s24], $0x2000  }
0x61: {  	[sflag:s24] =	ssyncset.done $0x0  }
0x62: {  	s11 =	simm.s32 $0x7100;
	[sflag:s24] =	ssyncadd.s32 $0xFFFFE000  }
0x63: {  	[spmem:s1] =	stream.indirect.scatter.add.f32 [tilespmem:s28], [sflag:$0x7], $0x40, s11, s22, $0xb8;
	[tilespmem:$0x1E000] =	vst v63  }
0x64: {  	_ =	swait.ge [sflag:s29], $0x2000  }
0x65: {  	[sflag:s29] =	ssyncset.done $0x0  }
0x66: {  	s12 =	simm.s32 $0x2280;
	[sflag:s29] =	ssyncadd.s32 $0xFFFFE000  }
0x67: {  	[tilespmem:s25], [sflag:$0x2] =	stream.indirect.gather [hbm4b:s4+s22], $0x40, s12, s22, $0xb8;
	[tilespmem:$0x1E000] =	vst v63  }
0x68: {  	_ =	swait.ge [sflag:s2], $0x2000  }
0x69: {  	s7 =	simm.s32 $0x0;
	[sflag:s2] =	ssyncset.done $0x0  }
0x6a: {  	s13 =	simm.s32 $0x7180;
	s8 =	simm.s32 $0x9;
	[sflag:s2] =	ssyncadd.s32 $0xFFFFE000  }
0x6b: {  	[spmem:s1] =	stream.indirect.scatter.add.f32 [tilespmem:s30], [sflag:$0x8], $0x40, s13, s22, $0xb8;
	[tilespmem:$0x1E000] =	vst v63  }
.LBB2_4:
0x6c: {  	_ =	swait.ge [sflag:s31], $0x2000;
	s9 =	sadd.s32 $0xFFFFFFFD, s8  }
0x6d: {  	[sflag:s31] =	ssyncset.done $0x0;
	p1 =	sge.u32 s9, s5  }
0x6e: {  	[sflag:s31] =	ssyncadd.s32 $0xFFFFE000;
	s9 =	sshra.s32 @!p1 s7, $0x2  }
0x6f: {  	s11 =	simm.s32 @!p1 $0x80;
	s12 =	simm.s32 @!p1 $0x10000;
	s9 =	sadd.s32 @!p1 $0x2300, s9  }
0x70: {  	[tilespmem:s12], [sflag:$0x3] =	stream.indirect.gather @!p1 [hbm4b:s4+s11], $0x40, s9, s11, $0xb8;
	[tilespmem:$0x1E000] =	vst v63  }
0x71: {  	_ =	swait.ge [sflag:s20], $0x2000  }
0x72: {  	s9 =	sshra.s32 s7, $0x2;
	[sflag:s20] =	ssyncset.done $0x0  }
0x73: {  	s13 =	sadd.s32 $0xFFFFFFFE, s8;
	s12 =	sadd.s32 $0x7200, s9;
	[sflag:s20] =	ssyncadd.s32 $0xFFFFE000  }
0x74: {  	[spmem:s1] =	stream.indirect.scatter.add.f32 [tilespmem:s23], [sflag:$0x5], $0x40, s12, s22, $0xb8;
	[tilespmem:$0x1E000] =	vst v63  }
0x75: {  	p1 =	sge.u32 s13, s5;
	_ =	swait.ge [sflag:s26], $0x2000  }
0x76: {  	s11 =	sshra.s32 @!p1 s7, $0x2;
	s13 =	simm.s32 @!p1 $0x12000;
	[sflag:s26] =	ssyncset.done $0x0  }
0x77: {  	s11 =	sadd.s32 @!p1 $0x2380, s11;
	s12 =	simm.s32 @!p1 $0x80;
	[sflag:s26] =	ssyncadd.s32 $0xFFFFE000  }
0x78: {  	[tilespmem:s13], [sflag:$0x4] =	stream.indirect.gather @!p1 [hbm4b:s4+s12], $0x40, s11, s12, $0xb8;
	[tilespmem:$0x1E000] =	vst v63  }
0x79: {  	_ =	swait.ge [sflag:s21], $0x2000  }
0x7a: {  	[sflag:s21] =	ssyncset.done $0x0  }
0x7b: {  	s12 =	sadd.s32 $0x7280, s9;
	s13 =	sadd.s32 $0xFFFFFFFF, s8;
	[sflag:s21] =	ssyncadd.s32 $0xFFFFE000  }
0x7c: {  	[spmem:s1] =	stream.indirect.scatter.add.f32 [tilespmem:s25], [sflag:$0x6], $0x40, s12, s22, $0xb8;
	[tilespmem:$0x1E000] =	vst v63  }
0x7d: {  	p1 =	sge.u32 s13, s5;
	_ =	swait.ge [sflag:s0], $0x2000  }
0x7e: {  	s11 =	sshra.s32 @!p1 s7, $0x2;
	s13 =	simm.s32 @!p1 $0xC000;
	[sflag:s0] =	ssyncset.done $0x0  }
0x7f: {  	s11 =	sadd.s32 @!p1 $0x2400, s11;
	s12 =	simm.s32 @!p1 $0x80;
	[sflag:s0] =	ssyncadd.s32 $0xFFFFE000  }
0x80: {  	[tilespmem:s13], [sflag:$0x1] =	stream.indirect.gather @!p1 [hbm4b:s4+s12], $0x40, s11, s12, $0xb8;
	[tilespmem:$0x1E000] =	vst v63  }
0x81: {  	_ =	swait.ge [sflag:s24], $0x2000  }
0x82: {  	[sflag:s24] =	ssyncset.done $0x0  }
0x83: {  	s12 =	sadd.s32 $0x7300, s9;
	[sflag:s24] =	ssyncadd.s32 $0xFFFFE000  }
0x84: {  	[spmem:s1] =	stream.indirect.scatter.add.f32 [tilespmem:s28], [sflag:$0x7], $0x40, s12, s22, $0xb8;
	[tilespmem:$0x1E000] =	vst v63  }
0x85: {  	p1 =	sge.u32 s8, s5;
	_ =	swait.ge [sflag:s29], $0x2000  }
0x86: {  	s11 =	sshra.s32 @!p1 s7, $0x2;
	s13 =	simm.s32 @!p1 $0xE000;
	[sflag:s29] =	ssyncset.done $0x0  }
0x87: {  	s11 =	sadd.s32 @!p1 $0x2480, s11;
	s12 =	simm.s32 @!p1 $0x80;
	[sflag:s29] =	ssyncadd.s32 $0xFFFFE000  }
0x88: {  	[tilespmem:s13], [sflag:$0x2] =	stream.indirect.gather @!p1 [hbm4b:s4+s12], $0x40, s11, s12, $0xb8;
	[tilespmem:$0x1E000] =	vst v63  }
0x89: {  	_ =	swait.ge [sflag:s2], $0x2000  }
0x8a: {  	s7 =	sadd.s32 $0x800, s7;
	s13 =	rddreg [dreg:$0x4]  }
0x8b: {  	p1 =	sne.s32 s13, s7  }
.Ltmp1:
0x8c: {  	_ = 	snop;
	(pc) =	sbr.rel @p1 .LBB2_4-.Ltmp1, $4  }
0x8d: {  	_ = 	snop  }
0x8e: {  	[sflag:s2] =	ssyncset.done $0x0  }
0x8f: {  	s9 =	sadd.s32 $0x7380, s9;
	s8 =	sadd.s32 $0x4, s8;
	[sflag:s2] =	ssyncadd.s32 $0xFFFFE000  }
0x90: {  	[spmem:s1] =	stream.indirect.scatter.add.f32 [tilespmem:s30], [sflag:$0x8], $0x40, s9, s22, $0xb8;
	[tilespmem:$0x1E000] =	vst v63  }
0x91: {  	_ =	swait.ge [sflag:s31], $0x2000  }
0x92: {  	[sflag:s31] =	ssyncset.done $0x0  }
0x93: {  	[sflag:s31] =	ssyncadd.s32 $0xFFFFE000  }
0x94: {  	s7 =	stileid.u32;
	_ =	swait.ge [sflag:s26], $0x2000  }
0x95: {  	s8 =	sshrl.u32 s10, $0x3;
	s6 =	sadd.s32 $0x1, s6;
	[sflag:s26] =	ssyncset.done $0x0  }
0x96: {  	s7 =	sshll.u32 s7, $0x6;
	p1 =	sne.s32 s6, s15;
	[sflag:s26] =	ssyncadd.s32 $0xFFFFE000  }
.Ltmp2:
0x97: {  	s7 =	sor.u32 $0x1C09, s7;
	[bflag:$0x0] =	sbarrier.arrive $0xFFFF;
	(pc) =	sbr.rel @p1 .LBB2_1-.Ltmp2, $4  }
0x98: {  	[hbm:s16], [sflag:s7] =	dma.local [spmem:s8], $0x1400  }
0x99: {  	_ =	swait.ge [sflag:s19], $0x1400  }
0x9a: {  	[sflag:s19] =	ssyncset.done $0x0  }
0x9b: {  	[sflag:s19] =	ssyncadd.s32 $0xFFFFEC00  }
0x9c: {  	_ =	sfence.sel $0x180000  }
0x9d: {  	[bflag:$0x0] =	sbarrier.arrive $0xFFFF  }
0x9e: {  	_ =	strace $0x9000004A  }
0x9f: {  	[bflag:$0x2] =	sbarrier.arrive $0xFFFF  }
0xa0: {  	s0 =	rddreg [dreg:$0x3]  }
0xa1: {  	s0 =	sadd.s32 @!p0 $0x100000, s0  }
0xa2: {  	[sflag:s0] =	ssyncadd.tile.s32 @!p0 $0x1;
	_ =	shalt  }
.Lfunc_end2:
_tile_overlayer_lowered:
.L_overlay_start_2:
0xa3: {  	(tag) =	ssettag $0x2  }
0xa4: {  	s0 =	rddreg [dreg:$0x0];
	s2 =	stileid.u32  }
0xa5: {  	s1 =	rddreg [dreg:$0x1];
	p0 =	sne.s32 s2, $0x0  }
0xa6: {  	s3 =	rddreg [dreg:$0x2];
	[bflag:$0x3] =	sbarrier.arrive $0xFFFF;
	s2 =	simm.s32 @!p0 $0x1C09  }
0xa7: {  	[timem:s3], [sflag:s2] =	dma.local @!p0 [hbm:s0], s1  }
0xa8: {  	s0 =	simm.s32 @!p0 $0x9  }
0xa9: {  	_ =	swait.ge @!p0 [sflag:s0], s1  }
0xaa: {  	s1 =	ssub.s32 @!p0 $0x0, s1;
	[sflag:s0] =	ssyncset.done @!p0 $0x0  }
0xab: {  	[sflag:s0] =	ssyncadd.s32 @!p0 s1  }
0xac: {  	[bflag:$0x3] =	sbarrier.arrive $0xFFFF  }
0xad: {  	_ =	shalt  }

</sc_bundles>
